<compile_context>
chip_gen: v7x
topology: tpu7x:2x2x1
jax: 0.10.2.dev20260603
libtpu: 0.0.44.dev20260713+nightly
codegen_flags: <defaults>
</compile_context>

<pallas_src>
import functools

import jax
import jax.numpy as jnp
from jax import lax
from jax.experimental import pallas as pl
from jax.experimental.pallas import tpu as pltpu
from jax.experimental.pallas import tpu_sc as plsc

CB = 8
NBUF = 4

_info = plsc.get_sparse_core_info()
_NW = _info.num_cores * _info.num_subcores


@functools.lru_cache(maxsize=None)
def _build(BATCH: int, HIST: int, D: int):
    b_per_w = BATCH // _NW
    n_chunks = b_per_w // CB
    idx_w = CB * HIST
    assert BATCH % (_NW * CB) == 0 and n_chunks % NBUF == 0 and idx_w % 8 == 0

    mesh = plsc.VectorSubcoreMesh(core_axis_name="c", subcore_axis_name="s")

    @functools.partial(
        pl.kernel,
        mesh=mesh,
        compiler_params=pltpu.CompilerParams(use_tc_tiling_on_sc=False),
        out_type=jax.ShapeDtypeStruct((BATCH, HIST, D), jnp.float32),
        scratch_types=[
            pltpu.VMEM((b_per_w * HIST,), jnp.int32),
            pltpu.VMEM((NBUF, idx_w, D), jnp.float32),
        ]
        + [pltpu.SemaphoreType.DMA] * (2 * NBUF),
    )
    def gather_kernel(idx_hbm, table_hbm, out_hbm, idx_v, rows_v, *sems):
        gsems, ssems = sems[:NBUF], sems[NBUF:]
        wid = lax.axis_index("s") * _info.num_cores + lax.axis_index("c")
        base = wid * b_per_w
        pltpu.sync_copy(idx_hbm.at[pl.ds(base * HIST, b_per_w * HIST)], idx_v)

        def gather(g, b):
            return pltpu.make_async_copy(
                table_hbm.at[idx_v.at[pl.ds(g * idx_w, idx_w)]],
                rows_v.at[b],
                gsems[b],
            )

        def stores(g, b):
            return [
                pltpu.make_async_copy(
                    rows_v.at[b, pl.ds(j * HIST, HIST)],
                    out_hbm.at[base + g * CB + j],
                    ssems[b],
                )
                for j in range(CB)
            ]

        for b in range(NBUF):
            gather(b, b).start()

        def ring(i, carry):
            g0 = i * NBUF
            for b in range(NBUF):
                g = g0 + b
                gather(g, b).wait()
                for s in stores(g, b):
                    s.start()
                nxt = g + NBUF - 1

                @pl.when(jnp.logical_and(g >= 1, nxt < n_chunks))
                def _():
                    bb = (b + NBUF - 1) % NBUF
                    for s in stores(g - 1, bb):
                        s.wait()
                    gather(nxt, bb).start()

            return carry

        lax.fori_loop(0, n_chunks // NBUF, ring, 0)
        for k in range(NBUF):
            g = n_chunks - NBUF + k
            for s in stores(g, g % NBUF):
                s.wait()

    return gather_kernel


def kernel(indices, table):
    bsz, hist = indices.shape
    flat = indices.reshape(bsz * hist).astype(jnp.int32)
    return _build(bsz, hist, table.shape[1])(flat, table)

# --- scband reference (transcript-rebuilt; emitter-appended) ---
"""Pipeline reference for scband-state-embedding-model-24988119728823 (READ-ONLY COPY).

The authoritative reference and input builder live on the scoring server;
editing this copy changes nothing except your own understanding.
"""

import jax, jax.numpy as jnp
import numpy as np

NUM_STATES = 1000000
EMBED_DIM = 64
BATCH = 16384
HIST = 50

def setup_inputs(seed: int = 0) -> dict:
    key = jax.random.key(seed)
    k_idx, k_tab = jax.random.split(key)
    indices = jax.random.randint(k_idx, (BATCH, HIST), 0, NUM_STATES, dtype=jnp.int64 if jax.config.jax_enable_x64 else jnp.int32)
    table = jax.random.normal(k_tab, (NUM_STATES, EMBED_DIM), dtype=jnp.float32)
    return {"indices": indices, "table": table}

def reference(indices, table):
    # nn.Embedding forward: gather rows of the embedding table
    return jnp.take(table, indices, axis=0)

if __name__ == "__main__":
    import jax
    _d = setup_inputs()
    print(jax.jit(kernel)(*tuple(_d.values())))

</pallas_src>

<mosaic_0001>
#map = affine_map<(d0, d1) -> (0)>
#map1 = affine_map<(d0, d1) -> (0, 0)>
#map2 = affine_map<(d0, d1) -> (0, 0, 0)>
module attributes {stable_mosaic.version = 14 : i64} {
  func.func @gather_kernel(%arg0: i32, %arg1: i32, %arg2: memref<819200xi32, #tpu.memory_space<hbm>>, %arg3: memref<1000000x64xf32, #tpu.memory_space<hbm>>, %arg4: memref<16384x50x64xf32, #tpu.memory_space<hbm>>, %arg5: memref<25600xi32, #tpu.memory_space<vmem>>, %arg6: memref<4x400x64xf32, #tpu.memory_space<vmem>>, %arg7: memref<!tpu.dma_semaphore, #tpu.memory_space<semaphore_mem>>, %arg8: memref<!tpu.dma_semaphore, #tpu.memory_space<semaphore_mem>>, %arg9: memref<!tpu.dma_semaphore, #tpu.memory_space<semaphore_mem>>, %arg10: memref<!tpu.dma_semaphore, #tpu.memory_space<semaphore_mem>>, %arg11: memref<!tpu.dma_semaphore, #tpu.memory_space<semaphore_mem>>, %arg12: memref<!tpu.dma_semaphore, #tpu.memory_space<semaphore_mem>>, %arg13: memref<!tpu.dma_semaphore, #tpu.memory_space<semaphore_mem>>, %arg14: memref<!tpu.dma_semaphore, #tpu.memory_space<semaphore_mem>>) attributes {dimension_semantics = [#tpu.dimension_semantics<core_parallel>, #tpu.dimension_semantics<subcore_parallel>], iteration_bounds = array<i64: 2, 16>, scalar_prefetch = 0 : i64, scratch_operands = 10 : i64, tpu.core_type = #tpu.core_type<sc_vector_subcore>, window_params = [{transform_indices = #map}, {transform_indices = #map1}, {transform_indices = #map2}]} {
    %mul3A = arith.constant 2 : i32
    %mul3A_0 = arith.muli %arg1, %mul3A : i32
    %add3A = arith.addi %mul3A_0, %arg0 : i32
    %mul3A_1 = arith.constant 512 : i32
    %mul3A_2 = arith.muli %add3A, %mul3A_1 : i32
    %mul3A_3 = arith.constant 50 : i32
    %mul3A_4 = arith.muli %mul3A_2, %mul3A_3 : i32
    "tpu.region"() ({
      %run_scoped3A = tpu.sem_alloc : memref<!tpu.dma_semaphore, #tpu.memory_space<semaphore_mem>>
      %dma_start3A_720 = tpu.memref_slice %arg2[%mul3A_4] : memref<819200xi32, #tpu.memory_space<hbm>> -> memref<25600xi32, #tpu.memory_space<hbm>>
      %dma_start3A_721 = tpu.memref_slice %arg2[%mul3A_4] : memref<819200xi32, #tpu.memory_space<hbm>> -> memref<25600xi32, #tpu.memory_space<hbm>>
      tpu.enqueue_dma source(%dma_start3A_721 : memref<25600xi32, #tpu.memory_space<hbm>>) target(%arg5 : memref<25600xi32, #tpu.memory_space<vmem>>) target_semaphore(%run_scoped3A : memref<!tpu.dma_semaphore, #tpu.memory_space<semaphore_mem>>)
      %dma_wait3A_722 = tpu.memref_slice %arg2[%mul3A_4] : memref<819200xi32, #tpu.memory_space<hbm>> -> memref<25600xi32, #tpu.memory_space<hbm>>
      %dma_wait3A_723 = tpu.memref_slice %arg2[%mul3A_4] : memref<819200xi32, #tpu.memory_space<hbm>> -> memref<25600xi32, #tpu.memory_space<hbm>>
      tpu.wait_dma2 semaphore(%run_scoped3A : memref<!tpu.dma_semaphore, #tpu.memory_space<semaphore_mem>>) src(%dma_wait3A_723 : memref<25600xi32, #tpu.memory_space<hbm>>) dst(%arg5 : memref<25600xi32, #tpu.memory_space<vmem>>)
      tpu.yield
    }) : () -> ()
    %dma_start3A = arith.constant 0 : i32
    %dma_start3A_5 = arith.constant 0 : i32
    %dma_start3A_6 = arith.constant 0 : i32
    %dma_start3A_7 = tpu.memref_slice %arg6[%dma_start3A, %dma_start3A_5, %dma_start3A_6] : memref<4x400x64xf32, #tpu.memory_space<vmem>> -> memref<1x400x64xf32, #tpu.memory_space<vmem>>
    %dma_start3A_8 = tpu.memref_squeeze %dma_start3A_7 : memref<1x400x64xf32, #tpu.memory_space<vmem>> -> memref<400x64xf32, #tpu.memory_space<vmem>>
    %dma_start3A_9 = arith.constant 0 : i32
    %dma_start3A_10 = tpu.memref_slice %arg5[%dma_start3A_9] : memref<25600xi32, #tpu.memory_space<vmem>> -> memref<400xi32, #tpu.memory_space<vmem>>
    %dma_start3A_11 = arith.constant 0 : i32
    %dma_start3A_12 = arith.constant 0 : i32
    %dma_start3A_13 = tpu.memref_slice %arg3[%dma_start3A_11, %dma_start3A_12] : memref<1000000x64xf32, #tpu.memory_space<hbm>> -> memref<1000000x64xf32, #tpu.memory_space<hbm>>
    tpu.enqueue_indirect_dma source(%dma_start3A_13 : memref<1000000x64xf32, #tpu.memory_space<hbm>>) target(%dma_start3A_8 : memref<400x64xf32, #tpu.memory_space<vmem>>) offsets(%dma_start3A_10 : memref<400xi32, #tpu.memory_space<vmem>>) semaphore(%arg7 : memref<!tpu.dma_semaphore, #tpu.memory_space<semaphore_mem>>)
    %dma_start3A_14 = arith.constant 1 : i32
    %dma_start3A_15 = arith.constant 0 : i32
    %dma_start3A_16 = arith.constant 0 : i32
    %dma_start3A_17 = tpu.memref_slice %arg6[%dma_start3A_14, %dma_start3A_15, %dma_start3A_16] : memref<4x400x64xf32, #tpu.memory_space<vmem>> -> memref<1x400x64xf32, #tpu.memory_space<vmem>>
    %dma_start3A_18 = tpu.memref_squeeze %dma_start3A_17 : memref<1x400x64xf32, #tpu.memory_space<vmem>> -> memref<400x64xf32, #tpu.memory_space<vmem>>
    %dma_start3A_19 = arith.constant 400 : i32
    %dma_start3A_20 = tpu.memref_slice %arg5[%dma_start3A_19] : memref<25600xi32, #tpu.memory_space<vmem>> -> memref<400xi32, #tpu.memory_space<vmem>>
    %dma_start3A_21 = arith.constant 0 : i32
    %dma_start3A_22 = arith.constant 0 : i32
    %dma_start3A_23 = tpu.memref_slice %arg3[%dma_start3A_21, %dma_start3A_22] : memref<1000000x64xf32, #tpu.memory_space<hbm>> -> memref<1000000x64xf32, #tpu.memory_space<hbm>>
    tpu.enqueue_indirect_dma source(%dma_start3A_23 : memref<1000000x64xf32, #tpu.memory_space<hbm>>) target(%dma_start3A_18 : memref<400x64xf32, #tpu.memory_space<vmem>>) offsets(%dma_start3A_20 : memref<400xi32, #tpu.memory_space<vmem>>) semaphore(%arg8 : memref<!tpu.dma_semaphore, #tpu.memory_space<semaphore_mem>>)
    %dma_start3A_24 = arith.constant 2 : i32
    %dma_start3A_25 = arith.constant 0 : i32
    %dma_start3A_26 = arith.constant 0 : i32
    %dma_start3A_27 = tpu.memref_slice %arg6[%dma_start3A_24, %dma_start3A_25, %dma_start3A_26] : memref<4x400x64xf32, #tpu.memory_space<vmem>> -> memref<1x400x64xf32, #tpu.memory_space<vmem>>
    %dma_start3A_28 = tpu.memref_squeeze %dma_start3A_27 : memref<1x400x64xf32, #tpu.memory_space<vmem>> -> memref<400x64xf32, #tpu.memory_space<vmem>>
    %dma_start3A_29 = arith.constant 800 : i32
    %dma_start3A_30 = tpu.memref_slice %arg5[%dma_start3A_29] : memref<25600xi32, #tpu.memory_space<vmem>> -> memref<400xi32, #tpu.memory_space<vmem>>
    %dma_start3A_31 = arith.constant 0 : i32
    %dma_start3A_32 = arith.constant 0 : i32
    %dma_start3A_33 = tpu.memref_slice %arg3[%dma_start3A_31, %dma_start3A_32] : memref<1000000x64xf32, #tpu.memory_space<hbm>> -> memref<1000000x64xf32, #tpu.memory_space<hbm>>
    tpu.enqueue_indirect_dma source(%dma_start3A_33 : memref<1000000x64xf32, #tpu.memory_space<hbm>>) target(%dma_start3A_28 : memref<400x64xf32, #tpu.memory_space<vmem>>) offsets(%dma_start3A_30 : memref<400xi32, #tpu.memory_space<vmem>>) semaphore(%arg9 : memref<!tpu.dma_semaphore, #tpu.memory_space<semaphore_mem>>)
    %dma_start3A_34 = arith.constant 3 : i32
    %dma_start3A_35 = arith.constant 0 : i32
    %dma_start3A_36 = arith.constant 0 : i32
    %dma_start3A_37 = tpu.memref_slice %arg6[%dma_start3A_34, %dma_start3A_35, %dma_start3A_36] : memref<4x400x64xf32, #tpu.memory_space<vmem>> -> memref<1x400x64xf32, #tpu.memory_space<vmem>>
    %dma_start3A_38 = tpu.memref_squeeze %dma_start3A_37 : memref<1x400x64xf32, #tpu.memory_space<vmem>> -> memref<400x64xf32, #tpu.memory_space<vmem>>
    %dma_start3A_39 = arith.constant 1200 : i32
    %dma_start3A_40 = tpu.memref_slice %arg5[%dma_start3A_39] : memref<25600xi32, #tpu.memory_space<vmem>> -> memref<400xi32, #tpu.memory_space<vmem>>
    %dma_start3A_41 = arith.constant 0 : i32
    %dma_start3A_42 = arith.constant 0 : i32
    %dma_start3A_43 = tpu.memref_slice %arg3[%dma_start3A_41, %dma_start3A_42] : memref<1000000x64xf32, #tpu.memory_space<hbm>> -> memref<1000000x64xf32, #tpu.memory_space<hbm>>
    tpu.enqueue_indirect_dma source(%dma_start3A_43 : memref<1000000x64xf32, #tpu.memory_space<hbm>>) target(%dma_start3A_38 : memref<400x64xf32, #tpu.memory_space<vmem>>) offsets(%dma_start3A_40 : memref<400xi32, #tpu.memory_space<vmem>>) semaphore(%arg10 : memref<!tpu.dma_semaphore, #tpu.memory_space<semaphore_mem>>)
    %scan3A = arith.constant 0 : i32
    %scan3A_44 = arith.constant 0 : i32
    %scan3A_45 = arith.constant 16 : i32
    %scan3A_46 = arith.addi %scan3A_44, %scan3A_45 : i32
    %scan3A_47 = arith.constant 1 : i32
    scf.for %scan3A_720 = %scan3A_44 to %scan3A_46 step %scan3A_47  : i32 {
      %mul3A_721 = arith.constant 4 : i32
      %mul3A_722 = arith.muli %scan3A_720, %mul3A_721 : i32
      %add3A_723 = arith.constant 0 : i32
      %add3A_724 = arith.addi %mul3A_722, %add3A_723 : i32
      %mul3A_725 = arith.constant 400 : i32
      %mul3A_726 = arith.muli %add3A_724, %mul3A_725 : i32
      %dma_wait3A_727 = arith.constant 0 : i32
      %dma_wait3A_728 = arith.constant 0 : i32
      %dma_wait3A_729 = arith.constant 0 : i32
      %dma_wait3A_730 = tpu.memref_slice %arg6[%dma_wait3A_727, %dma_wait3A_728, %dma_wait3A_729] : memref<4x400x64xf32, #tpu.memory_space<vmem>> -> memref<1x400x64xf32, #tpu.memory_space<vmem>>
      %dma_wait3A_731 = tpu.memref_squeeze %dma_wait3A_730 : memref<1x400x64xf32, #tpu.memory_space<vmem>> -> memref<400x64xf32, #tpu.memory_space<vmem>>
      %dma_wait3A_732 = tpu.memref_slice %arg5[%mul3A_726] : memref<25600xi32, #tpu.memory_space<vmem>> -> memref<400xi32, #tpu.memory_space<vmem>>
      %dma_wait3A_733 = arith.constant 0 : i32
      %dma_wait3A_734 = arith.constant 0 : i32
      %dma_wait3A_735 = tpu.memref_slice %arg3[%dma_wait3A_733, %dma_wait3A_734] : memref<1000000x64xf32, #tpu.memory_space<hbm>> -> memref<1000000x64xf32, #tpu.memory_space<hbm>>
      tpu.wait_indirect_dma semaphore(%arg7 : memref<!tpu.dma_semaphore, #tpu.memory_space<semaphore_mem>>) src(%dma_wait3A_735 : memref<1000000x64xf32, #tpu.memory_space<hbm>>) dst(%dma_wait3A_731 : memref<400x64xf32, #tpu.memory_space<vmem>>)
      %mul3A_736 = arith.constant 8 : i32
      %mul3A_737 = arith.muli %add3A_724, %mul3A_736 : i32
      %add3A_738 = arith.addi %mul3A_2, %mul3A_737 : i32
      %add3A_739 = arith.constant 0 : i32
      %add3A_740 = arith.addi %add3A_738, %add3A_739 : i32
      %mul3A_741 = arith.constant 8 : i32
      %mul3A_742 = arith.muli %add3A_724, %mul3A_741 : i32
      %add3A_743 = arith.addi %mul3A_2, %mul3A_742 : i32
      %add3A_744 = arith.constant 1 : i32
      %add3A_745 = arith.addi %add3A_743, %add3A_744 : i32
      %mul3A_746 = arith.constant 8 : i32
      %mul3A_747 = arith.muli %add3A_724, %mul3A_746 : i32
      %add3A_748 = arith.addi %mul3A_2, %mul3A_747 : i32
      %add3A_749 = arith.constant 2 : i32
      %add3A_750 = arith.addi %add3A_748, %add3A_749 : i32
      %mul3A_751 = arith.constant 8 : i32
      %mul3A_752 = arith.muli %add3A_724, %mul3A_751 : i32
      %add3A_753 = arith.addi %mul3A_2, %mul3A_752 : i32
      %add3A_754 = arith.constant 3 : i32
      %add3A_755 = arith.addi %add3A_753, %add3A_754 : i32
      %mul3A_756 = arith.constant 8 : i32
      %mul3A_757 = arith.muli %add3A_724, %mul3A_756 : i32
      %add3A_758 = arith.addi %mul3A_2, %mul3A_757 : i32
      %add3A_759 = arith.constant 4 : i32
      %add3A_760 = arith.addi %add3A_758, %add3A_759 : i32
      %mul3A_761 = arith.constant 8 : i32
      %mul3A_762 = arith.muli %add3A_724, %mul3A_761 : i32
      %add3A_763 = arith.addi %mul3A_2, %mul3A_762 : i32
      %add3A_764 = arith.constant 5 : i32
      %add3A_765 = arith.addi %add3A_763, %add3A_764 : i32
      %mul3A_766 = arith.constant 8 : i32
      %mul3A_767 = arith.muli %add3A_724, %mul3A_766 : i32
      %add3A_768 = arith.addi %mul3A_2, %mul3A_767 : i32
      %add3A_769 = arith.constant 6 : i32
      %add3A_770 = arith.addi %add3A_768, %add3A_769 : i32
      %mul3A_771 = arith.constant 8 : i32
      %mul3A_772 = arith.muli %add3A_724, %mul3A_771 : i32
      %add3A_773 = arith.addi %mul3A_2, %mul3A_772 : i32
      %add3A_774 = arith.constant 7 : i32
      %add3A_775 = arith.addi %add3A_773, %add3A_774 : i32
      %dma_start3A_776 = arith.constant 0 : i32
      %dma_start3A_777 = arith.constant 0 : i32
      %dma_start3A_778 = arith.constant 0 : i32
      %dma_start3A_779 = tpu.memref_slice %arg6[%dma_start3A_776, %dma_start3A_777, %dma_start3A_778] : memref<4x400x64xf32, #tpu.memory_space<vmem>> -> memref<1x50x64xf32, #tpu.memory_space<vmem>>
      %dma_start3A_780 = tpu.memref_squeeze %dma_start3A_779 : memref<1x50x64xf32, #tpu.memory_space<vmem>> -> memref<50x64xf32, #tpu.memory_space<vmem>>
      %dma_start3A_781 = arith.constant 0 : i32
      %dma_start3A_782 = arith.constant 0 : i32
      %dma_start3A_783 = tpu.memref_slice %arg4[%add3A_740, %dma_start3A_781, %dma_start3A_782] : memref<16384x50x64xf32, #tpu.memory_space<hbm>> -> memref<1x50x64xf32, #tpu.memory_space<hbm>>
      %dma_start3A_784 = tpu.memref_squeeze %dma_start3A_783 : memref<1x50x64xf32, #tpu.memory_space<hbm>> -> memref<50x64xf32, #tpu.memory_space<hbm>>
      %dma_start3A_785 = arith.constant 0 : i32
      %dma_start3A_786 = arith.constant 0 : i32
      %dma_start3A_787 = tpu.memref_slice %arg4[%add3A_740, %dma_start3A_785, %dma_start3A_786] : memref<16384x50x64xf32, #tpu.memory_space<hbm>> -> memref<1x50x64xf32, #tpu.memory_space<hbm>>
      %dma_start3A_788 = tpu.memref_squeeze %dma_start3A_787 : memref<1x50x64xf32, #tpu.memory_space<hbm>> -> memref<50x64xf32, #tpu.memory_space<hbm>>
      %dma_start3A_789 = arith.constant 0 : i32
      %dma_start3A_790 = arith.constant 0 : i32
      %dma_start3A_791 = tpu.memref_slice %arg6[%dma_start3A_776, %dma_start3A_789, %dma_start3A_790] : memref<4x400x64xf32, #tpu.memory_space<vmem>> -> memref<1x50x64xf32, #tpu.memory_space<vmem>>
      %dma_start3A_792 = tpu.memref_squeeze %dma_start3A_791 : memref<1x50x64xf32, #tpu.memory_space<vmem>> -> memref<50x64xf32, #tpu.memory_space<vmem>>
      tpu.enqueue_dma source(%dma_start3A_792 : memref<50x64xf32, #tpu.memory_space<vmem>>) target(%dma_start3A_788 : memref<50x64xf32, #tpu.memory_space<hbm>>) target_semaphore(%arg11 : memref<!tpu.dma_semaphore, #tpu.memory_space<semaphore_mem>>)
      %dma_start3A_793 = arith.constant 0 : i32
      %dma_start3A_794 = arith.constant 50 : i32
      %dma_start3A_795 = arith.constant 0 : i32
      %dma_start3A_796 = tpu.memref_slice %arg6[%dma_start3A_793, %dma_start3A_794, %dma_start3A_795] : memref<4x400x64xf32, #tpu.memory_space<vmem>> -> memref<1x50x64xf32, #tpu.memory_space<vmem>>
      %dma_start3A_797 = tpu.memref_squeeze %dma_start3A_796 : memref<1x50x64xf32, #tpu.memory_space<vmem>> -> memref<50x64xf32, #tpu.memory_space<vmem>>
      %dma_start3A_798 = arith.constant 0 : i32
      %dma_start3A_799 = arith.constant 0 : i32
      %dma_start3A_800 = tpu.memref_slice %arg4[%add3A_745, %dma_start3A_798, %dma_start3A_799] : memref<16384x50x64xf32, #tpu.memory_space<hbm>> -> memref<1x50x64xf32, #tpu.memory_space<hbm>>
      %dma_start3A_801 = tpu.memref_squeeze %dma_start3A_800 : memref<1x50x64xf32, #tpu.memory_space<hbm>> -> memref<50x64xf32, #tpu.memory_space<hbm>>
      %dma_start3A_802 = arith.constant 0 : i32
      %dma_start3A_803 = arith.constant 0 : i32
      %dma_start3A_804 = tpu.memref_slice %arg4[%add3A_745, %dma_start3A_802, %dma_start3A_803] : memref<16384x50x64xf32, #tpu.memory_space<hbm>> -> memref<1x50x64xf32, #tpu.memory_space<hbm>>
      %dma_start3A_805 = tpu.memref_squeeze %dma_start3A_804 : memref<1x50x64xf32, #tpu.memory_space<hbm>> -> memref<50x64xf32, #tpu.memory_space<hbm>>
      %dma_start3A_806 = arith.constant 50 : i32
      %dma_start3A_807 = arith.constant 0 : i32
      %dma_start3A_808 = tpu.memref_slice %arg6[%dma_start3A_793, %dma_start3A_806, %dma_start3A_807] : memref<4x400x64xf32, #tpu.memory_space<vmem>> -> memref<1x50x64xf32, #tpu.memory_space<vmem>>
      %dma_start3A_809 = tpu.memref_squeeze %dma_start3A_808 : memref<1x50x64xf32, #tpu.memory_space<vmem>> -> memref<50x64xf32, #tpu.memory_space<vmem>>
      tpu.enqueue_dma source(%dma_start3A_809 : memref<50x64xf32, #tpu.memory_space<vmem>>) target(%dma_start3A_805 : memref<50x64xf32, #tpu.memory_space<hbm>>) target_semaphore(%arg11 : memref<!tpu.dma_semaphore, #tpu.memory_space<semaphore_mem>>)
      %dma_start3A_810 = arith.constant 0 : i32
      %dma_start3A_811 = arith.constant 100 : i32
      %dma_start3A_812 = arith.constant 0 : i32
      %dma_start3A_813 = tpu.memref_slice %arg6[%dma_start3A_810, %dma_start3A_811, %dma_start3A_812] : memref<4x400x64xf32, #tpu.memory_space<vmem>> -> memref<1x50x64xf32, #tpu.memory_space<vmem>>
      %dma_start3A_814 = tpu.memref_squeeze %dma_start3A_813 : memref<1x50x64xf32, #tpu.memory_space<vmem>> -> memref<50x64xf32, #tpu.memory_space<vmem>>
      %dma_start3A_815 = arith.constant 0 : i32
      %dma_start3A_816 = arith.constant 0 : i32
      %dma_start3A_817 = tpu.memref_slice %arg4[%add3A_750, %dma_start3A_815, %dma_start3A_816] : memref<16384x50x64xf32, #tpu.memory_space<hbm>> -> memref<1x50x64xf32, #tpu.memory_space<hbm>>
      %dma_start3A_818 = tpu.memref_squeeze %dma_start3A_817 : memref<1x50x64xf32, #tpu.memory_space<hbm>> -> memref<50x64xf32, #tpu.memory_space<hbm>>
      %dma_start3A_819 = arith.constant 0 : i32
      %dma_start3A_820 = arith.constant 0 : i32
      %dma_start3A_821 = tpu.memref_slice %arg4[%add3A_750, %dma_start3A_819, %dma_start3A_820] : memref<16384x50x64xf32, #tpu.memory_space<hbm>> -> memref<1x50x64xf32, #tpu.memory_space<hbm>>
      %dma_start3A_822 = tpu.memref_squeeze %dma_start3A_821 : memref<1x50x64xf32, #tpu.memory_space<hbm>> -> memref<50x64xf32, #tpu.memory_space<hbm>>
      %dma_start3A_823 = arith.constant 100 : i32
      %dma_start3A_824 = arith.constant 0 : i32
      %dma_start3A_825 = tpu.memref_slice %arg6[%dma_start3A_810, %dma_start3A_823, %dma_start3A_824] : memref<4x400x64xf32, #tpu.memory_space<vmem>> -> memref<1x50x64xf32, #tpu.memory_space<vmem>>
      %dma_start3A_826 = tpu.memref_squeeze %dma_start3A_825 : memref<1x50x64xf32, #tpu.memory_space<vmem>> -> memref<50x64xf32, #tpu.memory_space<vmem>>
      tpu.enqueue_dma source(%dma_start3A_826 : memref<50x64xf32, #tpu.memory_space<vmem>>) target(%dma_start3A_822 : memref<50x64xf32, #tpu.memory_space<hbm>>) target_semaphore(%arg11 : memref<!tpu.dma_semaphore, #tpu.memory_space<semaphore_mem>>)
      %dma_start3A_827 = arith.constant 0 : i32
      %dma_start3A_828 = arith.constant 150 : i32
      %dma_start3A_829 = arith.constant 0 : i32
      %dma_start3A_830 = tpu.memref_slice %arg6[%dma_start3A_827, %dma_start3A_828, %dma_start3A_829] : memref<4x400x64xf32, #tpu.memory_space<vmem>> -> memref<1x50x64xf32, #tpu.memory_space<vmem>>
      %dma_start3A_831 = tpu.memref_squeeze %dma_start3A_830 : memref<1x50x64xf32, #tpu.memory_space<vmem>> -> memref<50x64xf32, #tpu.memory_space<vmem>>
      %dma_start3A_832 = arith.constant 0 : i32
      %dma_start3A_833 = arith.constant 0 : i32
      %dma_start3A_834 = tpu.memref_slice %arg4[%add3A_755, %dma_start3A_832, %dma_start3A_833] : memref<16384x50x64xf32, #tpu.memory_space<hbm>> -> memref<1x50x64xf32, #tpu.memory_space<hbm>>
      %dma_start3A_835 = tpu.memref_squeeze %dma_start3A_834 : memref<1x50x64xf32, #tpu.memory_space<hbm>> -> memref<50x64xf32, #tpu.memory_space<hbm>>
      %dma_start3A_836 = arith.constant 0 : i32
      %dma_start3A_837 = arith.constant 0 : i32
      %dma_start3A_838 = tpu.memref_slice %arg4[%add3A_755, %dma_start3A_836, %dma_start3A_837] : memref<16384x50x64xf32, #tpu.memory_space<hbm>> -> memref<1x50x64xf32, #tpu.memory_space<hbm>>
      %dma_start3A_839 = tpu.memref_squeeze %dma_start3A_838 : memref<1x50x64xf32, #tpu.memory_space<hbm>> -> memref<50x64xf32, #tpu.memory_space<hbm>>
      %dma_start3A_840 = arith.constant 150 : i32
      %dma_start3A_841 = arith.constant 0 : i32
      %dma_start3A_842 = tpu.memref_slice %arg6[%dma_start3A_827, %dma_start3A_840, %dma_start3A_841] : memref<4x400x64xf32, #tpu.memory_space<vmem>> -> memref<1x50x64xf32, #tpu.memory_space<vmem>>
      %dma_start3A_843 = tpu.memref_squeeze %dma_start3A_842 : memref<1x50x64xf32, #tpu.memory_space<vmem>> -> memref<50x64xf32, #tpu.memory_space<vmem>>
      tpu.enqueue_dma source(%dma_start3A_843 : memref<50x64xf32, #tpu.memory_space<vmem>>) target(%dma_start3A_839 : memref<50x64xf32, #tpu.memory_space<hbm>>) target_semaphore(%arg11 : memref<!tpu.dma_semaphore, #tpu.memory_space<semaphore_mem>>)
      %dma_start3A_844 = arith.constant 0 : i32
      %dma_start3A_845 = arith.constant 200 : i32
      %dma_start3A_846 = arith.constant 0 : i32
      %dma_start3A_847 = tpu.memref_slice %arg6[%dma_start3A_844, %dma_start3A_845, %dma_start3A_846] : memref<4x400x64xf32, #tpu.memory_space<vmem>> -> memref<1x50x64xf32, #tpu.memory_space<vmem>>
      %dma_start3A_848 = tpu.memref_squeeze %dma_start3A_847 : memref<1x50x64xf32, #tpu.memory_space<vmem>> -> memref<50x64xf32, #tpu.memory_space<vmem>>
      %dma_start3A_849 = arith.constant 0 : i32
      %dma_start3A_850 = arith.constant 0 : i32
      %dma_start3A_851 = tpu.memref_slice %arg4[%add3A_760, %dma_start3A_849, %dma_start3A_850] : memref<16384x50x64xf32, #tpu.memory_space<hbm>> -> memref<1x50x64xf32, #tpu.memory_space<hbm>>
      %dma_start3A_852 = tpu.memref_squeeze %dma_start3A_851 : memref<1x50x64xf32, #tpu.memory_space<hbm>> -> memref<50x64xf32, #tpu.memory_space<hbm>>
      %dma_start3A_853 = arith.constant 0 : i32
      %dma_start3A_854 = arith.constant 0 : i32
      %dma_start3A_855 = tpu.memref_slice %arg4[%add3A_760, %dma_start3A_853, %dma_start3A_854] : memref<16384x50x64xf32, #tpu.memory_space<hbm>> -> memref<1x50x64xf32, #tpu.memory_space<hbm>>
      %dma_start3A_856 = tpu.memref_squeeze %dma_start3A_855 : memref<1x50x64xf32, #tpu.memory_space<hbm>> -> memref<50x64xf32, #tpu.memory_space<hbm>>
      %dma_start3A_857 = arith.constant 200 : i32
      %dma_start3A_858 = arith.constant 0 : i32
      %dma_start3A_859 = tpu.memref_slice %arg6[%dma_start3A_844, %dma_start3A_857, %dma_start3A_858] : memref<4x400x64xf32, #tpu.memory_space<vmem>> -> memref<1x50x64xf32, #tpu.memory_space<vmem>>
      %dma_start3A_860 = tpu.memref_squeeze %dma_start3A_859 : memref<1x50x64xf32, #tpu.memory_space<vmem>> -> memref<50x64xf32, #tpu.memory_space<vmem>>
      tpu.enqueue_dma source(%dma_start3A_860 : memref<50x64xf32, #tpu.memory_space<vmem>>) target(%dma_start3A_856 : memref<50x64xf32, #tpu.memory_space<hbm>>) target_semaphore(%arg11 : memref<!tpu.dma_semaphore, #tpu.memory_space<semaphore_mem>>)
      %dma_start3A_861 = arith.constant 0 : i32
      %dma_start3A_862 = arith.constant 250 : i32
      %dma_start3A_863 = arith.constant 0 : i32
      %dma_start3A_864 = tpu.memref_slice %arg6[%dma_start3A_861, %dma_start3A_862, %dma_start3A_863] : memref<4x400x64xf32, #tpu.memory_space<vmem>> -> memref<1x50x64xf32, #tpu.memory_space<vmem>>
      %dma_start3A_865 = tpu.memref_squeeze %dma_start3A_864 : memref<1x50x64xf32, #tpu.memory_space<vmem>> -> memref<50x64xf32, #tpu.memory_space<vmem>>
      %dma_start3A_866 = arith.constant 0 : i32
      %dma_start3A_867 = arith.constant 0 : i32
      %dma_start3A_868 = tpu.memref_slice %arg4[%add3A_765, %dma_start3A_866, %dma_start3A_867] : memref<16384x50x64xf32, #tpu.memory_space<hbm>> -> memref<1x50x64xf32, #tpu.memory_space<hbm>>
      %dma_start3A_869 = tpu.memref_squeeze %dma_start3A_868 : memref<1x50x64xf32, #tpu.memory_space<hbm>> -> memref<50x64xf32, #tpu.memory_space<hbm>>
      %dma_start3A_870 = arith.constant 0 : i32
      %dma_start3A_871 = arith.constant 0 : i32
      %dma_start3A_872 = tpu.memref_slice %arg4[%add3A_765, %dma_start3A_870, %dma_start3A_871] : memref<16384x50x64xf32, #tpu.memory_space<hbm>> -> memref<1x50x64xf32, #tpu.memory_space<hbm>>
      %dma_start3A_873 = tpu.memref_squeeze %dma_start3A_872 : memref<1x50x64xf32, #tpu.memory_space<hbm>> -> memref<50x64xf32, #tpu.memory_space<hbm>>
      %dma_start3A_874 = arith.constant 250 : i32
      %dma_start3A_875 = arith.constant 0 : i32
      %dma_start3A_876 = tpu.memref_slice %arg6[%dma_start3A_861, %dma_start3A_874, %dma_start3A_875] : memref<4x400x64xf32, #tpu.memory_space<vmem>> -> memref<1x50x64xf32, #tpu.memory_space<vmem>>
      %dma_start3A_877 = tpu.memref_squeeze %dma_start3A_876 : memref<1x50x64xf32, #tpu.memory_space<vmem>> -> memref<50x64xf32, #tpu.memory_space<vmem>>
      tpu.enqueue_dma source(%dma_start3A_877 : memref<50x64xf32, #tpu.memory_space<vmem>>) target(%dma_start3A_873 : memref<50x64xf32, #tpu.memory_space<hbm>>) target_semaphore(%arg11 : memref<!tpu.dma_semaphore, #tpu.memory_space<semaphore_mem>>)
      %dma_start3A_878 = arith.constant 0 : i32
      %dma_start3A_879 = arith.constant 300 : i32
      %dma_start3A_880 = arith.constant 0 : i32
      %dma_start3A_881 = tpu.memref_slice %arg6[%dma_start3A_878, %dma_start3A_879, %dma_start3A_880] : memref<4x400x64xf32, #tpu.memory_space<vmem>> -> memref<1x50x64xf32, #tpu.memory_space<vmem>>
      %dma_start3A_882 = tpu.memref_squeeze %dma_start3A_881 : memref<1x50x64xf32, #tpu.memory_space<vmem>> -> memref<50x64xf32, #tpu.memory_space<vmem>>
      %dma_start3A_883 = arith.constant 0 : i32
      %dma_start3A_884 = arith.constant 0 : i32
      %dma_start3A_885 = tpu.memref_slice %arg4[%add3A_770, %dma_start3A_883, %dma_start3A_884] : memref<16384x50x64xf32, #tpu.memory_space<hbm>> -> memref<1x50x64xf32, #tpu.memory_space<hbm>>
      %dma_start3A_886 = tpu.memref_squeeze %dma_start3A_885 : memref<1x50x64xf32, #tpu.memory_space<hbm>> -> memref<50x64xf32, #tpu.memory_space<hbm>>
      %dma_start3A_887 = arith.constant 0 : i32
      %dma_start3A_888 = arith.constant 0 : i32
      %dma_start3A_889 = tpu.memref_slice %arg4[%add3A_770, %dma_start3A_887, %dma_start3A_888] : memref<16384x50x64xf32, #tpu.memory_space<hbm>> -> memref<1x50x64xf32, #tpu.memory_space<hbm>>
      %dma_start3A_890 = tpu.memref_squeeze %dma_start3A_889 : memref<1x50x64xf32, #tpu.memory_space<hbm>> -> memref<50x64xf32, #tpu.memory_space<hbm>>
      %dma_start3A_891 = arith.constant 300 : i32
      %dma_start3A_892 = arith.constant 0 : i32
      %dma_start3A_893 = tpu.memref_slice %arg6[%dma_start3A_878, %dma_start3A_891, %dma_start3A_892] : memref<4x400x64xf32, #tpu.memory_space<vmem>> -> memref<1x50x64xf32, #tpu.memory_space<vmem>>
      %dma_start3A_894 = tpu.memref_squeeze %dma_start3A_893 : memref<1x50x64xf32, #tpu.memory_space<vmem>> -> memref<50x64xf32, #tpu.memory_space<vmem>>
      tpu.enqueue_dma source(%dma_start3A_894 : memref<50x64xf32, #tpu.memory_space<vmem>>) target(%dma_start3A_890 : memref<50x64xf32, #tpu.memory_space<hbm>>) target_semaphore(%arg11 : memref<!tpu.dma_semaphore, #tpu.memory_space<semaphore_mem>>)
      %dma_start3A_895 = arith.constant 0 : i32
      %dma_start3A_896 = arith.constant 350 : i32
      %dma_start3A_897 = arith.constant 0 : i32
      %dma_start3A_898 = tpu.memref_slice %arg6[%dma_start3A_895, %dma_start3A_896, %dma_start3A_897] : memref<4x400x64xf32, #tpu.memory_space<vmem>> -> memref<1x50x64xf32, #tpu.memory_space<vmem>>
      %dma_start3A_899 = tpu.memref_squeeze %dma_start3A_898 : memref<1x50x64xf32, #tpu.memory_space<vmem>> -> memref<50x64xf32, #tpu.memory_space<vmem>>
      %dma_start3A_900 = arith.constant 0 : i32
      %dma_start3A_901 = arith.constant 0 : i32
      %dma_start3A_902 = tpu.memref_slice %arg4[%add3A_775, %dma_start3A_900, %dma_start3A_901] : memref<16384x50x64xf32, #tpu.memory_space<hbm>> -> memref<1x50x64xf32, #tpu.memory_space<hbm>>
      %dma_start3A_903 = tpu.memref_squeeze %dma_start3A_902 : memref<1x50x64xf32, #tpu.memory_space<hbm>> -> memref<50x64xf32, #tpu.memory_space<hbm>>
      %dma_start3A_904 = arith.constant 0 : i32
      %dma_start3A_905 = arith.constant 0 : i32
      %dma_start3A_906 = tpu.memref_slice %arg4[%add3A_775, %dma_start3A_904, %dma_start3A_905] : memref<16384x50x64xf32, #tpu.memory_space<hbm>> -> memref<1x50x64xf32, #tpu.memory_space<hbm>>
      %dma_start3A_907 = tpu.memref_squeeze %dma_start3A_906 : memref<1x50x64xf32, #tpu.memory_space<hbm>> -> memref<50x64xf32, #tpu.memory_space<hbm>>
      %dma_start3A_908 = arith.constant 350 : i32
      %dma_start3A_909 = arith.constant 0 : i32
      %dma_start3A_910 = tpu.memref_slice %arg6[%dma_start3A_895, %dma_start3A_908, %dma_start3A_909] : memref<4x400x64xf32, #tpu.memory_space<vmem>> -> memref<1x50x64xf32, #tpu.memory_space<vmem>>
      %dma_start3A_911 = tpu.memref_squeeze %dma_start3A_910 : memref<1x50x64xf32, #tpu.memory_space<vmem>> -> memref<50x64xf32, #tpu.memory_space<vmem>>
      tpu.enqueue_dma source(%dma_start3A_911 : memref<50x64xf32, #tpu.memory_space<vmem>>) target(%dma_start3A_907 : memref<50x64xf32, #tpu.memory_space<hbm>>) target_semaphore(%arg11 : memref<!tpu.dma_semaphore, #tpu.memory_space<semaphore_mem>>)
      %add3A_912 = arith.constant 4 : i32
      %add3A_913 = arith.addi %add3A_724, %add3A_912 : i32
      %sub3A = arith.constant 1 : i32
      %sub3A_914 = arith.subi %add3A_913, %sub3A : i32
      %ge3A = arith.constant 1 : i32
      %ge3A_915 = arith.cmpi sge, %add3A_724, %ge3A : i32
      %lt3A = arith.constant 64 : i32
      %lt3A_916 = arith.cmpi slt, %sub3A_914, %lt3A : i32
      %and3A = arith.andi %ge3A_915, %lt3A_916 : i1
      %convert_element_type3A = arith.extui %and3A : i1 to i32
      %cond3A = arith.constant 0 : i32
      %cond3A_917 = arith.cmpi ne, %convert_element_type3A, %cond3A : i32
      scf.if %cond3A_917 {
        %sub3A_1521 = arith.constant 1 : i32
        %sub3A_1522 = arith.subi %add3A_724, %sub3A_1521 : i32
        %mul3A_1523 = arith.constant 8 : i32
        %mul3A_1524 = arith.muli %sub3A_1522, %mul3A_1523 : i32
        %add3A_1525 = arith.addi %mul3A_2, %mul3A_1524 : i32
        %add3A_1526 = arith.constant 0 : i32
        %add3A_1527 = arith.addi %add3A_1525, %add3A_1526 : i32
        %mul3A_1528 = arith.constant 8 : i32
        %mul3A_1529 = arith.muli %sub3A_1522, %mul3A_1528 : i32
        %add3A_1530 = arith.addi %mul3A_2, %mul3A_1529 : i32
        %add3A_1531 = arith.constant 1 : i32
        %add3A_1532 = arith.addi %add3A_1530, %add3A_1531 : i32
        %mul3A_1533 = arith.constant 8 : i32
        %mul3A_1534 = arith.muli %sub3A_1522, %mul3A_1533 : i32
        %add3A_1535 = arith.addi %mul3A_2, %mul3A_1534 : i32
        %add3A_1536 = arith.constant 2 : i32
        %add3A_1537 = arith.addi %add3A_1535, %add3A_1536 : i32
        %mul3A_1538 = arith.constant 8 : i32
        %mul3A_1539 = arith.muli %sub3A_1522, %mul3A_1538 : i32
        %add3A_1540 = arith.addi %mul3A_2, %mul3A_1539 : i32
        %add3A_1541 = arith.constant 3 : i32
        %add3A_1542 = arith.addi %add3A_1540, %add3A_1541 : i32
        %mul3A_1543 = arith.constant 8 : i32
        %mul3A_1544 = arith.muli %sub3A_1522, %mul3A_1543 : i32
        %add3A_1545 = arith.addi %mul3A_2, %mul3A_1544 : i32
        %add3A_1546 = arith.constant 4 : i32
        %add3A_1547 = arith.addi %add3A_1545, %add3A_1546 : i32
        %mul3A_1548 = arith.constant 8 : i32
        %mul3A_1549 = arith.muli %sub3A_1522, %mul3A_1548 : i32
        %add3A_1550 = arith.addi %mul3A_2, %mul3A_1549 : i32
        %add3A_1551 = arith.constant 5 : i32
        %add3A_1552 = arith.addi %add3A_1550, %add3A_1551 : i32
        %mul3A_1553 = arith.constant 8 : i32
        %mul3A_1554 = arith.muli %sub3A_1522, %mul3A_1553 : i32
        %add3A_1555 = arith.addi %mul3A_2, %mul3A_1554 : i32
        %add3A_1556 = arith.constant 6 : i32
        %add3A_1557 = arith.addi %add3A_1555, %add3A_1556 : i32
        %mul3A_1558 = arith.constant 8 : i32
        %mul3A_1559 = arith.muli %sub3A_1522, %mul3A_1558 : i32
        %add3A_1560 = arith.addi %mul3A_2, %mul3A_1559 : i32
        %add3A_1561 = arith.constant 7 : i32
        %add3A_1562 = arith.addi %add3A_1560, %add3A_1561 : i32
        %dma_wait3A_1563 = arith.constant 3 : i32
        %dma_wait3A_1564 = arith.constant 0 : i32
        %dma_wait3A_1565 = arith.constant 0 : i32
        %dma_wait3A_1566 = tpu.memref_slice %arg6[%dma_wait3A_1563, %dma_wait3A_1564, %dma_wait3A_1565] : memref<4x400x64xf32, #tpu.memory_space<vmem>> -> memref<1x50x64xf32, #tpu.memory_space<vmem>>
        %dma_wait3A_1567 = tpu.memref_squeeze %dma_wait3A_1566 : memref<1x50x64xf32, #tpu.memory_space<vmem>> -> memref<50x64xf32, #tpu.memory_space<vmem>>
        %dma_wait3A_1568 = arith.constant 0 : i32
        %dma_wait3A_1569 = arith.constant 0 : i32
        %dma_wait3A_1570 = tpu.memref_slice %arg4[%add3A_1527, %dma_wait3A_1568, %dma_wait3A_1569] : memref<16384x50x64xf32, #tpu.memory_space<hbm>> -> memref<1x50x64xf32, #tpu.memory_space<hbm>>
        %dma_wait3A_1571 = tpu.memref_squeeze %dma_wait3A_1570 : memref<1x50x64xf32, #tpu.memory_space<hbm>> -> memref<50x64xf32, #tpu.memory_space<hbm>>
        %dma_wait3A_1572 = arith.constant 0 : i32
        %dma_wait3A_1573 = arith.constant 0 : i32
        %dma_wait3A_1574 = tpu.memref_slice %arg4[%add3A_1527, %dma_wait3A_1572, %dma_wait3A_1573] : memref<16384x50x64xf32, #tpu.memory_space<hbm>> -> memref<1x50x64xf32, #tpu.memory_space<hbm>>
        %dma_wait3A_1575 = tpu.memref_squeeze %dma_wait3A_1574 : memref<1x50x64xf32, #tpu.memory_space<hbm>> -> memref<50x64xf32, #tpu.memory_space<hbm>>
        %dma_wait3A_1576 = arith.constant 0 : i32
        %dma_wait3A_1577 = arith.constant 0 : i32
        %dma_wait3A_1578 = tpu.memref_slice %arg6[%dma_wait3A_1563, %dma_wait3A_1576, %dma_wait3A_1577] : memref<4x400x64xf32, #tpu.memory_space<vmem>> -> memref<1x50x64xf32, #tpu.memory_space<vmem>>
        %dma_wait3A_1579 = tpu.memref_squeeze %dma_wait3A_1578 : memref<1x50x64xf32, #tpu.memory_space<vmem>> -> memref<50x64xf32, #tpu.memory_space<vmem>>
        tpu.wait_dma2 semaphore(%arg14 : memref<!tpu.dma_semaphore, #tpu.memory_space<semaphore_mem>>) src(%dma_wait3A_1579 : memref<50x64xf32, #tpu.memory_space<vmem>>) dst(%dma_wait3A_1575 : memref<50x64xf32, #tpu.memory_space<hbm>>)
        %dma_wait3A_1580 = arith.constant 3 : i32
        %dma_wait3A_1581 = arith.constant 50 : i32
        %dma_wait3A_1582 = arith.constant 0 : i32
        %dma_wait3A_1583 = tpu.memref_slice %arg6[%dma_wait3A_1580, %dma_wait3A_1581, %dma_wait3A_1582] : memref<4x400x64xf32, #tpu.memory_space<vmem>> -> memref<1x50x64xf32, #tpu.memory_space<vmem>>
        %dma_wait3A_1584 = tpu.memref_squeeze %dma_wait3A_1583 : memref<1x50x64xf32, #tpu.memory_space<vmem>> -> memref<50x64xf32, #tpu.memory_space<vmem>>
        %dma_wait3A_1585 = arith.constant 0 : i32
        %dma_wait3A_1586 = arith.constant 0 : i32
        %dma_wait3A_1587 = tpu.memref_slice %arg4[%add3A_1532, %dma_wait3A_1585, %dma_wait3A_1586] : memref<16384x50x64xf32, #tpu.memory_space<hbm>> -> memref<1x50x64xf32, #tpu.memory_space<hbm>>
        %dma_wait3A_1588 = tpu.memref_squeeze %dma_wait3A_1587 : memref<1x50x64xf32, #tpu.memory_space<hbm>> -> memref<50x64xf32, #tpu.memory_space<hbm>>
        %dma_wait3A_1589 = arith.constant 0 : i32
        %dma_wait3A_1590 = arith.constant 0 : i32
        %dma_wait3A_1591 = tpu.memref_slice %arg4[%add3A_1532, %dma_wait3A_1589, %dma_wait3A_1590] : memref<16384x50x64xf32, #tpu.memory_space<hbm>> -> memref<1x50x64xf32, #tpu.memory_space<hbm>>
        %dma_wait3A_1592 = tpu.memref_squeeze %dma_wait3A_1591 : memref<1x50x64xf32, #tpu.memory_space<hbm>> -> memref<50x64xf32, #tpu.memory_space<hbm>>
        %dma_wait3A_1593 = arith.constant 50 : i32
        %dma_wait3A_1594 = arith.constant 0 : i32
        %dma_wait3A_1595 = tpu.memref_slice %arg6[%dma_wait3A_1580, %dma_wait3A_1593, %dma_wait3A_1594] : memref<4x400x64xf32, #tpu.memory_space<vmem>> -> memref<1x50x64xf32, #tpu.memory_space<vmem>>
        %dma_wait3A_1596 = tpu.memref_squeeze %dma_wait3A_1595 : memref<1x50x64xf32, #tpu.memory_space<vmem>> -> memref<50x64xf32, #tpu.memory_space<vmem>>
        tpu.wait_dma2 semaphore(%arg14 : memref<!tpu.dma_semaphore, #tpu.memory_space<semaphore_mem>>) src(%dma_wait3A_1596 : memref<50x64xf32, #tpu.memory_space<vmem>>) dst(%dma_wait3A_1592 : memref<50x64xf32, #tpu.memory_space<hbm>>)
        %dma_wait3A_1597 = arith.constant 3 : i32
        %dma_wait3A_1598 = arith.constant 100 : i32
        %dma_wait3A_1599 = arith.constant 0 : i32
        %dma_wait3A_1600 = tpu.memref_slice %arg6[%dma_wait3A_1597, %dma_wait3A_1598, %dma_wait3A_1599] : memref<4x400x64xf32, #tpu.memory_space<vmem>> -> memref<1x50x64xf32, #tpu.memory_space<vmem>>
        %dma_wait3A_1601 = tpu.memref_squeeze %dma_wait3A_1600 : memref<1x50x64xf32, #tpu.memory_space<vmem>> -> memref<50x64xf32, #tpu.memory_space<vmem>>
        %dma_wait3A_1602 = arith.constant 0 : i32
        %dma_wait3A_1603 = arith.constant 0 : i32
        %dma_wait3A_1604 = tpu.memref_slice %arg4[%add3A_1537, %dma_wait3A_1602, %dma_wait3A_1603] : memref<16384x50x64xf32, #tpu.memory_space<hbm>> -> memref<1x50x64xf32, #tpu.memory_space<hbm>>
        %dma_wait3A_1605 = tpu.memref_squeeze %dma_wait3A_1604 : memref<1x50x64xf32, #tpu.memory_space<hbm>> -> memref<50x64xf32, #tpu.memory_space<hbm>>
        %dma_wait3A_1606 = arith.constant 0 : i32
        %dma_wait3A_1607 = arith.constant 0 : i32
        %dma_wait3A_1608 = tpu.memref_slice %arg4[%add3A_1537, %dma_wait3A_1606, %dma_wait3A_1607] : memref<16384x50x64xf32, #tpu.memory_space<hbm>> -> memref<1x50x64xf32, #tpu.memory_space<hbm>>
        %dma_wait3A_1609 = tpu.memref_squeeze %dma_wait3A_1608 : memref<1x50x64xf32, #tpu.memory_space<hbm>> -> memref<50x64xf32, #tpu.memory_space<hbm>>
        %dma_wait3A_1610 = arith.constant 100 : i32
        %dma_wait3A_1611 = arith.constant 0 : i32
        %dma_wait3A_1612 = tpu.memref_slice %arg6[%dma_wait3A_1597, %dma_wait3A_1610, %dma_wait3A_1611] : memref<4x400x64xf32, #tpu.memory_space<vmem>> -> memref<1x50x64xf32, #tpu.memory_space<vmem>>
        %dma_wait3A_1613 = tpu.memref_squeeze %dma_wait3A_1612 : memref<1x50x64xf32, #tpu.memory_space<vmem>> -> memref<50x64xf32, #tpu.memory_space<vmem>>
        tpu.wait_dma2 semaphore(%arg14 : memref<!tpu.dma_semaphore, #tpu.memory_space<semaphore_mem>>) src(%dma_wait3A_1613 : memref<50x64xf32, #tpu.memory_space<vmem>>) dst(%dma_wait3A_1609 : memref<50x64xf32, #tpu.memory_space<hbm>>)
        %dma_wait3A_1614 = arith.constant 3 : i32
        %dma_wait3A_1615 = arith.constant 150 : i32
        %dma_wait3A_1616 = arith.constant 0 : i32
        %dma_wait3A_1617 = tpu.memref_slice %arg6[%dma_wait3A_1614, %dma_wait3A_1615, %dma_wait3A_1616] : memref<4x400x64xf32, #tpu.memory_space<vmem>> -> memref<1x50x64xf32, #tpu.memory_space<vmem>>
        %dma_wait3A_1618 = tpu.memref_squeeze %dma_wait3A_1617 : memref<1x50x64xf32, #tpu.memory_space<vmem>> -> memref<50x64xf32, #tpu.memory_space<vmem>>
        %dma_wait3A_1619 = arith.constant 0 : i32
        %dma_wait3A_1620 = arith.constant 0 : i32
        %dma_wait3A_1621 = tpu.memref_slice %arg4[%add3A_1542, %dma_wait3A_1619, %dma_wait3A_1620] : memref<16384x50x64xf32, #tpu.memory_space<hbm>> -> memref<1x50x64xf32, #tpu.memory_space<hbm>>
        %dma_wait3A_1622 = tpu.memref_squeeze %dma_wait3A_1621 : memref<1x50x64xf32, #tpu.memory_space<hbm>> -> memref<50x64xf32, #tpu.memory_space<hbm>>
        %dma_wait3A_1623 = arith.constant 0 : i32
        %dma_wait3A_1624 = arith.constant 0 : i32
        %dma_wait3A_1625 = tpu.memref_slice %arg4[%add3A_1542, %dma_wait3A_1623, %dma_wait3A_1624] : memref<16384x50x64xf32, #tpu.memory_space<hbm>> -> memref<1x50x64xf32, #tpu.memory_space<hbm>>
        %dma_wait3A_1626 = tpu.memref_squeeze %dma_wait3A_1625 : memref<1x50x64xf32, #tpu.memory_space<hbm>> -> memref<50x64xf32, #tpu.memory_space<hbm>>
        %dma_wait3A_1627 = arith.constant 150 : i32
        %dma_wait3A_1628 = arith.constant 0 : i32
        %dma_wait3A_1629 = tpu.memref_slice %arg6[%dma_wait3A_1614, %dma_wait3A_1627, %dma_wait3A_1628] : memref<4x400x64xf32, #tpu.memory_space<vmem>> -> memref<1x50x64xf32, #tpu.memory_space<vmem>>
        %dma_wait3A_1630 = tpu.memref_squeeze %dma_wait3A_1629 : memref<1x50x64xf32, #tpu.memory_space<vmem>> -> memref<50x64xf32, #tpu.memory_space<vmem>>
        tpu.wait_dma2 semaphore(%arg14 : memref<!tpu.dma_semaphore, #tpu.memory_space<semaphore_mem>>) src(%dma_wait3A_1630 : memref<50x64xf32, #tpu.memory_space<vmem>>) dst(%dma_wait3A_1626 : memref<50x64xf32, #tpu.memory_space<hbm>>)
        %dma_wait3A_1631 = arith.constant 3 : i32
        %dma_wait3A_1632 = arith.constant 200 : i32
        %dma_wait3A_1633 = arith.constant 0 : i32
        %dma_wait3A_1634 = tpu.memref_slice %arg6[%dma_wait3A_1631, %dma_wait3A_1632, %dma_wait3A_1633] : memref<4x400x64xf32, #tpu.memory_space<vmem>> -> memref<1x50x64xf32, #tpu.memory_space<vmem>>
        %dma_wait3A_1635 = tpu.memref_squeeze %dma_wait3A_1634 : memref<1x50x64xf32, #tpu.memory_space<vmem>> -> memref<50x64xf32, #tpu.memory_space<vmem>>
        %dma_wait3A_1636 = arith.constant 0 : i32
        %dma_wait3A_1637 = arith.constant 0 : i32
        %dma_wait3A_1638 = tpu.memref_slice %arg4[%add3A_1547, %dma_wait3A_1636, %dma_wait3A_1637] : memref<16384x50x64xf32, #tpu.memory_space<hbm>> -> memref<1x50x64xf32, #tpu.memory_space<hbm>>
        %dma_wait3A_1639 = tpu.memref_squeeze %dma_wait3A_1638 : memref<1x50x64xf32, #tpu.memory_space<hbm>> -> memref<50x64xf32, #tpu.memory_space<hbm>>
        %dma_wait3A_1640 = arith.constant 0 : i32
        %dma_wait3A_1641 = arith.constant 0 : i32
        %dma_wait3A_1642 = tpu.memref_slice %arg4[%add3A_1547, %dma_wait3A_1640, %dma_wait3A_1641] : memref<16384x50x64xf32, #tpu.memory_space<hbm>> -> memref<1x50x64xf32, #tpu.memory_space<hbm>>
        %dma_wait3A_1643 = tpu.memref_squeeze %dma_wait3A_1642 : memref<1x50x64xf32, #tpu.memory_space<hbm>> -> memref<50x64xf32, #tpu.memory_space<hbm>>
        %dma_wait3A_1644 = arith.constant 200 : i32
        %dma_wait3A_1645 = arith.constant 0 : i32
        %dma_wait3A_1646 = tpu.memref_slice %arg6[%dma_wait3A_1631, %dma_wait3A_1644, %dma_wait3A_1645] : memref<4x400x64xf32, #tpu.memory_space<vmem>> -> memref<1x50x64xf32, #tpu.memory_space<vmem>>
        %dma_wait3A_1647 = tpu.memref_squeeze %dma_wait3A_1646 : memref<1x50x64xf32, #tpu.memory_space<vmem>> -> memref<50x64xf32, #tpu.memory_space<vmem>>
        tpu.wait_dma2 semaphore(%arg14 : memref<!tpu.dma_semaphore, #tpu.memory_space<semaphore_mem>>) src(%dma_wait3A_1647 : memref<50x64xf32, #tpu.memory_space<vmem>>) dst(%dma_wait3A_1643 : memref<50x64xf32, #tpu.memory_space<hbm>>)
        %dma_wait3A_1648 = arith.constant 3 : i32
        %dma_wait3A_1649 = arith.constant 250 : i32
        %dma_wait3A_1650 = arith.constant 0 : i32
        %dma_wait3A_1651 = tpu.memref_slice %arg6[%dma_wait3A_1648, %dma_wait3A_1649, %dma_wait3A_1650] : memref<4x400x64xf32, #tpu.memory_space<vmem>> -> memref<1x50x64xf32, #tpu.memory_space<vmem>>
        %dma_wait3A_1652 = tpu.memref_squeeze %dma_wait3A_1651 : memref<1x50x64xf32, #tpu.memory_space<vmem>> -> memref<50x64xf32, #tpu.memory_space<vmem>>
        %dma_wait3A_1653 = arith.constant 0 : i32
        %dma_wait3A_1654 = arith.constant 0 : i32
        %dma_wait3A_1655 = tpu.memref_slice %arg4[%add3A_1552, %dma_wait3A_1653, %dma_wait3A_1654] : memref<16384x50x64xf32, #tpu.memory_space<hbm>> -> memref<1x50x64xf32, #tpu.memory_space<hbm>>
        %dma_wait3A_1656 = tpu.memref_squeeze %dma_wait3A_1655 : memref<1x50x64xf32, #tpu.memory_space<hbm>> -> memref<50x64xf32, #tpu.memory_space<hbm>>
        %dma_wait3A_1657 = arith.constant 0 : i32
        %dma_wait3A_1658 = arith.constant 0 : i32
        %dma_wait3A_1659 = tpu.memref_slice %arg4[%add3A_1552, %dma_wait3A_1657, %dma_wait3A_1658] : memref<16384x50x64xf32, #tpu.memory_space<hbm>> -> memref<1x50x64xf32, #tpu.memory_space<hbm>>
        %dma_wait3A_1660 = tpu.memref_squeeze %dma_wait3A_1659 : memref<1x50x64xf32, #tpu.memory_space<hbm>> -> memref<50x64xf32, #tpu.memory_space<hbm>>
        %dma_wait3A_1661 = arith.constant 250 : i32
        %dma_wait3A_1662 = arith.constant 0 : i32
        %dma_wait3A_1663 = tpu.memref_slice %arg6[%dma_wait3A_1648, %dma_wait3A_1661, %dma_wait3A_1662] : memref<4x400x64xf32, #tpu.memory_space<vmem>> -> memref<1x50x64xf32, #tpu.memory_space<vmem>>
        %dma_wait3A_1664 = tpu.memref_squeeze %dma_wait3A_1663 : memref<1x50x64xf32, #tpu.memory_space<vmem>> -> memref<50x64xf32, #tpu.memory_space<vmem>>
        tpu.wait_dma2 semaphore(%arg14 : memref<!tpu.dma_semaphore, #tpu.memory_space<semaphore_mem>>) src(%dma_wait3A_1664 : memref<50x64xf32, #tpu.memory_space<vmem>>) dst(%dma_wait3A_1660 : memref<50x64xf32, #tpu.memory_space<hbm>>)
        %dma_wait3A_1665 = arith.constant 3 : i32
        %dma_wait3A_1666 = arith.constant 300 : i32
        %dma_wait3A_1667 = arith.constant 0 : i32
        %dma_wait3A_1668 = tpu.memref_slice %arg6[%dma_wait3A_1665, %dma_wait3A_1666, %dma_wait3A_1667] : memref<4x400x64xf32, #tpu.memory_space<vmem>> -> memref<1x50x64xf32, #tpu.memory_space<vmem>>
        %dma_wait3A_1669 = tpu.memref_squeeze %dma_wait3A_1668 : memref<1x50x64xf32, #tpu.memory_space<vmem>> -> memref<50x64xf32, #tpu.memory_space<vmem>>
        %dma_wait3A_1670 = arith.constant 0 : i32
        %dma_wait3A_1671 = arith.constant 0 : i32
        %dma_wait3A_1672 = tpu.memref_slice %arg4[%add3A_1557, %dma_wait3A_1670, %dma_wait3A_1671] : memref<16384x50x64xf32, #tpu.memory_space<hbm>> -> memref<1x50x64xf32, #tpu.memory_space<hbm>>
        %dma_wait3A_1673 = tpu.memref_squeeze %dma_wait3A_1672 : memref<1x50x64xf32, #tpu.memory_space<hbm>> -> memref<50x64xf32, #tpu.memory_space<hbm>>
        %dma_wait3A_1674 = arith.constant 0 : i32
        %dma_wait3A_1675 = arith.constant 0 : i32
        %dma_wait3A_1676 = tpu.memref_slice %arg4[%add3A_1557, %dma_wait3A_1674, %dma_wait3A_1675] : memref<16384x50x64xf32, #tpu.memory_space<hbm>> -> memref<1x50x64xf32, #tpu.memory_space<hbm>>
        %dma_wait3A_1677 = tpu.memref_squeeze %dma_wait3A_1676 : memref<1x50x64xf32, #tpu.memory_space<hbm>> -> memref<50x64xf32, #tpu.memory_space<hbm>>
        %dma_wait3A_1678 = arith.constant 300 : i32
        %dma_wait3A_1679 = arith.constant 0 : i32
        %dma_wait3A_1680 = tpu.memref_slice %arg6[%dma_wait3A_1665, %dma_wait3A_1678, %dma_wait3A_1679] : memref<4x400x64xf32, #tpu.memory_space<vmem>> -> memref<1x50x64xf32, #tpu.memory_space<vmem>>
        %dma_wait3A_1681 = tpu.memref_squeeze %dma_wait3A_1680 : memref<1x50x64xf32, #tpu.memory_space<vmem>> -> memref<50x64xf32, #tpu.memory_space<vmem>>
        tpu.wait_dma2 semaphore(%arg14 : memref<!tpu.dma_semaphore, #tpu.memory_space<semaphore_mem>>) src(%dma_wait3A_1681 : memref<50x64xf32, #tpu.memory_space<vmem>>) dst(%dma_wait3A_1677 : memref<50x64xf32, #tpu.memory_space<hbm>>)
        %dma_wait3A_1682 = arith.constant 3 : i32
        %dma_wait3A_1683 = arith.constant 350 : i32
        %dma_wait3A_1684 = arith.constant 0 : i32
        %dma_wait3A_1685 = tpu.memref_slice %arg6[%dma_wait3A_1682, %dma_wait3A_1683, %dma_wait3A_1684] : memref<4x400x64xf32, #tpu.memory_space<vmem>> -> memref<1x50x64xf32, #tpu.memory_space<vmem>>
        %dma_wait3A_1686 = tpu.memref_squeeze %dma_wait3A_1685 : memref<1x50x64xf32, #tpu.memory_space<vmem>> -> memref<50x64xf32, #tpu.memory_space<vmem>>
        %dma_wait3A_1687 = arith.constant 0 : i32
        %dma_wait3A_1688 = arith.constant 0 : i32
        %dma_wait3A_1689 = tpu.memref_slice %arg4[%add3A_1562, %dma_wait3A_1687, %dma_wait3A_1688] : memref<16384x50x64xf32, #tpu.memory_space<hbm>> -> memref<1x50x64xf32, #tpu.memory_space<hbm>>
        %dma_wait3A_1690 = tpu.memref_squeeze %dma_wait3A_1689 : memref<1x50x64xf32, #tpu.memory_space<hbm>> -> memref<50x64xf32, #tpu.memory_space<hbm>>
        %dma_wait3A_1691 = arith.constant 0 : i32
        %dma_wait3A_1692 = arith.constant 0 : i32
        %dma_wait3A_1693 = tpu.memref_slice %arg4[%add3A_1562, %dma_wait3A_1691, %dma_wait3A_1692] : memref<16384x50x64xf32, #tpu.memory_space<hbm>> -> memref<1x50x64xf32, #tpu.memory_space<hbm>>
        %dma_wait3A_1694 = tpu.memref_squeeze %dma_wait3A_1693 : memref<1x50x64xf32, #tpu.memory_space<hbm>> -> memref<50x64xf32, #tpu.memory_space<hbm>>
        %dma_wait3A_1695 = arith.constant 350 : i32
        %dma_wait3A_1696 = arith.constant 0 : i32
        %dma_wait3A_1697 = tpu.memref_slice %arg6[%dma_wait3A_1682, %dma_wait3A_1695, %dma_wait3A_1696] : memref<4x400x64xf32, #tpu.memory_space<vmem>> -> memref<1x50x64xf32, #tpu.memory_space<vmem>>
        %dma_wait3A_1698 = tpu.memref_squeeze %dma_wait3A_1697 : memref<1x50x64xf32, #tpu.memory_space<vmem>> -> memref<50x64xf32, #tpu.memory_space<vmem>>
        tpu.wait_dma2 semaphore(%arg14 : memref<!tpu.dma_semaphore, #tpu.memory_space<semaphore_mem>>) src(%dma_wait3A_1698 : memref<50x64xf32, #tpu.memory_space<vmem>>) dst(%dma_wait3A_1694 : memref<50x64xf32, #tpu.memory_space<hbm>>)
        %mul3A_1699 = arith.constant 400 : i32
        %mul3A_1700 = arith.muli %sub3A_914, %mul3A_1699 : i32
        %dma_start3A_1701 = arith.constant 3 : i32
        %dma_start3A_1702 = arith.constant 0 : i32
        %dma_start3A_1703 = arith.constant 0 : i32
        %dma_start3A_1704 = tpu.memref_slice %arg6[%dma_start3A_1701, %dma_start3A_1702, %dma_start3A_1703] : memref<4x400x64xf32, #tpu.memory_space<vmem>> -> memref<1x400x64xf32, #tpu.memory_space<vmem>>
        %dma_start3A_1705 = tpu.memref_squeeze %dma_start3A_1704 : memref<1x400x64xf32, #tpu.memory_space<vmem>> -> memref<400x64xf32, #tpu.memory_space<vmem>>
        %dma_start3A_1706 = tpu.memref_slice %arg5[%mul3A_1700] : memref<25600xi32, #tpu.memory_space<vmem>> -> memref<400xi32, #tpu.memory_space<vmem>>
        %dma_start3A_1707 = arith.constant 0 : i32
        %dma_start3A_1708 = arith.constant 0 : i32
        %dma_start3A_1709 = tpu.memref_slice %arg3[%dma_start3A_1707, %dma_start3A_1708] : memref<1000000x64xf32, #tpu.memory_space<hbm>> -> memref<1000000x64xf32, #tpu.memory_space<hbm>>
        tpu.enqueue_indirect_dma source(%dma_start3A_1709 : memref<1000000x64xf32, #tpu.memory_space<hbm>>) target(%dma_start3A_1705 : memref<400x64xf32, #tpu.memory_space<vmem>>) offsets(%dma_start3A_1706 : memref<400xi32, #tpu.memory_space<vmem>>) semaphore(%arg10 : memref<!tpu.dma_semaphore, #tpu.memory_space<semaphore_mem>>)
      } else {
      }
      %add3A_918 = arith.constant 1 : i32
      %add3A_919 = arith.addi %mul3A_722, %add3A_918 : i32
      %mul3A_920 = arith.constant 400 : i32
      %mul3A_921 = arith.muli %add3A_919, %mul3A_920 : i32
      %dma_wait3A_922 = arith.constant 1 : i32
      %dma_wait3A_923 = arith.constant 0 : i32
      %dma_wait3A_924 = arith.constant 0 : i32
      %dma_wait3A_925 = tpu.memref_slice %arg6[%dma_wait3A_922, %dma_wait3A_923, %dma_wait3A_924] : memref<4x400x64xf32, #tpu.memory_space<vmem>> -> memref<1x400x64xf32, #tpu.memory_space<vmem>>
      %dma_wait3A_926 = tpu.memref_squeeze %dma_wait3A_925 : memref<1x400x64xf32, #tpu.memory_space<vmem>> -> memref<400x64xf32, #tpu.memory_space<vmem>>
      %dma_wait3A_927 = tpu.memref_slice %arg5[%mul3A_921] : memref<25600xi32, #tpu.memory_space<vmem>> -> memref<400xi32, #tpu.memory_space<vmem>>
      %dma_wait3A_928 = arith.constant 0 : i32
      %dma_wait3A_929 = arith.constant 0 : i32
      %dma_wait3A_930 = tpu.memref_slice %arg3[%dma_wait3A_928, %dma_wait3A_929] : memref<1000000x64xf32, #tpu.memory_space<hbm>> -> memref<1000000x64xf32, #tpu.memory_space<hbm>>
      tpu.wait_indirect_dma semaphore(%arg8 : memref<!tpu.dma_semaphore, #tpu.memory_space<semaphore_mem>>) src(%dma_wait3A_930 : memref<1000000x64xf32, #tpu.memory_space<hbm>>) dst(%dma_wait3A_926 : memref<400x64xf32, #tpu.memory_space<vmem>>)
      %mul3A_931 = arith.constant 8 : i32
      %mul3A_932 = arith.muli %add3A_919, %mul3A_931 : i32
      %add3A_933 = arith.addi %mul3A_2, %mul3A_932 : i32
      %add3A_934 = arith.constant 0 : i32
      %add3A_935 = arith.addi %add3A_933, %add3A_934 : i32
      %mul3A_936 = arith.constant 8 : i32
      %mul3A_937 = arith.muli %add3A_919, %mul3A_936 : i32
      %add3A_938 = arith.addi %mul3A_2, %mul3A_937 : i32
      %add3A_939 = arith.constant 1 : i32
      %add3A_940 = arith.addi %add3A_938, %add3A_939 : i32
      %mul3A_941 = arith.constant 8 : i32
      %mul3A_942 = arith.muli %add3A_919, %mul3A_941 : i32
      %add3A_943 = arith.addi %mul3A_2, %mul3A_942 : i32
      %add3A_944 = arith.constant 2 : i32
      %add3A_945 = arith.addi %add3A_943, %add3A_944 : i32
      %mul3A_946 = arith.constant 8 : i32
      %mul3A_947 = arith.muli %add3A_919, %mul3A_946 : i32
      %add3A_948 = arith.addi %mul3A_2, %mul3A_947 : i32
      %add3A_949 = arith.constant 3 : i32
      %add3A_950 = arith.addi %add3A_948, %add3A_949 : i32
      %mul3A_951 = arith.constant 8 : i32
      %mul3A_952 = arith.muli %add3A_919, %mul3A_951 : i32
      %add3A_953 = arith.addi %mul3A_2, %mul3A_952 : i32
      %add3A_954 = arith.constant 4 : i32
      %add3A_955 = arith.addi %add3A_953, %add3A_954 : i32
      %mul3A_956 = arith.constant 8 : i32
      %mul3A_957 = arith.muli %add3A_919, %mul3A_956 : i32
      %add3A_958 = arith.addi %mul3A_2, %mul3A_957 : i32
      %add3A_959 = arith.constant 5 : i32
      %add3A_960 = arith.addi %add3A_958, %add3A_959 : i32
      %mul3A_961 = arith.constant 8 : i32
      %mul3A_962 = arith.muli %add3A_919, %mul3A_961 : i32
      %add3A_963 = arith.addi %mul3A_2, %mul3A_962 : i32
      %add3A_964 = arith.constant 6 : i32
      %add3A_965 = arith.addi %add3A_963, %add3A_964 : i32
      %mul3A_966 = arith.constant 8 : i32
      %mul3A_967 = arith.muli %add3A_919, %mul3A_966 : i32
      %add3A_968 = arith.addi %mul3A_2, %mul3A_967 : i32
      %add3A_969 = arith.constant 7 : i32
      %add3A_970 = arith.addi %add3A_968, %add3A_969 : i32
      %dma_start3A_971 = arith.constant 1 : i32
      %dma_start3A_972 = arith.constant 0 : i32
      %dma_start3A_973 = arith.constant 0 : i32
      %dma_start3A_974 = tpu.memref_slice %arg6[%dma_start3A_971, %dma_start3A_972, %dma_start3A_973] : memref<4x400x64xf32, #tpu.memory_space<vmem>> -> memref<1x50x64xf32, #tpu.memory_space<vmem>>
      %dma_start3A_975 = tpu.memref_squeeze %dma_start3A_974 : memref<1x50x64xf32, #tpu.memory_space<vmem>> -> memref<50x64xf32, #tpu.memory_space<vmem>>
      %dma_start3A_976 = arith.constant 0 : i32
      %dma_start3A_977 = arith.constant 0 : i32
      %dma_start3A_978 = tpu.memref_slice %arg4[%add3A_935, %dma_start3A_976, %dma_start3A_977] : memref<16384x50x64xf32, #tpu.memory_space<hbm>> -> memref<1x50x64xf32, #tpu.memory_space<hbm>>
      %dma_start3A_979 = tpu.memref_squeeze %dma_start3A_978 : memref<1x50x64xf32, #tpu.memory_space<hbm>> -> memref<50x64xf32, #tpu.memory_space<hbm>>
      %dma_start3A_980 = arith.constant 0 : i32
      %dma_start3A_981 = arith.constant 0 : i32
      %dma_start3A_982 = tpu.memref_slice %arg4[%add3A_935, %dma_start3A_980, %dma_start3A_981] : memref<16384x50x64xf32, #tpu.memory_space<hbm>> -> memref<1x50x64xf32, #tpu.memory_space<hbm>>
      %dma_start3A_983 = tpu.memref_squeeze %dma_start3A_982 : memref<1x50x64xf32, #tpu.memory_space<hbm>> -> memref<50x64xf32, #tpu.memory_space<hbm>>
      %dma_start3A_984 = arith.constant 0 : i32
      %dma_start3A_985 = arith.constant 0 : i32
      %dma_start3A_986 = tpu.memref_slice %arg6[%dma_start3A_971, %dma_start3A_984, %dma_start3A_985] : memref<4x400x64xf32, #tpu.memory_space<vmem>> -> memref<1x50x64xf32, #tpu.memory_space<vmem>>
      %dma_start3A_987 = tpu.memref_squeeze %dma_start3A_986 : memref<1x50x64xf32, #tpu.memory_space<vmem>> -> memref<50x64xf32, #tpu.memory_space<vmem>>
      tpu.enqueue_dma source(%dma_start3A_987 : memref<50x64xf32, #tpu.memory_space<vmem>>) target(%dma_start3A_983 : memref<50x64xf32, #tpu.memory_space<hbm>>) target_semaphore(%arg12 : memref<!tpu.dma_semaphore, #tpu.memory_space<semaphore_mem>>)
      %dma_start3A_988 = arith.constant 1 : i32
      %dma_start3A_989 = arith.constant 50 : i32
      %dma_start3A_990 = arith.constant 0 : i32
      %dma_start3A_991 = tpu.memref_slice %arg6[%dma_start3A_988, %dma_start3A_989, %dma_start3A_990] : memref<4x400x64xf32, #tpu.memory_space<vmem>> -> memref<1x50x64xf32, #tpu.memory_space<vmem>>
      %dma_start3A_992 = tpu.memref_squeeze %dma_start3A_991 : memref<1x50x64xf32, #tpu.memory_space<vmem>> -> memref<50x64xf32, #tpu.memory_space<vmem>>
      %dma_start3A_993 = arith.constant 0 : i32
      %dma_start3A_994 = arith.constant 0 : i32
      %dma_start3A_995 = tpu.memref_slice %arg4[%add3A_940, %dma_start3A_993, %dma_start3A_994] : memref<16384x50x64xf32, #tpu.memory_space<hbm>> -> memref<1x50x64xf32, #tpu.memory_space<hbm>>
      %dma_start3A_996 = tpu.memref_squeeze %dma_start3A_995 : memref<1x50x64xf32, #tpu.memory_space<hbm>> -> memref<50x64xf32, #tpu.memory_space<hbm>>
      %dma_start3A_997 = arith.constant 0 : i32
      %dma_start3A_998 = arith.constant 0 : i32
      %dma_start3A_999 = tpu.memref_slice %arg4[%add3A_940, %dma_start3A_997, %dma_start3A_998] : memref<16384x50x64xf32, #tpu.memory_space<hbm>> -> memref<1x50x64xf32, #tpu.memory_space<hbm>>
      %dma_start3A_1000 = tpu.memref_squeeze %dma_start3A_999 : memref<1x50x64xf32, #tpu.memory_space<hbm>> -> memref<50x64xf32, #tpu.memory_space<hbm>>
      %dma_start3A_1001 = arith.constant 50 : i32
      %dma_start3A_1002 = arith.constant 0 : i32
      %dma_start3A_1003 = tpu.memref_slice %arg6[%dma_start3A_988, %dma_start3A_1001, %dma_start3A_1002] : memref<4x400x64xf32, #tpu.memory_space<vmem>> -> memref<1x50x64xf32, #tpu.memory_space<vmem>>
      %dma_start3A_1004 = tpu.memref_squeeze %dma_start3A_1003 : memref<1x50x64xf32, #tpu.memory_space<vmem>> -> memref<50x64xf32, #tpu.memory_space<vmem>>
      tpu.enqueue_dma source(%dma_start3A_1004 : memref<50x64xf32, #tpu.memory_space<vmem>>) target(%dma_start3A_1000 : memref<50x64xf32, #tpu.memory_space<hbm>>) target_semaphore(%arg12 : memref<!tpu.dma_semaphore, #tpu.memory_space<semaphore_mem>>)
      %dma_start3A_1005 = arith.constant 1 : i32
      %dma_start3A_1006 = arith.constant 100 : i32
      %dma_start3A_1007 = arith.constant 0 : i32
      %dma_start3A_1008 = tpu.memref_slice %arg6[%dma_start3A_1005, %dma_start3A_1006, %dma_start3A_1007] : memref<4x400x64xf32, #tpu.memory_space<vmem>> -> memref<1x50x64xf32, #tpu.memory_space<vmem>>
      %dma_start3A_1009 = tpu.memref_squeeze %dma_start3A_1008 : memref<1x50x64xf32, #tpu.memory_space<vmem>> -> memref<50x64xf32, #tpu.memory_space<vmem>>
      %dma_start3A_1010 = arith.constant 0 : i32
      %dma_start3A_1011 = arith.constant 0 : i32
      %dma_start3A_1012 = tpu.memref_slice %arg4[%add3A_945, %dma_start3A_1010, %dma_start3A_1011] : memref<16384x50x64xf32, #tpu.memory_space<hbm>> -> memref<1x50x64xf32, #tpu.memory_space<hbm>>
      %dma_start3A_1013 = tpu.memref_squeeze %dma_start3A_1012 : memref<1x50x64xf32, #tpu.memory_space<hbm>> -> memref<50x64xf32, #tpu.memory_space<hbm>>
      %dma_start3A_1014 = arith.constant 0 : i32
      %dma_start3A_1015 = arith.constant 0 : i32
      %dma_start3A_1016 = tpu.memref_slice %arg4[%add3A_945, %dma_start3A_1014, %dma_start3A_1015] : memref<16384x50x64xf32, #tpu.memory_space<hbm>> -> memref<1x50x64xf32, #tpu.memory_space<hbm>>
      %dma_start3A_1017 = tpu.memref_squeeze %dma_start3A_1016 : memref<1x50x64xf32, #tpu.memory_space<hbm>> -> memref<50x64xf32, #tpu.memory_space<hbm>>
      %dma_start3A_1018 = arith.constant 100 : i32
      %dma_start3A_1019 = arith.constant 0 : i32
      %dma_start3A_1020 = tpu.memref_slice %arg6[%dma_start3A_1005, %dma_start3A_1018, %dma_start3A_1019] : memref<4x400x64xf32, #tpu.memory_space<vmem>> -> memref<1x50x64xf32, #tpu.memory_space<vmem>>
      %dma_start3A_1021 = tpu.memref_squeeze %dma_start3A_1020 : memref<1x50x64xf32, #tpu.memory_space<vmem>> -> memref<50x64xf32, #tpu.memory_space<vmem>>
      tpu.enqueue_dma source(%dma_start3A_1021 : memref<50x64xf32, #tpu.memory_space<vmem>>) target(%dma_start3A_1017 : memref<50x64xf32, #tpu.memory_space<hbm>>) target_semaphore(%arg12 : memref<!tpu.dma_semaphore, #tpu.memory_space<semaphore_mem>>)
      %dma_start3A_1022 = arith.constant 1 : i32
      %dma_start3A_1023 = arith.constant 150 : i32
      %dma_start3A_1024 = arith.constant 0 : i32
      %dma_start3A_1025 = tpu.memref_slice %arg6[%dma_start3A_1022, %dma_start3A_1023, %dma_start3A_1024] : memref<4x400x64xf32, #tpu.memory_space<vmem>> -> memref<1x50x64xf32, #tpu.memory_space<vmem>>
      %dma_start3A_1026 = tpu.memref_squeeze %dma_start3A_1025 : memref<1x50x64xf32, #tpu.memory_space<vmem>> -> memref<50x64xf32, #tpu.memory_space<vmem>>
      %dma_start3A_1027 = arith.constant 0 : i32
      %dma_start3A_1028 = arith.constant 0 : i32
      %dma_start3A_1029 = tpu.memref_slice %arg4[%add3A_950, %dma_start3A_1027, %dma_start3A_1028] : memref<16384x50x64xf32, #tpu.memory_space<hbm>> -> memref<1x50x64xf32, #tpu.memory_space<hbm>>
      %dma_start3A_1030 = tpu.memref_squeeze %dma_start3A_1029 : memref<1x50x64xf32, #tpu.memory_space<hbm>> -> memref<50x64xf32, #tpu.memory_space<hbm>>
      %dma_start3A_1031 = arith.constant 0 : i32
      %dma_start3A_1032 = arith.constant 0 : i32
      %dma_start3A_1033 = tpu.memref_slice %arg4[%add3A_950, %dma_start3A_1031, %dma_start3A_1032] : memref<16384x50x64xf32, #tpu.memory_space<hbm>> -> memref<1x50x64xf32, #tpu.memory_space<hbm>>
      %dma_start3A_1034 = tpu.memref_squeeze %dma_start3A_1033 : memref<1x50x64xf32, #tpu.memory_space<hbm>> -> memref<50x64xf32, #tpu.memory_space<hbm>>
      %dma_start3A_1035 = arith.constant 150 : i32
      %dma_start3A_1036 = arith.constant 0 : i32
      %dma_start3A_1037 = tpu.memref_slice %arg6[%dma_start3A_1022, %dma_start3A_1035, %dma_start3A_1036] : memref<4x400x64xf32, #tpu.memory_space<vmem>> -> memref<1x50x64xf32, #tpu.memory_space<vmem>>
      %dma_start3A_1038 = tpu.memref_squeeze %dma_start3A_1037 : memref<1x50x64xf32, #tpu.memory_space<vmem>> -> memref<50x64xf32, #tpu.memory_space<vmem>>
      tpu.enqueue_dma source(%dma_start3A_1038 : memref<50x64xf32, #tpu.memory_space<vmem>>) target(%dma_start3A_1034 : memref<50x64xf32, #tpu.memory_space<hbm>>) target_semaphore(%arg12 : memref<!tpu.dma_semaphore, #tpu.memory_space<semaphore_mem>>)
      %dma_start3A_1039 = arith.constant 1 : i32
      %dma_start3A_1040 = arith.constant 200 : i32
      %dma_start3A_1041 = arith.constant 0 : i32
      %dma_start3A_1042 = tpu.memref_slice %arg6[%dma_start3A_1039, %dma_start3A_1040, %dma_start3A_1041] : memref<4x400x64xf32, #tpu.memory_space<vmem>> -> memref<1x50x64xf32, #tpu.memory_space<vmem>>
      %dma_start3A_1043 = tpu.memref_squeeze %dma_start3A_1042 : memref<1x50x64xf32, #tpu.memory_space<vmem>> -> memref<50x64xf32, #tpu.memory_space<vmem>>
      %dma_start3A_1044 = arith.constant 0 : i32
      %dma_start3A_1045 = arith.constant 0 : i32
      %dma_start3A_1046 = tpu.memref_slice %arg4[%add3A_955, %dma_start3A_1044, %dma_start3A_1045] : memref<16384x50x64xf32, #tpu.memory_space<hbm>> -> memref<1x50x64xf32, #tpu.memory_space<hbm>>
      %dma_start3A_1047 = tpu.memref_squeeze %dma_start3A_1046 : memref<1x50x64xf32, #tpu.memory_space<hbm>> -> memref<50x64xf32, #tpu.memory_space<hbm>>
      %dma_start3A_1048 = arith.constant 0 : i32
      %dma_start3A_1049 = arith.constant 0 : i32
      %dma_start3A_1050 = tpu.memref_slice %arg4[%add3A_955, %dma_start3A_1048, %dma_start3A_1049] : memref<16384x50x64xf32, #tpu.memory_space<hbm>> -> memref<1x50x64xf32, #tpu.memory_space<hbm>>
      %dma_start3A_1051 = tpu.memref_squeeze %dma_start3A_1050 : memref<1x50x64xf32, #tpu.memory_space<hbm>> -> memref<50x64xf32, #tpu.memory_space<hbm>>
      %dma_start3A_1052 = arith.constant 200 : i32
      %dma_start3A_1053 = arith.constant 0 : i32
      %dma_start3A_1054 = tpu.memref_slice %arg6[%dma_start3A_1039, %dma_start3A_1052, %dma_start3A_1053] : memref<4x400x64xf32, #tpu.memory_space<vmem>> -> memref<1x50x64xf32, #tpu.memory_space<vmem>>
      %dma_start3A_1055 = tpu.memref_squeeze %dma_start3A_1054 : memref<1x50x64xf32, #tpu.memory_space<vmem>> -> memref<50x64xf32, #tpu.memory_space<vmem>>
      tpu.enqueue_dma source(%dma_start3A_1055 : memref<50x64xf32, #tpu.memory_space<vmem>>) target(%dma_start3A_1051 : memref<50x64xf32, #tpu.memory_space<hbm>>) target_semaphore(%arg12 : memref<!tpu.dma_semaphore, #tpu.memory_space<semaphore_mem>>)
      %dma_start3A_1056 = arith.constant 1 : i32
      %dma_start3A_1057 = arith.constant 250 : i32
      %dma_start3A_1058 = arith.constant 0 : i32
      %dma_start3A_1059 = tpu.memref_slice %arg6[%dma_start3A_1056, %dma_start3A_1057, %dma_start3A_1058] : memref<4x400x64xf32, #tpu.memory_space<vmem>> -> memref<1x50x64xf32, #tpu.memory_space<vmem>>
      %dma_start3A_1060 = tpu.memref_squeeze %dma_start3A_1059 : memref<1x50x64xf32, #tpu.memory_space<vmem>> -> memref<50x64xf32, #tpu.memory_space<vmem>>
      %dma_start3A_1061 = arith.constant 0 : i32
      %dma_start3A_1062 = arith.constant 0 : i32
      %dma_start3A_1063 = tpu.memref_slice %arg4[%add3A_960, %dma_start3A_1061, %dma_start3A_1062] : memref<16384x50x64xf32, #tpu.memory_space<hbm>> -> memref<1x50x64xf32, #tpu.memory_space<hbm>>
      %dma_start3A_1064 = tpu.memref_squeeze %dma_start3A_1063 : memref<1x50x64xf32, #tpu.memory_space<hbm>> -> memref<50x64xf32, #tpu.memory_space<hbm>>
      %dma_start3A_1065 = arith.constant 0 : i32
      %dma_start3A_1066 = arith.constant 0 : i32
      %dma_start3A_1067 = tpu.memref_slice %arg4[%add3A_960, %dma_start3A_1065, %dma_start3A_1066] : memref<16384x50x64xf32, #tpu.memory_space<hbm>> -> memref<1x50x64xf32, #tpu.memory_space<hbm>>
      %dma_start3A_1068 = tpu.memref_squeeze %dma_start3A_1067 : memref<1x50x64xf32, #tpu.memory_space<hbm>> -> memref<50x64xf32, #tpu.memory_space<hbm>>
      %dma_start3A_1069 = arith.constant 250 : i32
      %dma_start3A_1070 = arith.constant 0 : i32
      %dma_start3A_1071 = tpu.memref_slice %arg6[%dma_start3A_1056, %dma_start3A_1069, %dma_start3A_1070] : memref<4x400x64xf32, #tpu.memory_space<vmem>> -> memref<1x50x64xf32, #tpu.memory_space<vmem>>
      %dma_start3A_1072 = tpu.memref_squeeze %dma_start3A_1071 : memref<1x50x64xf32, #tpu.memory_space<vmem>> -> memref<50x64xf32, #tpu.memory_space<vmem>>
      tpu.enqueue_dma source(%dma_start3A_1072 : memref<50x64xf32, #tpu.memory_space<vmem>>) target(%dma_start3A_1068 : memref<50x64xf32, #tpu.memory_space<hbm>>) target_semaphore(%arg12 : memref<!tpu.dma_semaphore, #tpu.memory_space<semaphore_mem>>)
      %dma_start3A_1073 = arith.constant 1 : i32
      %dma_start3A_1074 = arith.constant 300 : i32
      %dma_start3A_1075 = arith.constant 0 : i32
      %dma_start3A_1076 = tpu.memref_slice %arg6[%dma_start3A_1073, %dma_start3A_1074, %dma_start3A_1075] : memref<4x400x64xf32, #tpu.memory_space<vmem>> -> memref<1x50x64xf32, #tpu.memory_space<vmem>>
      %dma_start3A_1077 = tpu.memref_squeeze %dma_start3A_1076 : memref<1x50x64xf32, #tpu.memory_space<vmem>> -> memref<50x64xf32, #tpu.memory_space<vmem>>
      %dma_start3A_1078 = arith.constant 0 : i32
      %dma_start3A_1079 = arith.constant 0 : i32
      %dma_start3A_1080 = tpu.memref_slice %arg4[%add3A_965, %dma_start3A_1078, %dma_start3A_1079] : memref<16384x50x64xf32, #tpu.memory_space<hbm>> -> memref<1x50x64xf32, #tpu.memory_space<hbm>>
      %dma_start3A_1081 = tpu.memref_squeeze %dma_start3A_1080 : memref<1x50x64xf32, #tpu.memory_space<hbm>> -> memref<50x64xf32, #tpu.memory_space<hbm>>
      %dma_start3A_1082 = arith.constant 0 : i32
      %dma_start3A_1083 = arith.constant 0 : i32
      %dma_start3A_1084 = tpu.memref_slice %arg4[%add3A_965, %dma_start3A_1082, %dma_start3A_1083] : memref<16384x50x64xf32, #tpu.memory_space<hbm>> -> memref<1x50x64xf32, #tpu.memory_space<hbm>>
      %dma_start3A_1085 = tpu.memref_squeeze %dma_start3A_1084 : memref<1x50x64xf32, #tpu.memory_space<hbm>> -> memref<50x64xf32, #tpu.memory_space<hbm>>
      %dma_start3A_1086 = arith.constant 300 : i32
      %dma_start3A_1087 = arith.constant 0 : i32
      %dma_start3A_1088 = tpu.memref_slice %arg6[%dma_start3A_1073, %dma_start3A_1086, %dma_start3A_1087] : memref<4x400x64xf32, #tpu.memory_space<vmem>> -> memref<1x50x64xf32, #tpu.memory_space<vmem>>
      %dma_start3A_1089 = tpu.memref_squeeze %dma_start3A_1088 : memref<1x50x64xf32, #tpu.memory_space<vmem>> -> memref<50x64xf32, #tpu.memory_space<vmem>>
      tpu.enqueue_dma source(%dma_start3A_1089 : memref<50x64xf32, #tpu.memory_space<vmem>>) target(%dma_start3A_1085 : memref<50x64xf32, #tpu.memory_space<hbm>>) target_semaphore(%arg12 : memref<!tpu.dma_semaphore, #tpu.memory_space<semaphore_mem>>)
      %dma_start3A_1090 = arith.constant 1 : i32
      %dma_start3A_1091 = arith.constant 350 : i32
      %dma_start3A_1092 = arith.constant 0 : i32
      %dma_start3A_1093 = tpu.memref_slice %arg6[%dma_start3A_1090, %dma_start3A_1091, %dma_start3A_1092] : memref<4x400x64xf32, #tpu.memory_space<vmem>> -> memref<1x50x64xf32, #tpu.memory_space<vmem>>
      %dma_start3A_1094 = tpu.memref_squeeze %dma_start3A_1093 : memref<1x50x64xf32, #tpu.memory_space<vmem>> -> memref<50x64xf32, #tpu.memory_space<vmem>>
      %dma_start3A_1095 = arith.constant 0 : i32
      %dma_start3A_1096 = arith.constant 0 : i32
      %dma_start3A_1097 = tpu.memref_slice %arg4[%add3A_970, %dma_start3A_1095, %dma_start3A_1096] : memref<16384x50x64xf32, #tpu.memory_space<hbm>> -> memref<1x50x64xf32, #tpu.memory_space<hbm>>
      %dma_start3A_1098 = tpu.memref_squeeze %dma_start3A_1097 : memref<1x50x64xf32, #tpu.memory_space<hbm>> -> memref<50x64xf32, #tpu.memory_space<hbm>>
      %dma_start3A_1099 = arith.constant 0 : i32
      %dma_start3A_1100 = arith.constant 0 : i32
      %dma_start3A_1101 = tpu.memref_slice %arg4[%add3A_970, %dma_start3A_1099, %dma_start3A_1100] : memref<16384x50x64xf32, #tpu.memory_space<hbm>> -> memref<1x50x64xf32, #tpu.memory_space<hbm>>
      %dma_start3A_1102 = tpu.memref_squeeze %dma_start3A_1101 : memref<1x50x64xf32, #tpu.memory_space<hbm>> -> memref<50x64xf32, #tpu.memory_space<hbm>>
      %dma_start3A_1103 = arith.constant 350 : i32
      %dma_start3A_1104 = arith.constant 0 : i32
      %dma_start3A_1105 = tpu.memref_slice %arg6[%dma_start3A_1090, %dma_start3A_1103, %dma_start3A_1104] : memref<4x400x64xf32, #tpu.memory_space<vmem>> -> memref<1x50x64xf32, #tpu.memory_space<vmem>>
      %dma_start3A_1106 = tpu.memref_squeeze %dma_start3A_1105 : memref<1x50x64xf32, #tpu.memory_space<vmem>> -> memref<50x64xf32, #tpu.memory_space<vmem>>
      tpu.enqueue_dma source(%dma_start3A_1106 : memref<50x64xf32, #tpu.memory_space<vmem>>) target(%dma_start3A_1102 : memref<50x64xf32, #tpu.memory_space<hbm>>) target_semaphore(%arg12 : memref<!tpu.dma_semaphore, #tpu.memory_space<semaphore_mem>>)
      %add3A_1107 = arith.constant 4 : i32
      %add3A_1108 = arith.addi %add3A_919, %add3A_1107 : i32
      %sub3A_1109 = arith.constant 1 : i32
      %sub3A_1110 = arith.subi %add3A_1108, %sub3A_1109 : i32
      %ge3A_1111 = arith.constant 1 : i32
      %ge3A_1112 = arith.cmpi sge, %add3A_919, %ge3A_1111 : i32
      %lt3A_1113 = arith.constant 64 : i32
      %lt3A_1114 = arith.cmpi slt, %sub3A_1110, %lt3A_1113 : i32
      %and3A_1115 = arith.andi %ge3A_1112, %lt3A_1114 : i1
      %convert_element_type3A_1116 = arith.extui %and3A_1115 : i1 to i32
      %cond3A_1117 = arith.constant 0 : i32
      %cond3A_1118 = arith.cmpi ne, %convert_element_type3A_1116, %cond3A_1117 : i32
      scf.if %cond3A_1118 {
        %sub3A_1521 = arith.constant 1 : i32
        %sub3A_1522 = arith.subi %add3A_919, %sub3A_1521 : i32
        %mul3A_1523 = arith.constant 8 : i32
        %mul3A_1524 = arith.muli %sub3A_1522, %mul3A_1523 : i32
        %add3A_1525 = arith.addi %mul3A_2, %mul3A_1524 : i32
        %add3A_1526 = arith.constant 0 : i32
        %add3A_1527 = arith.addi %add3A_1525, %add3A_1526 : i32
        %mul3A_1528 = arith.constant 8 : i32
        %mul3A_1529 = arith.muli %sub3A_1522, %mul3A_1528 : i32
        %add3A_1530 = arith.addi %mul3A_2, %mul3A_1529 : i32
        %add3A_1531 = arith.constant 1 : i32
        %add3A_1532 = arith.addi %add3A_1530, %add3A_1531 : i32
        %mul3A_1533 = arith.constant 8 : i32
        %mul3A_1534 = arith.muli %sub3A_1522, %mul3A_1533 : i32
        %add3A_1535 = arith.addi %mul3A_2, %mul3A_1534 : i32
        %add3A_1536 = arith.constant 2 : i32
        %add3A_1537 = arith.addi %add3A_1535, %add3A_1536 : i32
        %mul3A_1538 = arith.constant 8 : i32
        %mul3A_1539 = arith.muli %sub3A_1522, %mul3A_1538 : i32
        %add3A_1540 = arith.addi %mul3A_2, %mul3A_1539 : i32
        %add3A_1541 = arith.constant 3 : i32
        %add3A_1542 = arith.addi %add3A_1540, %add3A_1541 : i32
        %mul3A_1543 = arith.constant 8 : i32
        %mul3A_1544 = arith.muli %sub3A_1522, %mul3A_1543 : i32
        %add3A_1545 = arith.addi %mul3A_2, %mul3A_1544 : i32
        %add3A_1546 = arith.constant 4 : i32
        %add3A_1547 = arith.addi %add3A_1545, %add3A_1546 : i32
        %mul3A_1548 = arith.constant 8 : i32
        %mul3A_1549 = arith.muli %sub3A_1522, %mul3A_1548 : i32
        %add3A_1550 = arith.addi %mul3A_2, %mul3A_1549 : i32
        %add3A_1551 = arith.constant 5 : i32
        %add3A_1552 = arith.addi %add3A_1550, %add3A_1551 : i32
        %mul3A_1553 = arith.constant 8 : i32
        %mul3A_1554 = arith.muli %sub3A_1522, %mul3A_1553 : i32
        %add3A_1555 = arith.addi %mul3A_2, %mul3A_1554 : i32
        %add3A_1556 = arith.constant 6 : i32
        %add3A_1557 = arith.addi %add3A_1555, %add3A_1556 : i32
        %mul3A_1558 = arith.constant 8 : i32
        %mul3A_1559 = arith.muli %sub3A_1522, %mul3A_1558 : i32
        %add3A_1560 = arith.addi %mul3A_2, %mul3A_1559 : i32
        %add3A_1561 = arith.constant 7 : i32
        %add3A_1562 = arith.addi %add3A_1560, %add3A_1561 : i32
        %dma_wait3A_1563 = arith.constant 0 : i32
        %dma_wait3A_1564 = arith.constant 0 : i32
        %dma_wait3A_1565 = arith.constant 0 : i32
        %dma_wait3A_1566 = tpu.memref_slice %arg6[%dma_wait3A_1563, %dma_wait3A_1564, %dma_wait3A_1565] : memref<4x400x64xf32, #tpu.memory_space<vmem>> -> memref<1x50x64xf32, #tpu.memory_space<vmem>>
        %dma_wait3A_1567 = tpu.memref_squeeze %dma_wait3A_1566 : memref<1x50x64xf32, #tpu.memory_space<vmem>> -> memref<50x64xf32, #tpu.memory_space<vmem>>
        %dma_wait3A_1568 = arith.constant 0 : i32
        %dma_wait3A_1569 = arith.constant 0 : i32
        %dma_wait3A_1570 = tpu.memref_slice %arg4[%add3A_1527, %dma_wait3A_1568, %dma_wait3A_1569] : memref<16384x50x64xf32, #tpu.memory_space<hbm>> -> memref<1x50x64xf32, #tpu.memory_space<hbm>>
        %dma_wait3A_1571 = tpu.memref_squeeze %dma_wait3A_1570 : memref<1x50x64xf32, #tpu.memory_space<hbm>> -> memref<50x64xf32, #tpu.memory_space<hbm>>
        %dma_wait3A_1572 = arith.constant 0 : i32
        %dma_wait3A_1573 = arith.constant 0 : i32
        %dma_wait3A_1574 = tpu.memref_slice %arg4[%add3A_1527, %dma_wait3A_1572, %dma_wait3A_1573] : memref<16384x50x64xf32, #tpu.memory_space<hbm>> -> memref<1x50x64xf32, #tpu.memory_space<hbm>>
        %dma_wait3A_1575 = tpu.memref_squeeze %dma_wait3A_1574 : memref<1x50x64xf32, #tpu.memory_space<hbm>> -> memref<50x64xf32, #tpu.memory_space<hbm>>
        %dma_wait3A_1576 = arith.constant 0 : i32
        %dma_wait3A_1577 = arith.constant 0 : i32
        %dma_wait3A_1578 = tpu.memref_slice %arg6[%dma_wait3A_1563, %dma_wait3A_1576, %dma_wait3A_1577] : memref<4x400x64xf32, #tpu.memory_space<vmem>> -> memref<1x50x64xf32, #tpu.memory_space<vmem>>
        %dma_wait3A_1579 = tpu.memref_squeeze %dma_wait3A_1578 : memref<1x50x64xf32, #tpu.memory_space<vmem>> -> memref<50x64xf32, #tpu.memory_space<vmem>>
        tpu.wait_dma2 semaphore(%arg11 : memref<!tpu.dma_semaphore, #tpu.memory_space<semaphore_mem>>) src(%dma_wait3A_1579 : memref<50x64xf32, #tpu.memory_space<vmem>>) dst(%dma_wait3A_1575 : memref<50x64xf32, #tpu.memory_space<hbm>>)
        %dma_wait3A_1580 = arith.constant 0 : i32
        %dma_wait3A_1581 = arith.constant 50 : i32
        %dma_wait3A_1582 = arith.constant 0 : i32
        %dma_wait3A_1583 = tpu.memref_slice %arg6[%dma_wait3A_1580, %dma_wait3A_1581, %dma_wait3A_1582] : memref<4x400x64xf32, #tpu.memory_space<vmem>> -> memref<1x50x64xf32, #tpu.memory_space<vmem>>
        %dma_wait3A_1584 = tpu.memref_squeeze %dma_wait3A_1583 : memref<1x50x64xf32, #tpu.memory_space<vmem>> -> memref<50x64xf32, #tpu.memory_space<vmem>>
        %dma_wait3A_1585 = arith.constant 0 : i32
        %dma_wait3A_1586 = arith.constant 0 : i32
        %dma_wait3A_1587 = tpu.memref_slice %arg4[%add3A_1532, %dma_wait3A_1585, %dma_wait3A_1586] : memref<16384x50x64xf32, #tpu.memory_space<hbm>> -> memref<1x50x64xf32, #tpu.memory_space<hbm>>
        %dma_wait3A_1588 = tpu.memref_squeeze %dma_wait3A_1587 : memref<1x50x64xf32, #tpu.memory_space<hbm>> -> memref<50x64xf32, #tpu.memory_space<hbm>>
        %dma_wait3A_1589 = arith.constant 0 : i32
        %dma_wait3A_1590 = arith.constant 0 : i32
        %dma_wait3A_1591 = tpu.memref_slice %arg4[%add3A_1532, %dma_wait3A_1589, %dma_wait3A_1590] : memref<16384x50x64xf32, #tpu.memory_space<hbm>> -> memref<1x50x64xf32, #tpu.memory_space<hbm>>
        %dma_wait3A_1592 = tpu.memref_squeeze %dma_wait3A_1591 : memref<1x50x64xf32, #tpu.memory_space<hbm>> -> memref<50x64xf32, #tpu.memory_space<hbm>>
        %dma_wait3A_1593 = arith.constant 50 : i32
        %dma_wait3A_1594 = arith.constant 0 : i32
        %dma_wait3A_1595 = tpu.memref_slice %arg6[%dma_wait3A_1580, %dma_wait3A_1593, %dma_wait3A_1594] : memref<4x400x64xf32, #tpu.memory_space<vmem>> -> memref<1x50x64xf32, #tpu.memory_space<vmem>>
        %dma_wait3A_1596 = tpu.memref_squeeze %dma_wait3A_1595 : memref<1x50x64xf32, #tpu.memory_space<vmem>> -> memref<50x64xf32, #tpu.memory_space<vmem>>
        tpu.wait_dma2 semaphore(%arg11 : memref<!tpu.dma_semaphore, #tpu.memory_space<semaphore_mem>>) src(%dma_wait3A_1596 : memref<50x64xf32, #tpu.memory_space<vmem>>) dst(%dma_wait3A_1592 : memref<50x64xf32, #tpu.memory_space<hbm>>)
        %dma_wait3A_1597 = arith.constant 0 : i32
        %dma_wait3A_1598 = arith.constant 100 : i32
        %dma_wait3A_1599 = arith.constant 0 : i32
        %dma_wait3A_1600 = tpu.memref_slice %arg6[%dma_wait3A_1597, %dma_wait3A_1598, %dma_wait3A_1599] : memref<4x400x64xf32, #tpu.memory_space<vmem>> -> memref<1x50x64xf32, #tpu.memory_space<vmem>>
        %dma_wait3A_1601 = tpu.memref_squeeze %dma_wait3A_1600 : memref<1x50x64xf32, #tpu.memory_space<vmem>> -> memref<50x64xf32, #tpu.memory_space<vmem>>
        %dma_wait3A_1602 = arith.constant 0 : i32
        %dma_wait3A_1603 = arith.constant 0 : i32
        %dma_wait3A_1604 = tpu.memref_slice %arg4[%add3A_1537, %dma_wait3A_1602, %dma_wait3A_1603] : memref<16384x50x64xf32, #tpu.memory_space<hbm>> -> memref<1x50x64xf32, #tpu.memory_space<hbm>>
        %dma_wait3A_1605 = tpu.memref_squeeze %dma_wait3A_1604 : memref<1x50x64xf32, #tpu.memory_space<hbm>> -> memref<50x64xf32, #tpu.memory_space<hbm>>
        %dma_wait3A_1606 = arith.constant 0 : i32
        %dma_wait3A_1607 = arith.constant 0 : i32
        %dma_wait3A_1608 = tpu.memref_slice %arg4[%add3A_1537, %dma_wait3A_1606, %dma_wait3A_1607] : memref<16384x50x64xf32, #tpu.memory_space<hbm>> -> memref<1x50x64xf32, #tpu.memory_space<hbm>>
        %dma_wait3A_1609 = tpu.memref_squeeze %dma_wait3A_1608 : memref<1x50x64xf32, #tpu.memory_space<hbm>> -> memref<50x64xf32, #tpu.memory_space<hbm>>
        %dma_wait3A_1610 = arith.constant 100 : i32
        %dma_wait3A_1611 = arith.constant 0 : i32
        %dma_wait3A_1612 = tpu.memref_slice %arg6[%dma_wait3A_1597, %dma_wait3A_1610, %dma_wait3A_1611] : memref<4x400x64xf32, #tpu.memory_space<vmem>> -> memref<1x50x64xf32, #tpu.memory_space<vmem>>
        %dma_wait3A_1613 = tpu.memref_squeeze %dma_wait3A_1612 : memref<1x50x64xf32, #tpu.memory_space<vmem>> -> memref<50x64xf32, #tpu.memory_space<vmem>>
        tpu.wait_dma2 semaphore(%arg11 : memref<!tpu.dma_semaphore, #tpu.memory_space<semaphore_mem>>) src(%dma_wait3A_1613 : memref<50x64xf32, #tpu.memory_space<vmem>>) dst(%dma_wait3A_1609 : memref<50x64xf32, #tpu.memory_space<hbm>>)
        %dma_wait3A_1614 = arith.constant 0 : i32
        %dma_wait3A_1615 = arith.constant 150 : i32
        %dma_wait3A_1616 = arith.constant 0 : i32
        %dma_wait3A_1617 = tpu.memref_slice %arg6[%dma_wait3A_1614, %dma_wait3A_1615, %dma_wait3A_1616] : memref<4x400x64xf32, #tpu.memory_space<vmem>> -> memref<1x50x64xf32, #tpu.memory_space<vmem>>
        %dma_wait3A_1618 = tpu.memref_squeeze %dma_wait3A_1617 : memref<1x50x64xf32, #tpu.memory_space<vmem>> -> memref<50x64xf32, #tpu.memory_space<vmem>>
        %dma_wait3A_1619 = arith.constant 0 : i32
        %dma_wait3A_1620 = arith.constant 0 : i32
        %dma_wait3A_1621 = tpu.memref_slice %arg4[%add3A_1542, %dma_wait3A_1619, %dma_wait3A_1620] : memref<16384x50x64xf32, #tpu.memory_space<hbm>> -> memref<1x50x64xf32, #tpu.memory_space<hbm>>
        %dma_wait3A_1622 = tpu.memref_squeeze %dma_wait3A_1621 : memref<1x50x64xf32, #tpu.memory_space<hbm>> -> memref<50x64xf32, #tpu.memory_space<hbm>>
        %dma_wait3A_1623 = arith.constant 0 : i32
        %dma_wait3A_1624 = arith.constant 0 : i32
        %dma_wait3A_1625 = tpu.memref_slice %arg4[%add3A_1542, %dma_wait3A_1623, %dma_wait3A_1624] : memref<16384x50x64xf32, #tpu.memory_space<hbm>> -> memref<1x50x64xf32, #tpu.memory_space<hbm>>
        %dma_wait3A_1626 = tpu.memref_squeeze %dma_wait3A_1625 : memref<1x50x64xf32, #tpu.memory_space<hbm>> -> memref<50x64xf32, #tpu.memory_space<hbm>>
        %dma_wait3A_1627 = arith.constant 150 : i32
        %dma_wait3A_1628 = arith.constant 0 : i32
        %dma_wait3A_1629 = tpu.memref_slice %arg6[%dma_wait3A_1614, %dma_wait3A_1627, %dma_wait3A_1628] : memref<4x400x64xf32, #tpu.memory_space<vmem>> -> memref<1x50x64xf32, #tpu.memory_space<vmem>>
        %dma_wait3A_1630 = tpu.memref_squeeze %dma_wait3A_1629 : memref<1x50x64xf32, #tpu.memory_space<vmem>> -> memref<50x64xf32, #tpu.memory_space<vmem>>
        tpu.wait_dma2 semaphore(%arg11 : memref<!tpu.dma_semaphore, #tpu.memory_space<semaphore_mem>>) src(%dma_wait3A_1630 : memref<50x64xf32, #tpu.memory_space<vmem>>) dst(%dma_wait3A_1626 : memref<50x64xf32, #tpu.memory_space<hbm>>)
        %dma_wait3A_1631 = arith.constant 0 : i32
        %dma_wait3A_1632 = arith.constant 200 : i32
        %dma_wait3A_1633 = arith.constant 0 : i32
        %dma_wait3A_1634 = tpu.memref_slice %arg6[%dma_wait3A_1631, %dma_wait3A_1632, %dma_wait3A_1633] : memref<4x400x64xf32, #tpu.memory_space<vmem>> -> memref<1x50x64xf32, #tpu.memory_space<vmem>>
        %dma_wait3A_1635 = tpu.memref_squeeze %dma_wait3A_1634 : memref<1x50x64xf32, #tpu.memory_space<vmem>> -> memref<50x64xf32, #tpu.memory_space<vmem>>
        %dma_wait3A_1636 = arith.constant 0 : i32
        %dma_wait3A_1637 = arith.constant 0 : i32
        %dma_wait3A_1638 = tpu.memref_slice %arg4[%add3A_1547, %dma_wait3A_1636, %dma_wait3A_1637] : memref<16384x50x64xf32, #tpu.memory_space<hbm>> -> memref<1x50x64xf32, #tpu.memory_space<hbm>>
        %dma_wait3A_1639 = tpu.memref_squeeze %dma_wait3A_1638 : memref<1x50x64xf32, #tpu.memory_space<hbm>> -> memref<50x64xf32, #tpu.memory_space<hbm>>
        %dma_wait3A_1640 = arith.constant 0 : i32
        %dma_wait3A_1641 = arith.constant 0 : i32
        %dma_wait3A_1642 = tpu.memref_slice %arg4[%add3A_1547, %dma_wait3A_1640, %dma_wait3A_1641] : memref<16384x50x64xf32, #tpu.memory_space<hbm>> -> memref<1x50x64xf32, #tpu.memory_space<hbm>>
        %dma_wait3A_1643 = tpu.memref_squeeze %dma_wait3A_1642 : memref<1x50x64xf32, #tpu.memory_space<hbm>> -> memref<50x64xf32, #tpu.memory_space<hbm>>
        %dma_wait3A_1644 = arith.constant 200 : i32
        %dma_wait3A_1645 = arith.constant 0 : i32
        %dma_wait3A_1646 = tpu.memref_slice %arg6[%dma_wait3A_1631, %dma_wait3A_1644, %dma_wait3A_1645] : memref<4x400x64xf32, #tpu.memory_space<vmem>> -> memref<1x50x64xf32, #tpu.memory_space<vmem>>
        %dma_wait3A_1647 = tpu.memref_squeeze %dma_wait3A_1646 : memref<1x50x64xf32, #tpu.memory_space<vmem>> -> memref<50x64xf32, #tpu.memory_space<vmem>>
        tpu.wait_dma2 semaphore(%arg11 : memref<!tpu.dma_semaphore, #tpu.memory_space<semaphore_mem>>) src(%dma_wait3A_1647 : memref<50x64xf32, #tpu.memory_space<vmem>>) dst(%dma_wait3A_1643 : memref<50x64xf32, #tpu.memory_space<hbm>>)
        %dma_wait3A_1648 = arith.constant 0 : i32
        %dma_wait3A_1649 = arith.constant 250 : i32
        %dma_wait3A_1650 = arith.constant 0 : i32
        %dma_wait3A_1651 = tpu.memref_slice %arg6[%dma_wait3A_1648, %dma_wait3A_1649, %dma_wait3A_1650] : memref<4x400x64xf32, #tpu.memory_space<vmem>> -> memref<1x50x64xf32, #tpu.memory_space<vmem>>
        %dma_wait3A_1652 = tpu.memref_squeeze %dma_wait3A_1651 : memref<1x50x64xf32, #tpu.memory_space<vmem>> -> memref<50x64xf32, #tpu.memory_space<vmem>>
        %dma_wait3A_1653 = arith.constant 0 : i32
        %dma_wait3A_1654 = arith.constant 0 : i32
        %dma_wait3A_1655 = tpu.memref_slice %arg4[%add3A_1552, %dma_wait3A_1653, %dma_wait3A_1654] : memref<16384x50x64xf32, #tpu.memory_space<hbm>> -> memref<1x50x64xf32, #tpu.memory_space<hbm>>
        %dma_wait3A_1656 = tpu.memref_squeeze %dma_wait3A_1655 : memref<1x50x64xf32, #tpu.memory_space<hbm>> -> memref<50x64xf32, #tpu.memory_space<hbm>>
        %dma_wait3A_1657 = arith.constant 0 : i32
        %dma_wait3A_1658 = arith.constant 0 : i32
        %dma_wait3A_1659 = tpu.memref_slice %arg4[%add3A_1552, %dma_wait3A_1657, %dma_wait3A_1658] : memref<16384x50x64xf32, #tpu.memory_space<hbm>> -> memref<1x50x64xf32, #tpu.memory_space<hbm>>
        %dma_wait3A_1660 = tpu.memref_squeeze %dma_wait3A_1659 : memref<1x50x64xf32, #tpu.memory_space<hbm>> -> memref<50x64xf32, #tpu.memory_space<hbm>>
        %dma_wait3A_1661 = arith.constant 250 : i32
        %dma_wait3A_1662 = arith.constant 0 : i32
        %dma_wait3A_1663 = tpu.memref_slice %arg6[%dma_wait3A_1648, %dma_wait3A_1661, %dma_wait3A_1662] : memref<4x400x64xf32, #tpu.memory_space<vmem>> -> memref<1x50x64xf32, #tpu.memory_space<vmem>>
        %dma_wait3A_1664 = tpu.memref_squeeze %dma_wait3A_1663 : memref<1x50x64xf32, #tpu.memory_space<vmem>> -> memref<50x64xf32, #tpu.memory_space<vmem>>
        tpu.wait_dma2 semaphore(%arg11 : memref<!tpu.dma_semaphore, #tpu.memory_space<semaphore_mem>>) src(%dma_wait3A_1664 : memref<50x64xf32, #tpu.memory_space<vmem>>) dst(%dma_wait3A_1660 : memref<50x64xf32, #tpu.memory_space<hbm>>)
        %dma_wait3A_1665 = arith.constant 0 : i32
        %dma_wait3A_1666 = arith.constant 300 : i32
        %dma_wait3A_1667 = arith.constant 0 : i32
        %dma_wait3A_1668 = tpu.memref_slice %arg6[%dma_wait3A_1665, %dma_wait3A_1666, %dma_wait3A_1667] : memref<4x400x64xf32, #tpu.memory_space<vmem>> -> memref<1x50x64xf32, #tpu.memory_space<vmem>>
        %dma_wait3A_1669 = tpu.memref_squeeze %dma_wait3A_1668 : memref<1x50x64xf32, #tpu.memory_space<vmem>> -> memref<50x64xf32, #tpu.memory_space<vmem>>
        %dma_wait3A_1670 = arith.constant 0 : i32
        %dma_wait3A_1671 = arith.constant 0 : i32
        %dma_wait3A_1672 = tpu.memref_slice %arg4[%add3A_1557, %dma_wait3A_1670, %dma_wait3A_1671] : memref<16384x50x64xf32, #tpu.memory_space<hbm>> -> memref<1x50x64xf32, #tpu.memory_space<hbm>>
        %dma_wait3A_1673 = tpu.memref_squeeze %dma_wait3A_1672 : memref<1x50x64xf32, #tpu.memory_space<hbm>> -> memref<50x64xf32, #tpu.memory_space<hbm>>
        %dma_wait3A_1674 = arith.constant 0 : i32
        %dma_wait3A_1675 = arith.constant 0 : i32
        %dma_wait3A_1676 = tpu.memref_slice %arg4[%add3A_1557, %dma_wait3A_1674, %dma_wait3A_1675] : memref<16384x50x64xf32, #tpu.memory_space<hbm>> -> memref<1x50x64xf32, #tpu.memory_space<hbm>>
        %dma_wait3A_1677 = tpu.memref_squeeze %dma_wait3A_1676 : memref<1x50x64xf32, #tpu.memory_space<hbm>> -> memref<50x64xf32, #tpu.memory_space<hbm>>
        %dma_wait3A_1678 = arith.constant 300 : i32
        %dma_wait3A_1679 = arith.constant 0 : i32
        %dma_wait3A_1680 = tpu.memref_slice %arg6[%dma_wait3A_1665, %dma_wait3A_1678, %dma_wait3A_1679] : memref<4x400x64xf32, #tpu.memory_space<vmem>> -> memref<1x50x64xf32, #tpu.memory_space<vmem>>
        %dma_wait3A_1681 = tpu.memref_squeeze %dma_wait3A_1680 : memref<1x50x64xf32, #tpu.memory_space<vmem>> -> memref<50x64xf32, #tpu.memory_space<vmem>>
        tpu.wait_dma2 semaphore(%arg11 : memref<!tpu.dma_semaphore, #tpu.memory_space<semaphore_mem>>) src(%dma_wait3A_1681 : memref<50x64xf32, #tpu.memory_space<vmem>>) dst(%dma_wait3A_1677 : memref<50x64xf32, #tpu.memory_space<hbm>>)
        %dma_wait3A_1682 = arith.constant 0 : i32
        %dma_wait3A_1683 = arith.constant 350 : i32
        %dma_wait3A_1684 = arith.constant 0 : i32
        %dma_wait3A_1685 = tpu.memref_slice %arg6[%dma_wait3A_1682, %dma_wait3A_1683, %dma_wait3A_1684] : memref<4x400x64xf32, #tpu.memory_space<vmem>> -> memref<1x50x64xf32, #tpu.memory_space<vmem>>
        %dma_wait3A_1686 = tpu.memref_squeeze %dma_wait3A_1685 : memref<1x50x64xf32, #tpu.memory_space<vmem>> -> memref<50x64xf32, #tpu.memory_space<vmem>>
        %dma_wait3A_1687 = arith.constant 0 : i32
        %dma_wait3A_1688 = arith.constant 0 : i32
        %dma_wait3A_1689 = tpu.memref_slice %arg4[%add3A_1562, %dma_wait3A_1687, %dma_wait3A_1688] : memref<16384x50x64xf32, #tpu.memory_space<hbm>> -> memref<1x50x64xf32, #tpu.memory_space<hbm>>
        %dma_wait3A_1690 = tpu.memref_squeeze %dma_wait3A_1689 : memref<1x50x64xf32, #tpu.memory_space<hbm>> -> memref<50x64xf32, #tpu.memory_space<hbm>>
        %dma_wait3A_1691 = arith.constant 0 : i32
        %dma_wait3A_1692 = arith.constant 0 : i32
        %dma_wait3A_1693 = tpu.memref_slice %arg4[%add3A_1562, %dma_wait3A_1691, %dma_wait3A_1692] : memref<16384x50x64xf32, #tpu.memory_space<hbm>> -> memref<1x50x64xf32, #tpu.memory_space<hbm>>
        %dma_wait3A_1694 = tpu.memref_squeeze %dma_wait3A_1693 : memref<1x50x64xf32, #tpu.memory_space<hbm>> -> memref<50x64xf32, #tpu.memory_space<hbm>>
        %dma_wait3A_1695 = arith.constant 350 : i32
        %dma_wait3A_1696 = arith.constant 0 : i32
        %dma_wait3A_1697 = tpu.memref_slice %arg6[%dma_wait3A_1682, %dma_wait3A_1695, %dma_wait3A_1696] : memref<4x400x64xf32, #tpu.memory_space<vmem>> -> memref<1x50x64xf32, #tpu.memory_space<vmem>>
        %dma_wait3A_1698 = tpu.memref_squeeze %dma_wait3A_1697 : memref<1x50x64xf32, #tpu.memory_space<vmem>> -> memref<50x64xf32, #tpu.memory_space<vmem>>
        tpu.wait_dma2 semaphore(%arg11 : memref<!tpu.dma_semaphore, #tpu.memory_space<semaphore_mem>>) src(%dma_wait3A_1698 : memref<50x64xf32, #tpu.memory_space<vmem>>) dst(%dma_wait3A_1694 : memref<50x64xf32, #tpu.memory_space<hbm>>)
        %mul3A_1699 = arith.constant 400 : i32
        %mul3A_1700 = arith.muli %sub3A_1110, %mul3A_1699 : i32
        %dma_start3A_1701 = arith.constant 0 : i32
        %dma_start3A_1702 = arith.constant 0 : i32
        %dma_start3A_1703 = arith.constant 0 : i32
        %dma_start3A_1704 = tpu.memref_slice %arg6[%dma_start3A_1701, %dma_start3A_1702, %dma_start3A_1703] : memref<4x400x64xf32, #tpu.memory_space<vmem>> -> memref<1x400x64xf32, #tpu.memory_space<vmem>>
        %dma_start3A_1705 = tpu.memref_squeeze %dma_start3A_1704 : memref<1x400x64xf32, #tpu.memory_space<vmem>> -> memref<400x64xf32, #tpu.memory_space<vmem>>
        %dma_start3A_1706 = tpu.memref_slice %arg5[%mul3A_1700] : memref<25600xi32, #tpu.memory_space<vmem>> -> memref<400xi32, #tpu.memory_space<vmem>>
        %dma_start3A_1707 = arith.constant 0 : i32
        %dma_start3A_1708 = arith.constant 0 : i32
        %dma_start3A_1709 = tpu.memref_slice %arg3[%dma_start3A_1707, %dma_start3A_1708] : memref<1000000x64xf32, #tpu.memory_space<hbm>> -> memref<1000000x64xf32, #tpu.memory_space<hbm>>
        tpu.enqueue_indirect_dma source(%dma_start3A_1709 : memref<1000000x64xf32, #tpu.memory_space<hbm>>) target(%dma_start3A_1705 : memref<400x64xf32, #tpu.memory_space<vmem>>) offsets(%dma_start3A_1706 : memref<400xi32, #tpu.memory_space<vmem>>) semaphore(%arg7 : memref<!tpu.dma_semaphore, #tpu.memory_space<semaphore_mem>>)
      } else {
      }
      %add3A_1119 = arith.constant 2 : i32
      %add3A_1120 = arith.addi %mul3A_722, %add3A_1119 : i32
      %mul3A_1121 = arith.constant 400 : i32
      %mul3A_1122 = arith.muli %add3A_1120, %mul3A_1121 : i32
      %dma_wait3A_1123 = arith.constant 2 : i32
      %dma_wait3A_1124 = arith.constant 0 : i32
      %dma_wait3A_1125 = arith.constant 0 : i32
      %dma_wait3A_1126 = tpu.memref_slice %arg6[%dma_wait3A_1123, %dma_wait3A_1124, %dma_wait3A_1125] : memref<4x400x64xf32, #tpu.memory_space<vmem>> -> memref<1x400x64xf32, #tpu.memory_space<vmem>>
      %dma_wait3A_1127 = tpu.memref_squeeze %dma_wait3A_1126 : memref<1x400x64xf32, #tpu.memory_space<vmem>> -> memref<400x64xf32, #tpu.memory_space<vmem>>
      %dma_wait3A_1128 = tpu.memref_slice %arg5[%mul3A_1122] : memref<25600xi32, #tpu.memory_space<vmem>> -> memref<400xi32, #tpu.memory_space<vmem>>
      %dma_wait3A_1129 = arith.constant 0 : i32
      %dma_wait3A_1130 = arith.constant 0 : i32
      %dma_wait3A_1131 = tpu.memref_slice %arg3[%dma_wait3A_1129, %dma_wait3A_1130] : memref<1000000x64xf32, #tpu.memory_space<hbm>> -> memref<1000000x64xf32, #tpu.memory_space<hbm>>
      tpu.wait_indirect_dma semaphore(%arg9 : memref<!tpu.dma_semaphore, #tpu.memory_space<semaphore_mem>>) src(%dma_wait3A_1131 : memref<1000000x64xf32, #tpu.memory_space<hbm>>) dst(%dma_wait3A_1127 : memref<400x64xf32, #tpu.memory_space<vmem>>)
      %mul3A_1132 = arith.constant 8 : i32
      %mul3A_1133 = arith.muli %add3A_1120, %mul3A_1132 : i32
      %add3A_1134 = arith.addi %mul3A_2, %mul3A_1133 : i32
      %add3A_1135 = arith.constant 0 : i32
      %add3A_1136 = arith.addi %add3A_1134, %add3A_1135 : i32
      %mul3A_1137 = arith.constant 8 : i32
      %mul3A_1138 = arith.muli %add3A_1120, %mul3A_1137 : i32
      %add3A_1139 = arith.addi %mul3A_2, %mul3A_1138 : i32
      %add3A_1140 = arith.constant 1 : i32
      %add3A_1141 = arith.addi %add3A_1139, %add3A_1140 : i32
      %mul3A_1142 = arith.constant 8 : i32
      %mul3A_1143 = arith.muli %add3A_1120, %mul3A_1142 : i32
      %add3A_1144 = arith.addi %mul3A_2, %mul3A_1143 : i32
      %add3A_1145 = arith.constant 2 : i32
      %add3A_1146 = arith.addi %add3A_1144, %add3A_1145 : i32
      %mul3A_1147 = arith.constant 8 : i32
      %mul3A_1148 = arith.muli %add3A_1120, %mul3A_1147 : i32
      %add3A_1149 = arith.addi %mul3A_2, %mul3A_1148 : i32
      %add3A_1150 = arith.constant 3 : i32
      %add3A_1151 = arith.addi %add3A_1149, %add3A_1150 : i32
      %mul3A_1152 = arith.constant 8 : i32
      %mul3A_1153 = arith.muli %add3A_1120, %mul3A_1152 : i32
      %add3A_1154 = arith.addi %mul3A_2, %mul3A_1153 : i32
      %add3A_1155 = arith.constant 4 : i32
      %add3A_1156 = arith.addi %add3A_1154, %add3A_1155 : i32
      %mul3A_1157 = arith.constant 8 : i32
      %mul3A_1158 = arith.muli %add3A_1120, %mul3A_1157 : i32
      %add3A_1159 = arith.addi %mul3A_2, %mul3A_1158 : i32
      %add3A_1160 = arith.constant 5 : i32
      %add3A_1161 = arith.addi %add3A_1159, %add3A_1160 : i32
      %mul3A_1162 = arith.constant 8 : i32
      %mul3A_1163 = arith.muli %add3A_1120, %mul3A_1162 : i32
      %add3A_1164 = arith.addi %mul3A_2, %mul3A_1163 : i32
      %add3A_1165 = arith.constant 6 : i32
      %add3A_1166 = arith.addi %add3A_1164, %add3A_1165 : i32
      %mul3A_1167 = arith.constant 8 : i32
      %mul3A_1168 = arith.muli %add3A_1120, %mul3A_1167 : i32
      %add3A_1169 = arith.addi %mul3A_2, %mul3A_1168 : i32
      %add3A_1170 = arith.constant 7 : i32
      %add3A_1171 = arith.addi %add3A_1169, %add3A_1170 : i32
      %dma_start3A_1172 = arith.constant 2 : i32
      %dma_start3A_1173 = arith.constant 0 : i32
      %dma_start3A_1174 = arith.constant 0 : i32
      %dma_start3A_1175 = tpu.memref_slice %arg6[%dma_start3A_1172, %dma_start3A_1173, %dma_start3A_1174] : memref<4x400x64xf32, #tpu.memory_space<vmem>> -> memref<1x50x64xf32, #tpu.memory_space<vmem>>
      %dma_start3A_1176 = tpu.memref_squeeze %dma_start3A_1175 : memref<1x50x64xf32, #tpu.memory_space<vmem>> -> memref<50x64xf32, #tpu.memory_space<vmem>>
      %dma_start3A_1177 = arith.constant 0 : i32
      %dma_start3A_1178 = arith.constant 0 : i32
      %dma_start3A_1179 = tpu.memref_slice %arg4[%add3A_1136, %dma_start3A_1177, %dma_start3A_1178] : memref<16384x50x64xf32, #tpu.memory_space<hbm>> -> memref<1x50x64xf32, #tpu.memory_space<hbm>>
      %dma_start3A_1180 = tpu.memref_squeeze %dma_start3A_1179 : memref<1x50x64xf32, #tpu.memory_space<hbm>> -> memref<50x64xf32, #tpu.memory_space<hbm>>
      %dma_start3A_1181 = arith.constant 0 : i32
      %dma_start3A_1182 = arith.constant 0 : i32
      %dma_start3A_1183 = tpu.memref_slice %arg4[%add3A_1136, %dma_start3A_1181, %dma_start3A_1182] : memref<16384x50x64xf32, #tpu.memory_space<hbm>> -> memref<1x50x64xf32, #tpu.memory_space<hbm>>
      %dma_start3A_1184 = tpu.memref_squeeze %dma_start3A_1183 : memref<1x50x64xf32, #tpu.memory_space<hbm>> -> memref<50x64xf32, #tpu.memory_space<hbm>>
      %dma_start3A_1185 = arith.constant 0 : i32
      %dma_start3A_1186 = arith.constant 0 : i32
      %dma_start3A_1187 = tpu.memref_slice %arg6[%dma_start3A_1172, %dma_start3A_1185, %dma_start3A_1186] : memref<4x400x64xf32, #tpu.memory_space<vmem>> -> memref<1x50x64xf32, #tpu.memory_space<vmem>>
      %dma_start3A_1188 = tpu.memref_squeeze %dma_start3A_1187 : memref<1x50x64xf32, #tpu.memory_space<vmem>> -> memref<50x64xf32, #tpu.memory_space<vmem>>
      tpu.enqueue_dma source(%dma_start3A_1188 : memref<50x64xf32, #tpu.memory_space<vmem>>) target(%dma_start3A_1184 : memref<50x64xf32, #tpu.memory_space<hbm>>) target_semaphore(%arg13 : memref<!tpu.dma_semaphore, #tpu.memory_space<semaphore_mem>>)
      %dma_start3A_1189 = arith.constant 2 : i32
      %dma_start3A_1190 = arith.constant 50 : i32
      %dma_start3A_1191 = arith.constant 0 : i32
      %dma_start3A_1192 = tpu.memref_slice %arg6[%dma_start3A_1189, %dma_start3A_1190, %dma_start3A_1191] : memref<4x400x64xf32, #tpu.memory_space<vmem>> -> memref<1x50x64xf32, #tpu.memory_space<vmem>>
      %dma_start3A_1193 = tpu.memref_squeeze %dma_start3A_1192 : memref<1x50x64xf32, #tpu.memory_space<vmem>> -> memref<50x64xf32, #tpu.memory_space<vmem>>
      %dma_start3A_1194 = arith.constant 0 : i32
      %dma_start3A_1195 = arith.constant 0 : i32
      %dma_start3A_1196 = tpu.memref_slice %arg4[%add3A_1141, %dma_start3A_1194, %dma_start3A_1195] : memref<16384x50x64xf32, #tpu.memory_space<hbm>> -> memref<1x50x64xf32, #tpu.memory_space<hbm>>
      %dma_start3A_1197 = tpu.memref_squeeze %dma_start3A_1196 : memref<1x50x64xf32, #tpu.memory_space<hbm>> -> memref<50x64xf32, #tpu.memory_space<hbm>>
      %dma_start3A_1198 = arith.constant 0 : i32
      %dma_start3A_1199 = arith.constant 0 : i32
      %dma_start3A_1200 = tpu.memref_slice %arg4[%add3A_1141, %dma_start3A_1198, %dma_start3A_1199] : memref<16384x50x64xf32, #tpu.memory_space<hbm>> -> memref<1x50x64xf32, #tpu.memory_space<hbm>>
      %dma_start3A_1201 = tpu.memref_squeeze %dma_start3A_1200 : memref<1x50x64xf32, #tpu.memory_space<hbm>> -> memref<50x64xf32, #tpu.memory_space<hbm>>
      %dma_start3A_1202 = arith.constant 50 : i32
      %dma_start3A_1203 = arith.constant 0 : i32
      %dma_start3A_1204 = tpu.memref_slice %arg6[%dma_start3A_1189, %dma_start3A_1202, %dma_start3A_1203] : memref<4x400x64xf32, #tpu.memory_space<vmem>> -> memref<1x50x64xf32, #tpu.memory_space<vmem>>
      %dma_start3A_1205 = tpu.memref_squeeze %dma_start3A_1204 : memref<1x50x64xf32, #tpu.memory_space<vmem>> -> memref<50x64xf32, #tpu.memory_space<vmem>>
      tpu.enqueue_dma source(%dma_start3A_1205 : memref<50x64xf32, #tpu.memory_space<vmem>>) target(%dma_start3A_1201 : memref<50x64xf32, #tpu.memory_space<hbm>>) target_semaphore(%arg13 : memref<!tpu.dma_semaphore, #tpu.memory_space<semaphore_mem>>)
      %dma_start3A_1206 = arith.constant 2 : i32
      %dma_start3A_1207 = arith.constant 100 : i32
      %dma_start3A_1208 = arith.constant 0 : i32
      %dma_start3A_1209 = tpu.memref_slice %arg6[%dma_start3A_1206, %dma_start3A_1207, %dma_start3A_1208] : memref<4x400x64xf32, #tpu.memory_space<vmem>> -> memref<1x50x64xf32, #tpu.memory_space<vmem>>
      %dma_start3A_1210 = tpu.memref_squeeze %dma_start3A_1209 : memref<1x50x64xf32, #tpu.memory_space<vmem>> -> memref<50x64xf32, #tpu.memory_space<vmem>>
      %dma_start3A_1211 = arith.constant 0 : i32
      %dma_start3A_1212 = arith.constant 0 : i32
      %dma_start3A_1213 = tpu.memref_slice %arg4[%add3A_1146, %dma_start3A_1211, %dma_start3A_1212] : memref<16384x50x64xf32, #tpu.memory_space<hbm>> -> memref<1x50x64xf32, #tpu.memory_space<hbm>>
      %dma_start3A_1214 = tpu.memref_squeeze %dma_start3A_1213 : memref<1x50x64xf32, #tpu.memory_space<hbm>> -> memref<50x64xf32, #tpu.memory_space<hbm>>
      %dma_start3A_1215 = arith.constant 0 : i32
      %dma_start3A_1216 = arith.constant 0 : i32
      %dma_start3A_1217 = tpu.memref_slice %arg4[%add3A_1146, %dma_start3A_1215, %dma_start3A_1216] : memref<16384x50x64xf32, #tpu.memory_space<hbm>> -> memref<1x50x64xf32, #tpu.memory_space<hbm>>
      %dma_start3A_1218 = tpu.memref_squeeze %dma_start3A_1217 : memref<1x50x64xf32, #tpu.memory_space<hbm>> -> memref<50x64xf32, #tpu.memory_space<hbm>>
      %dma_start3A_1219 = arith.constant 100 : i32
      %dma_start3A_1220 = arith.constant 0 : i32
      %dma_start3A_1221 = tpu.memref_slice %arg6[%dma_start3A_1206, %dma_start3A_1219, %dma_start3A_1220] : memref<4x400x64xf32, #tpu.memory_space<vmem>> -> memref<1x50x64xf32, #tpu.memory_space<vmem>>
      %dma_start3A_1222 = tpu.memref_squeeze %dma_start3A_1221 : memref<1x50x64xf32, #tpu.memory_space<vmem>> -> memref<50x64xf32, #tpu.memory_space<vmem>>
      tpu.enqueue_dma source(%dma_start3A_1222 : memref<50x64xf32, #tpu.memory_space<vmem>>) target(%dma_start3A_1218 : memref<50x64xf32, #tpu.memory_space<hbm>>) target_semaphore(%arg13 : memref<!tpu.dma_semaphore, #tpu.memory_space<semaphore_mem>>)
      %dma_start3A_1223 = arith.constant 2 : i32
      %dma_start3A_1224 = arith.constant 150 : i32
      %dma_start3A_1225 = arith.constant 0 : i32
      %dma_start3A_1226 = tpu.memref_slice %arg6[%dma_start3A_1223, %dma_start3A_1224, %dma_start3A_1225] : memref<4x400x64xf32, #tpu.memory_space<vmem>> -> memref<1x50x64xf32, #tpu.memory_space<vmem>>
      %dma_start3A_1227 = tpu.memref_squeeze %dma_start3A_1226 : memref<1x50x64xf32, #tpu.memory_space<vmem>> -> memref<50x64xf32, #tpu.memory_space<vmem>>
      %dma_start3A_1228 = arith.constant 0 : i32
      %dma_start3A_1229 = arith.constant 0 : i32
      %dma_start3A_1230 = tpu.memref_slice %arg4[%add3A_1151, %dma_start3A_1228, %dma_start3A_1229] : memref<16384x50x64xf32, #tpu.memory_space<hbm>> -> memref<1x50x64xf32, #tpu.memory_space<hbm>>
      %dma_start3A_1231 = tpu.memref_squeeze %dma_start3A_1230 : memref<1x50x64xf32, #tpu.memory_space<hbm>> -> memref<50x64xf32, #tpu.memory_space<hbm>>
      %dma_start3A_1232 = arith.constant 0 : i32
      %dma_start3A_1233 = arith.constant 0 : i32
      %dma_start3A_1234 = tpu.memref_slice %arg4[%add3A_1151, %dma_start3A_1232, %dma_start3A_1233] : memref<16384x50x64xf32, #tpu.memory_space<hbm>> -> memref<1x50x64xf32, #tpu.memory_space<hbm>>
      %dma_start3A_1235 = tpu.memref_squeeze %dma_start3A_1234 : memref<1x50x64xf32, #tpu.memory_space<hbm>> -> memref<50x64xf32, #tpu.memory_space<hbm>>
      %dma_start3A_1236 = arith.constant 150 : i32
      %dma_start3A_1237 = arith.constant 0 : i32
      %dma_start3A_1238 = tpu.memref_slice %arg6[%dma_start3A_1223, %dma_start3A_1236, %dma_start3A_1237] : memref<4x400x64xf32, #tpu.memory_space<vmem>> -> memref<1x50x64xf32, #tpu.memory_space<vmem>>
      %dma_start3A_1239 = tpu.memref_squeeze %dma_start3A_1238 : memref<1x50x64xf32, #tpu.memory_space<vmem>> -> memref<50x64xf32, #tpu.memory_space<vmem>>
      tpu.enqueue_dma source(%dma_start3A_1239 : memref<50x64xf32, #tpu.memory_space<vmem>>) target(%dma_start3A_1235 : memref<50x64xf32, #tpu.memory_space<hbm>>) target_semaphore(%arg13 : memref<!tpu.dma_semaphore, #tpu.memory_space<semaphore_mem>>)
      %dma_start3A_1240 = arith.constant 2 : i32
      %dma_start3A_1241 = arith.constant 200 : i32
      %dma_start3A_1242 = arith.constant 0 : i32
      %dma_start3A_1243 = tpu.memref_slice %arg6[%dma_start3A_1240, %dma_start3A_1241, %dma_start3A_1242] : memref<4x400x64xf32, #tpu.memory_space<vmem>> -> memref<1x50x64xf32, #tpu.memory_space<vmem>>
      %dma_start3A_1244 = tpu.memref_squeeze %dma_start3A_1243 : memref<1x50x64xf32, #tpu.memory_space<vmem>> -> memref<50x64xf32, #tpu.memory_space<vmem>>
      %dma_start3A_1245 = arith.constant 0 : i32
      %dma_start3A_1246 = arith.constant 0 : i32
      %dma_start3A_1247 = tpu.memref_slice %arg4[%add3A_1156, %dma_start3A_1245, %dma_start3A_1246] : memref<16384x50x64xf32, #tpu.memory_space<hbm>> -> memref<1x50x64xf32, #tpu.memory_space<hbm>>
      %dma_start3A_1248 = tpu.memref_squeeze %dma_start3A_1247 : memref<1x50x64xf32, #tpu.memory_space<hbm>> -> memref<50x64xf32, #tpu.memory_space<hbm>>
      %dma_start3A_1249 = arith.constant 0 : i32
      %dma_start3A_1250 = arith.constant 0 : i32
      %dma_start3A_1251 = tpu.memref_slice %arg4[%add3A_1156, %dma_start3A_1249, %dma_start3A_1250] : memref<16384x50x64xf32, #tpu.memory_space<hbm>> -> memref<1x50x64xf32, #tpu.memory_space<hbm>>
      %dma_start3A_1252 = tpu.memref_squeeze %dma_start3A_1251 : memref<1x50x64xf32, #tpu.memory_space<hbm>> -> memref<50x64xf32, #tpu.memory_space<hbm>>
      %dma_start3A_1253 = arith.constant 200 : i32
      %dma_start3A_1254 = arith.constant 0 : i32
      %dma_start3A_1255 = tpu.memref_slice %arg6[%dma_start3A_1240, %dma_start3A_1253, %dma_start3A_1254] : memref<4x400x64xf32, #tpu.memory_space<vmem>> -> memref<1x50x64xf32, #tpu.memory_space<vmem>>
      %dma_start3A_1256 = tpu.memref_squeeze %dma_start3A_1255 : memref<1x50x64xf32, #tpu.memory_space<vmem>> -> memref<50x64xf32, #tpu.memory_space<vmem>>
      tpu.enqueue_dma source(%dma_start3A_1256 : memref<50x64xf32, #tpu.memory_space<vmem>>) target(%dma_start3A_1252 : memref<50x64xf32, #tpu.memory_space<hbm>>) target_semaphore(%arg13 : memref<!tpu.dma_semaphore, #tpu.memory_space<semaphore_mem>>)
      %dma_start3A_1257 = arith.constant 2 : i32
      %dma_start3A_1258 = arith.constant 250 : i32
      %dma_start3A_1259 = arith.constant 0 : i32
      %dma_start3A_1260 = tpu.memref_slice %arg6[%dma_start3A_1257, %dma_start3A_1258, %dma_start3A_1259] : memref<4x400x64xf32, #tpu.memory_space<vmem>> -> memref<1x50x64xf32, #tpu.memory_space<vmem>>
      %dma_start3A_1261 = tpu.memref_squeeze %dma_start3A_1260 : memref<1x50x64xf32, #tpu.memory_space<vmem>> -> memref<50x64xf32, #tpu.memory_space<vmem>>
      %dma_start3A_1262 = arith.constant 0 : i32
      %dma_start3A_1263 = arith.constant 0 : i32
      %dma_start3A_1264 = tpu.memref_slice %arg4[%add3A_1161, %dma_start3A_1262, %dma_start3A_1263] : memref<16384x50x64xf32, #tpu.memory_space<hbm>> -> memref<1x50x64xf32, #tpu.memory_space<hbm>>
      %dma_start3A_1265 = tpu.memref_squeeze %dma_start3A_1264 : memref<1x50x64xf32, #tpu.memory_space<hbm>> -> memref<50x64xf32, #tpu.memory_space<hbm>>
      %dma_start3A_1266 = arith.constant 0 : i32
      %dma_start3A_1267 = arith.constant 0 : i32
      %dma_start3A_1268 = tpu.memref_slice %arg4[%add3A_1161, %dma_start3A_1266, %dma_start3A_1267] : memref<16384x50x64xf32, #tpu.memory_space<hbm>> -> memref<1x50x64xf32, #tpu.memory_space<hbm>>
      %dma_start3A_1269 = tpu.memref_squeeze %dma_start3A_1268 : memref<1x50x64xf32, #tpu.memory_space<hbm>> -> memref<50x64xf32, #tpu.memory_space<hbm>>
      %dma_start3A_1270 = arith.constant 250 : i32
      %dma_start3A_1271 = arith.constant 0 : i32
      %dma_start3A_1272 = tpu.memref_slice %arg6[%dma_start3A_1257, %dma_start3A_1270, %dma_start3A_1271] : memref<4x400x64xf32, #tpu.memory_space<vmem>> -> memref<1x50x64xf32, #tpu.memory_space<vmem>>
      %dma_start3A_1273 = tpu.memref_squeeze %dma_start3A_1272 : memref<1x50x64xf32, #tpu.memory_space<vmem>> -> memref<50x64xf32, #tpu.memory_space<vmem>>
      tpu.enqueue_dma source(%dma_start3A_1273 : memref<50x64xf32, #tpu.memory_space<vmem>>) target(%dma_start3A_1269 : memref<50x64xf32, #tpu.memory_space<hbm>>) target_semaphore(%arg13 : memref<!tpu.dma_semaphore, #tpu.memory_space<semaphore_mem>>)
      %dma_start3A_1274 = arith.constant 2 : i32
      %dma_start3A_1275 = arith.constant 300 : i32
      %dma_start3A_1276 = arith.constant 0 : i32
      %dma_start3A_1277 = tpu.memref_slice %arg6[%dma_start3A_1274, %dma_start3A_1275, %dma_start3A_1276] : memref<4x400x64xf32, #tpu.memory_space<vmem>> -> memref<1x50x64xf32, #tpu.memory_space<vmem>>
      %dma_start3A_1278 = tpu.memref_squeeze %dma_start3A_1277 : memref<1x50x64xf32, #tpu.memory_space<vmem>> -> memref<50x64xf32, #tpu.memory_space<vmem>>
      %dma_start3A_1279 = arith.constant 0 : i32
      %dma_start3A_1280 = arith.constant 0 : i32
      %dma_start3A_1281 = tpu.memref_slice %arg4[%add3A_1166, %dma_start3A_1279, %dma_start3A_1280] : memref<16384x50x64xf32, #tpu.memory_space<hbm>> -> memref<1x50x64xf32, #tpu.memory_space<hbm>>
      %dma_start3A_1282 = tpu.memref_squeeze %dma_start3A_1281 : memref<1x50x64xf32, #tpu.memory_space<hbm>> -> memref<50x64xf32, #tpu.memory_space<hbm>>
      %dma_start3A_1283 = arith.constant 0 : i32
      %dma_start3A_1284 = arith.constant 0 : i32
      %dma_start3A_1285 = tpu.memref_slice %arg4[%add3A_1166, %dma_start3A_1283, %dma_start3A_1284] : memref<16384x50x64xf32, #tpu.memory_space<hbm>> -> memref<1x50x64xf32, #tpu.memory_space<hbm>>
      %dma_start3A_1286 = tpu.memref_squeeze %dma_start3A_1285 : memref<1x50x64xf32, #tpu.memory_space<hbm>> -> memref<50x64xf32, #tpu.memory_space<hbm>>
      %dma_start3A_1287 = arith.constant 300 : i32
      %dma_start3A_1288 = arith.constant 0 : i32
      %dma_start3A_1289 = tpu.memref_slice %arg6[%dma_start3A_1274, %dma_start3A_1287, %dma_start3A_1288] : memref<4x400x64xf32, #tpu.memory_space<vmem>> -> memref<1x50x64xf32, #tpu.memory_space<vmem>>
      %dma_start3A_1290 = tpu.memref_squeeze %dma_start3A_1289 : memref<1x50x64xf32, #tpu.memory_space<vmem>> -> memref<50x64xf32, #tpu.memory_space<vmem>>
      tpu.enqueue_dma source(%dma_start3A_1290 : memref<50x64xf32, #tpu.memory_space<vmem>>) target(%dma_start3A_1286 : memref<50x64xf32, #tpu.memory_space<hbm>>) target_semaphore(%arg13 : memref<!tpu.dma_semaphore, #tpu.memory_space<semaphore_mem>>)
      %dma_start3A_1291 = arith.constant 2 : i32
      %dma_start3A_1292 = arith.constant 350 : i32
      %dma_start3A_1293 = arith.constant 0 : i32
      %dma_start3A_1294 = tpu.memref_slice %arg6[%dma_start3A_1291, %dma_start3A_1292, %dma_start3A_1293] : memref<4x400x64xf32, #tpu.memory_space<vmem>> -> memref<1x50x64xf32, #tpu.memory_space<vmem>>
      %dma_start3A_1295 = tpu.memref_squeeze %dma_start3A_1294 : memref<1x50x64xf32, #tpu.memory_space<vmem>> -> memref<50x64xf32, #tpu.memory_space<vmem>>
      %dma_start3A_1296 = arith.constant 0 : i32
      %dma_start3A_1297 = arith.constant 0 : i32
      %dma_start3A_1298 = tpu.memref_slice %arg4[%add3A_1171, %dma_start3A_1296, %dma_start3A_1297] : memref<16384x50x64xf32, #tpu.memory_space<hbm>> -> memref<1x50x64xf32, #tpu.memory_space<hbm>>
      %dma_start3A_1299 = tpu.memref_squeeze %dma_start3A_1298 : memref<1x50x64xf32, #tpu.memory_space<hbm>> -> memref<50x64xf32, #tpu.memory_space<hbm>>
      %dma_start3A_1300 = arith.constant 0 : i32
      %dma_start3A_1301 = arith.constant 0 : i32
      %dma_start3A_1302 = tpu.memref_slice %arg4[%add3A_1171, %dma_start3A_1300, %dma_start3A_1301] : memref<16384x50x64xf32, #tpu.memory_space<hbm>> -> memref<1x50x64xf32, #tpu.memory_space<hbm>>
      %dma_start3A_1303 = tpu.memref_squeeze %dma_start3A_1302 : memref<1x50x64xf32, #tpu.memory_space<hbm>> -> memref<50x64xf32, #tpu.memory_space<hbm>>
      %dma_start3A_1304 = arith.constant 350 : i32
      %dma_start3A_1305 = arith.constant 0 : i32
      %dma_start3A_1306 = tpu.memref_slice %arg6[%dma_start3A_1291, %dma_start3A_1304, %dma_start3A_1305] : memref<4x400x64xf32, #tpu.memory_space<vmem>> -> memref<1x50x64xf32, #tpu.memory_space<vmem>>
      %dma_start3A_1307 = tpu.memref_squeeze %dma_start3A_1306 : memref<1x50x64xf32, #tpu.memory_space<vmem>> -> memref<50x64xf32, #tpu.memory_space<vmem>>
      tpu.enqueue_dma source(%dma_start3A_1307 : memref<50x64xf32, #tpu.memory_space<vmem>>) target(%dma_start3A_1303 : memref<50x64xf32, #tpu.memory_space<hbm>>) target_semaphore(%arg13 : memref<!tpu.dma_semaphore, #tpu.memory_space<semaphore_mem>>)
      %add3A_1308 = arith.constant 4 : i32
      %add3A_1309 = arith.addi %add3A_1120, %add3A_1308 : i32
      %sub3A_1310 = arith.constant 1 : i32
      %sub3A_1311 = arith.subi %add3A_1309, %sub3A_1310 : i32
      %ge3A_1312 = arith.constant 1 : i32
      %ge3A_1313 = arith.cmpi sge, %add3A_1120, %ge3A_1312 : i32
      %lt3A_1314 = arith.constant 64 : i32
      %lt3A_1315 = arith.cmpi slt, %sub3A_1311, %lt3A_1314 : i32
      %and3A_1316 = arith.andi %ge3A_1313, %lt3A_1315 : i1
      %convert_element_type3A_1317 = arith.extui %and3A_1316 : i1 to i32
      %cond3A_1318 = arith.constant 0 : i32
      %cond3A_1319 = arith.cmpi ne, %convert_element_type3A_1317, %cond3A_1318 : i32
      scf.if %cond3A_1319 {
        %sub3A_1521 = arith.constant 1 : i32
        %sub3A_1522 = arith.subi %add3A_1120, %sub3A_1521 : i32
        %mul3A_1523 = arith.constant 8 : i32
        %mul3A_1524 = arith.muli %sub3A_1522, %mul3A_1523 : i32
        %add3A_1525 = arith.addi %mul3A_2, %mul3A_1524 : i32
        %add3A_1526 = arith.constant 0 : i32
        %add3A_1527 = arith.addi %add3A_1525, %add3A_1526 : i32
        %mul3A_1528 = arith.constant 8 : i32
        %mul3A_1529 = arith.muli %sub3A_1522, %mul3A_1528 : i32
        %add3A_1530 = arith.addi %mul3A_2, %mul3A_1529 : i32
        %add3A_1531 = arith.constant 1 : i32
        %add3A_1532 = arith.addi %add3A_1530, %add3A_1531 : i32
        %mul3A_1533 = arith.constant 8 : i32
        %mul3A_1534 = arith.muli %sub3A_1522, %mul3A_1533 : i32
        %add3A_1535 = arith.addi %mul3A_2, %mul3A_1534 : i32
        %add3A_1536 = arith.constant 2 : i32
        %add3A_1537 = arith.addi %add3A_1535, %add3A_1536 : i32
        %mul3A_1538 = arith.constant 8 : i32
        %mul3A_1539 = arith.muli %sub3A_1522, %mul3A_1538 : i32
        %add3A_1540 = arith.addi %mul3A_2, %mul3A_1539 : i32
        %add3A_1541 = arith.constant 3 : i32
        %add3A_1542 = arith.addi %add3A_1540, %add3A_1541 : i32
        %mul3A_1543 = arith.constant 8 : i32
        %mul3A_1544 = arith.muli %sub3A_1522, %mul3A_1543 : i32
        %add3A_1545 = arith.addi %mul3A_2, %mul3A_1544 : i32
        %add3A_1546 = arith.constant 4 : i32
        %add3A_1547 = arith.addi %add3A_1545, %add3A_1546 : i32
        %mul3A_1548 = arith.constant 8 : i32
        %mul3A_1549 = arith.muli %sub3A_1522, %mul3A_1548 : i32
        %add3A_1550 = arith.addi %mul3A_2, %mul3A_1549 : i32
        %add3A_1551 = arith.constant 5 : i32
        %add3A_1552 = arith.addi %add3A_1550, %add3A_1551 : i32
        %mul3A_1553 = arith.constant 8 : i32
        %mul3A_1554 = arith.muli %sub3A_1522, %mul3A_1553 : i32
        %add3A_1555 = arith.addi %mul3A_2, %mul3A_1554 : i32
        %add3A_1556 = arith.constant 6 : i32
        %add3A_1557 = arith.addi %add3A_1555, %add3A_1556 : i32
        %mul3A_1558 = arith.constant 8 : i32
        %mul3A_1559 = arith.muli %sub3A_1522, %mul3A_1558 : i32
        %add3A_1560 = arith.addi %mul3A_2, %mul3A_1559 : i32
        %add3A_1561 = arith.constant 7 : i32
        %add3A_1562 = arith.addi %add3A_1560, %add3A_1561 : i32
        %dma_wait3A_1563 = arith.constant 1 : i32
        %dma_wait3A_1564 = arith.constant 0 : i32
        %dma_wait3A_1565 = arith.constant 0 : i32
        %dma_wait3A_1566 = tpu.memref_slice %arg6[%dma_wait3A_1563, %dma_wait3A_1564, %dma_wait3A_1565] : memref<4x400x64xf32, #tpu.memory_space<vmem>> -> memref<1x50x64xf32, #tpu.memory_space<vmem>>
        %dma_wait3A_1567 = tpu.memref_squeeze %dma_wait3A_1566 : memref<1x50x64xf32, #tpu.memory_space<vmem>> -> memref<50x64xf32, #tpu.memory_space<vmem>>
        %dma_wait3A_1568 = arith.constant 0 : i32
        %dma_wait3A_1569 = arith.constant 0 : i32
        %dma_wait3A_1570 = tpu.memref_slice %arg4[%add3A_1527, %dma_wait3A_1568, %dma_wait3A_1569] : memref<16384x50x64xf32, #tpu.memory_space<hbm>> -> memref<1x50x64xf32, #tpu.memory_space<hbm>>
        %dma_wait3A_1571 = tpu.memref_squeeze %dma_wait3A_1570 : memref<1x50x64xf32, #tpu.memory_space<hbm>> -> memref<50x64xf32, #tpu.memory_space<hbm>>
        %dma_wait3A_1572 = arith.constant 0 : i32
        %dma_wait3A_1573 = arith.constant 0 : i32
        %dma_wait3A_1574 = tpu.memref_slice %arg4[%add3A_1527, %dma_wait3A_1572, %dma_wait3A_1573] : memref<16384x50x64xf32, #tpu.memory_space<hbm>> -> memref<1x50x64xf32, #tpu.memory_space<hbm>>
        %dma_wait3A_1575 = tpu.memref_squeeze %dma_wait3A_1574 : memref<1x50x64xf32, #tpu.memory_space<hbm>> -> memref<50x64xf32, #tpu.memory_space<hbm>>
        %dma_wait3A_1576 = arith.constant 0 : i32
        %dma_wait3A_1577 = arith.constant 0 : i32
        %dma_wait3A_1578 = tpu.memref_slice %arg6[%dma_wait3A_1563, %dma_wait3A_1576, %dma_wait3A_1577] : memref<4x400x64xf32, #tpu.memory_space<vmem>> -> memref<1x50x64xf32, #tpu.memory_space<vmem>>
        %dma_wait3A_1579 = tpu.memref_squeeze %dma_wait3A_1578 : memref<1x50x64xf32, #tpu.memory_space<vmem>> -> memref<50x64xf32, #tpu.memory_space<vmem>>
        tpu.wait_dma2 semaphore(%arg12 : memref<!tpu.dma_semaphore, #tpu.memory_space<semaphore_mem>>) src(%dma_wait3A_1579 : memref<50x64xf32, #tpu.memory_space<vmem>>) dst(%dma_wait3A_1575 : memref<50x64xf32, #tpu.memory_space<hbm>>)
        %dma_wait3A_1580 = arith.constant 1 : i32
        %dma_wait3A_1581 = arith.constant 50 : i32
        %dma_wait3A_1582 = arith.constant 0 : i32
        %dma_wait3A_1583 = tpu.memref_slice %arg6[%dma_wait3A_1580, %dma_wait3A_1581, %dma_wait3A_1582] : memref<4x400x64xf32, #tpu.memory_space<vmem>> -> memref<1x50x64xf32, #tpu.memory_space<vmem>>
        %dma_wait3A_1584 = tpu.memref_squeeze %dma_wait3A_1583 : memref<1x50x64xf32, #tpu.memory_space<vmem>> -> memref<50x64xf32, #tpu.memory_space<vmem>>
        %dma_wait3A_1585 = arith.constant 0 : i32
        %dma_wait3A_1586 = arith.constant 0 : i32
        %dma_wait3A_1587 = tpu.memref_slice %arg4[%add3A_1532, %dma_wait3A_1585, %dma_wait3A_1586] : memref<16384x50x64xf32, #tpu.memory_space<hbm>> -> memref<1x50x64xf32, #tpu.memory_space<hbm>>
        %dma_wait3A_1588 = tpu.memref_squeeze %dma_wait3A_1587 : memref<1x50x64xf32, #tpu.memory_space<hbm>> -> memref<50x64xf32, #tpu.memory_space<hbm>>
        %dma_wait3A_1589 = arith.constant 0 : i32
        %dma_wait3A_1590 = arith.constant 0 : i32
        %dma_wait3A_1591 = tpu.memref_slice %arg4[%add3A_1532, %dma_wait3A_1589, %dma_wait3A_1590] : memref<16384x50x64xf32, #tpu.memory_space<hbm>> -> memref<1x50x64xf32, #tpu.memory_space<hbm>>
        %dma_wait3A_1592 = tpu.memref_squeeze %dma_wait3A_1591 : memref<1x50x64xf32, #tpu.memory_space<hbm>> -> memref<50x64xf32, #tpu.memory_space<hbm>>
        %dma_wait3A_1593 = arith.constant 50 : i32
        %dma_wait3A_1594 = arith.constant 0 : i32
        %dma_wait3A_1595 = tpu.memref_slice %arg6[%dma_wait3A_1580, %dma_wait3A_1593, %dma_wait3A_1594] : memref<4x400x64xf32, #tpu.memory_space<vmem>> -> memref<1x50x64xf32, #tpu.memory_space<vmem>>
        %dma_wait3A_1596 = tpu.memref_squeeze %dma_wait3A_1595 : memref<1x50x64xf32, #tpu.memory_space<vmem>> -> memref<50x64xf32, #tpu.memory_space<vmem>>
        tpu.wait_dma2 semaphore(%arg12 : memref<!tpu.dma_semaphore, #tpu.memory_space<semaphore_mem>>) src(%dma_wait3A_1596 : memref<50x64xf32, #tpu.memory_space<vmem>>) dst(%dma_wait3A_1592 : memref<50x64xf32, #tpu.memory_space<hbm>>)
        %dma_wait3A_1597 = arith.constant 1 : i32
        %dma_wait3A_1598 = arith.constant 100 : i32
        %dma_wait3A_1599 = arith.constant 0 : i32
        %dma_wait3A_1600 = tpu.memref_slice %arg6[%dma_wait3A_1597, %dma_wait3A_1598, %dma_wait3A_1599] : memref<4x400x64xf32, #tpu.memory_space<vmem>> -> memref<1x50x64xf32, #tpu.memory_space<vmem>>
        %dma_wait3A_1601 = tpu.memref_squeeze %dma_wait3A_1600 : memref<1x50x64xf32, #tpu.memory_space<vmem>> -> memref<50x64xf32, #tpu.memory_space<vmem>>
        %dma_wait3A_1602 = arith.constant 0 : i32
        %dma_wait3A_1603 = arith.constant 0 : i32
        %dma_wait3A_1604 = tpu.memref_slice %arg4[%add3A_1537, %dma_wait3A_1602, %dma_wait3A_1603] : memref<16384x50x64xf32, #tpu.memory_space<hbm>> -> memref<1x50x64xf32, #tpu.memory_space<hbm>>
        %dma_wait3A_1605 = tpu.memref_squeeze %dma_wait3A_1604 : memref<1x50x64xf32, #tpu.memory_space<hbm>> -> memref<50x64xf32, #tpu.memory_space<hbm>>
        %dma_wait3A_1606 = arith.constant 0 : i32
        %dma_wait3A_1607 = arith.constant 0 : i32
        %dma_wait3A_1608 = tpu.memref_slice %arg4[%add3A_1537, %dma_wait3A_1606, %dma_wait3A_1607] : memref<16384x50x64xf32, #tpu.memory_space<hbm>> -> memref<1x50x64xf32, #tpu.memory_space<hbm>>
        %dma_wait3A_1609 = tpu.memref_squeeze %dma_wait3A_1608 : memref<1x50x64xf32, #tpu.memory_space<hbm>> -> memref<50x64xf32, #tpu.memory_space<hbm>>
        %dma_wait3A_1610 = arith.constant 100 : i32
        %dma_wait3A_1611 = arith.constant 0 : i32
        %dma_wait3A_1612 = tpu.memref_slice %arg6[%dma_wait3A_1597, %dma_wait3A_1610, %dma_wait3A_1611] : memref<4x400x64xf32, #tpu.memory_space<vmem>> -> memref<1x50x64xf32, #tpu.memory_space<vmem>>
        %dma_wait3A_1613 = tpu.memref_squeeze %dma_wait3A_1612 : memref<1x50x64xf32, #tpu.memory_space<vmem>> -> memref<50x64xf32, #tpu.memory_space<vmem>>
        tpu.wait_dma2 semaphore(%arg12 : memref<!tpu.dma_semaphore, #tpu.memory_space<semaphore_mem>>) src(%dma_wait3A_1613 : memref<50x64xf32, #tpu.memory_space<vmem>>) dst(%dma_wait3A_1609 : memref<50x64xf32, #tpu.memory_space<hbm>>)
        %dma_wait3A_1614 = arith.constant 1 : i32
        %dma_wait3A_1615 = arith.constant 150 : i32
        %dma_wait3A_1616 = arith.constant 0 : i32
        %dma_wait3A_1617 = tpu.memref_slice %arg6[%dma_wait3A_1614, %dma_wait3A_1615, %dma_wait3A_1616] : memref<4x400x64xf32, #tpu.memory_space<vmem>> -> memref<1x50x64xf32, #tpu.memory_space<vmem>>
        %dma_wait3A_1618 = tpu.memref_squeeze %dma_wait3A_1617 : memref<1x50x64xf32, #tpu.memory_space<vmem>> -> memref<50x64xf32, #tpu.memory_space<vmem>>
        %dma_wait3A_1619 = arith.constant 0 : i32
        %dma_wait3A_1620 = arith.constant 0 : i32
        %dma_wait3A_1621 = tpu.memref_slice %arg4[%add3A_1542, %dma_wait3A_1619, %dma_wait3A_1620] : memref<16384x50x64xf32, #tpu.memory_space<hbm>> -> memref<1x50x64xf32, #tpu.memory_space<hbm>>
        %dma_wait3A_1622 = tpu.memref_squeeze %dma_wait3A_1621 : memref<1x50x64xf32, #tpu.memory_space<hbm>> -> memref<50x64xf32, #tpu.memory_space<hbm>>
        %dma_wait3A_1623 = arith.constant 0 : i32
        %dma_wait3A_1624 = arith.constant 0 : i32
        %dma_wait3A_1625 = tpu.memref_slice %arg4[%add3A_1542, %dma_wait3A_1623, %dma_wait3A_1624] : memref<16384x50x64xf32, #tpu.memory_space<hbm>> -> memref<1x50x64xf32, #tpu.memory_space<hbm>>
        %dma_wait3A_1626 = tpu.memref_squeeze %dma_wait3A_1625 : memref<1x50x64xf32, #tpu.memory_space<hbm>> -> memref<50x64xf32, #tpu.memory_space<hbm>>
        %dma_wait3A_1627 = arith.constant 150 : i32
        %dma_wait3A_1628 = arith.constant 0 : i32
        %dma_wait3A_1629 = tpu.memref_slice %arg6[%dma_wait3A_1614, %dma_wait3A_1627, %dma_wait3A_1628] : memref<4x400x64xf32, #tpu.memory_space<vmem>> -> memref<1x50x64xf32, #tpu.memory_space<vmem>>
        %dma_wait3A_1630 = tpu.memref_squeeze %dma_wait3A_1629 : memref<1x50x64xf32, #tpu.memory_space<vmem>> -> memref<50x64xf32, #tpu.memory_space<vmem>>
        tpu.wait_dma2 semaphore(%arg12 : memref<!tpu.dma_semaphore, #tpu.memory_space<semaphore_mem>>) src(%dma_wait3A_1630 : memref<50x64xf32, #tpu.memory_space<vmem>>) dst(%dma_wait3A_1626 : memref<50x64xf32, #tpu.memory_space<hbm>>)
        %dma_wait3A_1631 = arith.constant 1 : i32
        %dma_wait3A_1632 = arith.constant 200 : i32
        %dma_wait3A_1633 = arith.constant 0 : i32
        %dma_wait3A_1634 = tpu.memref_slice %arg6[%dma_wait3A_1631, %dma_wait3A_1632, %dma_wait3A_1633] : memref<4x400x64xf32, #tpu.memory_space<vmem>> -> memref<1x50x64xf32, #tpu.memory_space<vmem>>
        %dma_wait3A_1635 = tpu.memref_squeeze %dma_wait3A_1634 : memref<1x50x64xf32, #tpu.memory_space<vmem>> -> memref<50x64xf32, #tpu.memory_space<vmem>>
        %dma_wait3A_1636 = arith.constant 0 : i32
        %dma_wait3A_1637 = arith.constant 0 : i32
        %dma_wait3A_1638 = tpu.memref_slice %arg4[%add3A_1547, %dma_wait3A_1636, %dma_wait3A_1637] : memref<16384x50x64xf32, #tpu.memory_space<hbm>> -> memref<1x50x64xf32, #tpu.memory_space<hbm>>
        %dma_wait3A_1639 = tpu.memref_squeeze %dma_wait3A_1638 : memref<1x50x64xf32, #tpu.memory_space<hbm>> -> memref<50x64xf32, #tpu.memory_space<hbm>>
        %dma_wait3A_1640 = arith.constant 0 : i32
        %dma_wait3A_1641 = arith.constant 0 : i32
        %dma_wait3A_1642 = tpu.memref_slice %arg4[%add3A_1547, %dma_wait3A_1640, %dma_wait3A_1641] : memref<16384x50x64xf32, #tpu.memory_space<hbm>> -> memref<1x50x64xf32, #tpu.memory_space<hbm>>
        %dma_wait3A_1643 = tpu.memref_squeeze %dma_wait3A_1642 : memref<1x50x64xf32, #tpu.memory_space<hbm>> -> memref<50x64xf32, #tpu.memory_space<hbm>>
        %dma_wait3A_1644 = arith.constant 200 : i32
        %dma_wait3A_1645 = arith.constant 0 : i32
        %dma_wait3A_1646 = tpu.memref_slice %arg6[%dma_wait3A_1631, %dma_wait3A_1644, %dma_wait3A_1645] : memref<4x400x64xf32, #tpu.memory_space<vmem>> -> memref<1x50x64xf32, #tpu.memory_space<vmem>>
        %dma_wait3A_1647 = tpu.memref_squeeze %dma_wait3A_1646 : memref<1x50x64xf32, #tpu.memory_space<vmem>> -> memref<50x64xf32, #tpu.memory_space<vmem>>
        tpu.wait_dma2 semaphore(%arg12 : memref<!tpu.dma_semaphore, #tpu.memory_space<semaphore_mem>>) src(%dma_wait3A_1647 : memref<50x64xf32, #tpu.memory_space<vmem>>) dst(%dma_wait3A_1643 : memref<50x64xf32, #tpu.memory_space<hbm>>)
        %dma_wait3A_1648 = arith.constant 1 : i32
        %dma_wait3A_1649 = arith.constant 250 : i32
        %dma_wait3A_1650 = arith.constant 0 : i32
        %dma_wait3A_1651 = tpu.memref_slice %arg6[%dma_wait3A_1648, %dma_wait3A_1649, %dma_wait3A_1650] : memref<4x400x64xf32, #tpu.memory_space<vmem>> -> memref<1x50x64xf32, #tpu.memory_space<vmem>>
        %dma_wait3A_1652 = tpu.memref_squeeze %dma_wait3A_1651 : memref<1x50x64xf32, #tpu.memory_space<vmem>> -> memref<50x64xf32, #tpu.memory_space<vmem>>
        %dma_wait3A_1653 = arith.constant 0 : i32
        %dma_wait3A_1654 = arith.constant 0 : i32
        %dma_wait3A_1655 = tpu.memref_slice %arg4[%add3A_1552, %dma_wait3A_1653, %dma_wait3A_1654] : memref<16384x50x64xf32, #tpu.memory_space<hbm>> -> memref<1x50x64xf32, #tpu.memory_space<hbm>>
        %dma_wait3A_1656 = tpu.memref_squeeze %dma_wait3A_1655 : memref<1x50x64xf32, #tpu.memory_space<hbm>> -> memref<50x64xf32, #tpu.memory_space<hbm>>
        %dma_wait3A_1657 = arith.constant 0 : i32
        %dma_wait3A_1658 = arith.constant 0 : i32
        %dma_wait3A_1659 = tpu.memref_slice %arg4[%add3A_1552, %dma_wait3A_1657, %dma_wait3A_1658] : memref<16384x50x64xf32, #tpu.memory_space<hbm>> -> memref<1x50x64xf32, #tpu.memory_space<hbm>>
        %dma_wait3A_1660 = tpu.memref_squeeze %dma_wait3A_1659 : memref<1x50x64xf32, #tpu.memory_space<hbm>> -> memref<50x64xf32, #tpu.memory_space<hbm>>
        %dma_wait3A_1661 = arith.constant 250 : i32
        %dma_wait3A_1662 = arith.constant 0 : i32
        %dma_wait3A_1663 = tpu.memref_slice %arg6[%dma_wait3A_1648, %dma_wait3A_1661, %dma_wait3A_1662] : memref<4x400x64xf32, #tpu.memory_space<vmem>> -> memref<1x50x64xf32, #tpu.memory_space<vmem>>
        %dma_wait3A_1664 = tpu.memref_squeeze %dma_wait3A_1663 : memref<1x50x64xf32, #tpu.memory_space<vmem>> -> memref<50x64xf32, #tpu.memory_space<vmem>>
        tpu.wait_dma2 semaphore(%arg12 : memref<!tpu.dma_semaphore, #tpu.memory_space<semaphore_mem>>) src(%dma_wait3A_1664 : memref<50x64xf32, #tpu.memory_space<vmem>>) dst(%dma_wait3A_1660 : memref<50x64xf32, #tpu.memory_space<hbm>>)
        %dma_wait3A_1665 = arith.constant 1 : i32
        %dma_wait3A_1666 = arith.constant 300 : i32
        %dma_wait3A_1667 = arith.constant 0 : i32
        %dma_wait3A_1668 = tpu.memref_slice %arg6[%dma_wait3A_1665, %dma_wait3A_1666, %dma_wait3A_1667] : memref<4x400x64xf32, #tpu.memory_space<vmem>> -> memref<1x50x64xf32, #tpu.memory_space<vmem>>
        %dma_wait3A_1669 = tpu.memref_squeeze %dma_wait3A_1668 : memref<1x50x64xf32, #tpu.memory_space<vmem>> -> memref<50x64xf32, #tpu.memory_space<vmem>>
        %dma_wait3A_1670 = arith.constant 0 : i32
        %dma_wait3A_1671 = arith.constant 0 : i32
        %dma_wait3A_1672 = tpu.memref_slice %arg4[%add3A_1557, %dma_wait3A_1670, %dma_wait3A_1671] : memref<16384x50x64xf32, #tpu.memory_space<hbm>> -> memref<1x50x64xf32, #tpu.memory_space<hbm>>
        %dma_wait3A_1673 = tpu.memref_squeeze %dma_wait3A_1672 : memref<1x50x64xf32, #tpu.memory_space<hbm>> -> memref<50x64xf32, #tpu.memory_space<hbm>>
        %dma_wait3A_1674 = arith.constant 0 : i32
        %dma_wait3A_1675 = arith.constant 0 : i32
        %dma_wait3A_1676 = tpu.memref_slice %arg4[%add3A_1557, %dma_wait3A_1674, %dma_wait3A_1675] : memref<16384x50x64xf32, #tpu.memory_space<hbm>> -> memref<1x50x64xf32, #tpu.memory_space<hbm>>
        %dma_wait3A_1677 = tpu.memref_squeeze %dma_wait3A_1676 : memref<1x50x64xf32, #tpu.memory_space<hbm>> -> memref<50x64xf32, #tpu.memory_space<hbm>>
        %dma_wait3A_1678 = arith.constant 300 : i32
        %dma_wait3A_1679 = arith.constant 0 : i32
        %dma_wait3A_1680 = tpu.memref_slice %arg6[%dma_wait3A_1665, %dma_wait3A_1678, %dma_wait3A_1679] : memref<4x400x64xf32, #tpu.memory_space<vmem>> -> memref<1x50x64xf32, #tpu.memory_space<vmem>>
        %dma_wait3A_1681 = tpu.memref_squeeze %dma_wait3A_1680 : memref<1x50x64xf32, #tpu.memory_space<vmem>> -> memref<50x64xf32, #tpu.memory_space<vmem>>
        tpu.wait_dma2 semaphore(%arg12 : memref<!tpu.dma_semaphore, #tpu.memory_space<semaphore_mem>>) src(%dma_wait3A_1681 : memref<50x64xf32, #tpu.memory_space<vmem>>) dst(%dma_wait3A_1677 : memref<50x64xf32, #tpu.memory_space<hbm>>)
        %dma_wait3A_1682 = arith.constant 1 : i32
        %dma_wait3A_1683 = arith.constant 350 : i32
        %dma_wait3A_1684 = arith.constant 0 : i32
        %dma_wait3A_1685 = tpu.memref_slice %arg6[%dma_wait3A_1682, %dma_wait3A_1683, %dma_wait3A_1684] : memref<4x400x64xf32, #tpu.memory_space<vmem>> -> memref<1x50x64xf32, #tpu.memory_space<vmem>>
        %dma_wait3A_1686 = tpu.memref_squeeze %dma_wait3A_1685 : memref<1x50x64xf32, #tpu.memory_space<vmem>> -> memref<50x64xf32, #tpu.memory_space<vmem>>
        %dma_wait3A_1687 = arith.constant 0 : i32
        %dma_wait3A_1688 = arith.constant 0 : i32
        %dma_wait3A_1689 = tpu.memref_slice %arg4[%add3A_1562, %dma_wait3A_1687, %dma_wait3A_1688] : memref<16384x50x64xf32, #tpu.memory_space<hbm>> -> memref<1x50x64xf32, #tpu.memory_space<hbm>>
        %dma_wait3A_1690 = tpu.memref_squeeze %dma_wait3A_1689 : memref<1x50x64xf32, #tpu.memory_space<hbm>> -> memref<50x64xf32, #tpu.memory_space<hbm>>
        %dma_wait3A_1691 = arith.constant 0 : i32
        %dma_wait3A_1692 = arith.constant 0 : i32
        %dma_wait3A_1693 = tpu.memref_slice %arg4[%add3A_1562, %dma_wait3A_1691, %dma_wait3A_1692] : memref<16384x50x64xf32, #tpu.memory_space<hbm>> -> memref<1x50x64xf32, #tpu.memory_space<hbm>>
        %dma_wait3A_1694 = tpu.memref_squeeze %dma_wait3A_1693 : memref<1x50x64xf32, #tpu.memory_space<hbm>> -> memref<50x64xf32, #tpu.memory_space<hbm>>
        %dma_wait3A_1695 = arith.constant 350 : i32
        %dma_wait3A_1696 = arith.constant 0 : i32
        %dma_wait3A_1697 = tpu.memref_slice %arg6[%dma_wait3A_1682, %dma_wait3A_1695, %dma_wait3A_1696] : memref<4x400x64xf32, #tpu.memory_space<vmem>> -> memref<1x50x64xf32, #tpu.memory_space<vmem>>
        %dma_wait3A_1698 = tpu.memref_squeeze %dma_wait3A_1697 : memref<1x50x64xf32, #tpu.memory_space<vmem>> -> memref<50x64xf32, #tpu.memory_space<vmem>>
        tpu.wait_dma2 semaphore(%arg12 : memref<!tpu.dma_semaphore, #tpu.memory_space<semaphore_mem>>) src(%dma_wait3A_1698 : memref<50x64xf32, #tpu.memory_space<vmem>>) dst(%dma_wait3A_1694 : memref<50x64xf32, #tpu.memory_space<hbm>>)
        %mul3A_1699 = arith.constant 400 : i32
        %mul3A_1700 = arith.muli %sub3A_1311, %mul3A_1699 : i32
        %dma_start3A_1701 = arith.constant 1 : i32
        %dma_start3A_1702 = arith.constant 0 : i32
        %dma_start3A_1703 = arith.constant 0 : i32
        %dma_start3A_1704 = tpu.memref_slice %arg6[%dma_start3A_1701, %dma_start3A_1702, %dma_start3A_1703] : memref<4x400x64xf32, #tpu.memory_space<vmem>> -> memref<1x400x64xf32, #tpu.memory_space<vmem>>
        %dma_start3A_1705 = tpu.memref_squeeze %dma_start3A_1704 : memref<1x400x64xf32, #tpu.memory_space<vmem>> -> memref<400x64xf32, #tpu.memory_space<vmem>>
        %dma_start3A_1706 = tpu.memref_slice %arg5[%mul3A_1700] : memref<25600xi32, #tpu.memory_space<vmem>> -> memref<400xi32, #tpu.memory_space<vmem>>
        %dma_start3A_1707 = arith.constant 0 : i32
        %dma_start3A_1708 = arith.constant 0 : i32
        %dma_start3A_1709 = tpu.memref_slice %arg3[%dma_start3A_1707, %dma_start3A_1708] : memref<1000000x64xf32, #tpu.memory_space<hbm>> -> memref<1000000x64xf32, #tpu.memory_space<hbm>>
        tpu.enqueue_indirect_dma source(%dma_start3A_1709 : memref<1000000x64xf32, #tpu.memory_space<hbm>>) target(%dma_start3A_1705 : memref<400x64xf32, #tpu.memory_space<vmem>>) offsets(%dma_start3A_1706 : memref<400xi32, #tpu.memory_space<vmem>>) semaphore(%arg8 : memref<!tpu.dma_semaphore, #tpu.memory_space<semaphore_mem>>)
      } else {
      }
      %add3A_1320 = arith.constant 3 : i32
      %add3A_1321 = arith.addi %mul3A_722, %add3A_1320 : i32
      %mul3A_1322 = arith.constant 400 : i32
      %mul3A_1323 = arith.muli %add3A_1321, %mul3A_1322 : i32
      %dma_wait3A_1324 = arith.constant 3 : i32
      %dma_wait3A_1325 = arith.constant 0 : i32
      %dma_wait3A_1326 = arith.constant 0 : i32
      %dma_wait3A_1327 = tpu.memref_slice %arg6[%dma_wait3A_1324, %dma_wait3A_1325, %dma_wait3A_1326] : memref<4x400x64xf32, #tpu.memory_space<vmem>> -> memref<1x400x64xf32, #tpu.memory_space<vmem>>
      %dma_wait3A_1328 = tpu.memref_squeeze %dma_wait3A_1327 : memref<1x400x64xf32, #tpu.memory_space<vmem>> -> memref<400x64xf32, #tpu.memory_space<vmem>>
      %dma_wait3A_1329 = tpu.memref_slice %arg5[%mul3A_1323] : memref<25600xi32, #tpu.memory_space<vmem>> -> memref<400xi32, #tpu.memory_space<vmem>>
      %dma_wait3A_1330 = arith.constant 0 : i32
      %dma_wait3A_1331 = arith.constant 0 : i32
      %dma_wait3A_1332 = tpu.memref_slice %arg3[%dma_wait3A_1330, %dma_wait3A_1331] : memref<1000000x64xf32, #tpu.memory_space<hbm>> -> memref<1000000x64xf32, #tpu.memory_space<hbm>>
      tpu.wait_indirect_dma semaphore(%arg10 : memref<!tpu.dma_semaphore, #tpu.memory_space<semaphore_mem>>) src(%dma_wait3A_1332 : memref<1000000x64xf32, #tpu.memory_space<hbm>>) dst(%dma_wait3A_1328 : memref<400x64xf32, #tpu.memory_space<vmem>>)
      %mul3A_1333 = arith.constant 8 : i32
      %mul3A_1334 = arith.muli %add3A_1321, %mul3A_1333 : i32
      %add3A_1335 = arith.addi %mul3A_2, %mul3A_1334 : i32
      %add3A_1336 = arith.constant 0 : i32
      %add3A_1337 = arith.addi %add3A_1335, %add3A_1336 : i32
      %mul3A_1338 = arith.constant 8 : i32
      %mul3A_1339 = arith.muli %add3A_1321, %mul3A_1338 : i32
      %add3A_1340 = arith.addi %mul3A_2, %mul3A_1339 : i32
      %add3A_1341 = arith.constant 1 : i32
      %add3A_1342 = arith.addi %add3A_1340, %add3A_1341 : i32
      %mul3A_1343 = arith.constant 8 : i32
      %mul3A_1344 = arith.muli %add3A_1321, %mul3A_1343 : i32
      %add3A_1345 = arith.addi %mul3A_2, %mul3A_1344 : i32
      %add3A_1346 = arith.constant 2 : i32
      %add3A_1347 = arith.addi %add3A_1345, %add3A_1346 : i32
      %mul3A_1348 = arith.constant 8 : i32
      %mul3A_1349 = arith.muli %add3A_1321, %mul3A_1348 : i32
      %add3A_1350 = arith.addi %mul3A_2, %mul3A_1349 : i32
      %add3A_1351 = arith.constant 3 : i32
      %add3A_1352 = arith.addi %add3A_1350, %add3A_1351 : i32
      %mul3A_1353 = arith.constant 8 : i32
      %mul3A_1354 = arith.muli %add3A_1321, %mul3A_1353 : i32
      %add3A_1355 = arith.addi %mul3A_2, %mul3A_1354 : i32
      %add3A_1356 = arith.constant 4 : i32
      %add3A_1357 = arith.addi %add3A_1355, %add3A_1356 : i32
      %mul3A_1358 = arith.constant 8 : i32
      %mul3A_1359 = arith.muli %add3A_1321, %mul3A_1358 : i32
      %add3A_1360 = arith.addi %mul3A_2, %mul3A_1359 : i32
      %add3A_1361 = arith.constant 5 : i32
      %add3A_1362 = arith.addi %add3A_1360, %add3A_1361 : i32
      %mul3A_1363 = arith.constant 8 : i32
      %mul3A_1364 = arith.muli %add3A_1321, %mul3A_1363 : i32
      %add3A_1365 = arith.addi %mul3A_2, %mul3A_1364 : i32
      %add3A_1366 = arith.constant 6 : i32
      %add3A_1367 = arith.addi %add3A_1365, %add3A_1366 : i32
      %mul3A_1368 = arith.constant 8 : i32
      %mul3A_1369 = arith.muli %add3A_1321, %mul3A_1368 : i32
      %add3A_1370 = arith.addi %mul3A_2, %mul3A_1369 : i32
      %add3A_1371 = arith.constant 7 : i32
      %add3A_1372 = arith.addi %add3A_1370, %add3A_1371 : i32
      %dma_start3A_1373 = arith.constant 3 : i32
      %dma_start3A_1374 = arith.constant 0 : i32
      %dma_start3A_1375 = arith.constant 0 : i32
      %dma_start3A_1376 = tpu.memref_slice %arg6[%dma_start3A_1373, %dma_start3A_1374, %dma_start3A_1375] : memref<4x400x64xf32, #tpu.memory_space<vmem>> -> memref<1x50x64xf32, #tpu.memory_space<vmem>>
      %dma_start3A_1377 = tpu.memref_squeeze %dma_start3A_1376 : memref<1x50x64xf32, #tpu.memory_space<vmem>> -> memref<50x64xf32, #tpu.memory_space<vmem>>
      %dma_start3A_1378 = arith.constant 0 : i32
      %dma_start3A_1379 = arith.constant 0 : i32
      %dma_start3A_1380 = tpu.memref_slice %arg4[%add3A_1337, %dma_start3A_1378, %dma_start3A_1379] : memref<16384x50x64xf32, #tpu.memory_space<hbm>> -> memref<1x50x64xf32, #tpu.memory_space<hbm>>
      %dma_start3A_1381 = tpu.memref_squeeze %dma_start3A_1380 : memref<1x50x64xf32, #tpu.memory_space<hbm>> -> memref<50x64xf32, #tpu.memory_space<hbm>>
      %dma_start3A_1382 = arith.constant 0 : i32
      %dma_start3A_1383 = arith.constant 0 : i32
      %dma_start3A_1384 = tpu.memref_slice %arg4[%add3A_1337, %dma_start3A_1382, %dma_start3A_1383] : memref<16384x50x64xf32, #tpu.memory_space<hbm>> -> memref<1x50x64xf32, #tpu.memory_space<hbm>>
      %dma_start3A_1385 = tpu.memref_squeeze %dma_start3A_1384 : memref<1x50x64xf32, #tpu.memory_space<hbm>> -> memref<50x64xf32, #tpu.memory_space<hbm>>
      %dma_start3A_1386 = arith.constant 0 : i32
      %dma_start3A_1387 = arith.constant 0 : i32
      %dma_start3A_1388 = tpu.memref_slice %arg6[%dma_start3A_1373, %dma_start3A_1386, %dma_start3A_1387] : memref<4x400x64xf32, #tpu.memory_space<vmem>> -> memref<1x50x64xf32, #tpu.memory_space<vmem>>
      %dma_start3A_1389 = tpu.memref_squeeze %dma_start3A_1388 : memref<1x50x64xf32, #tpu.memory_space<vmem>> -> memref<50x64xf32, #tpu.memory_space<vmem>>
      tpu.enqueue_dma source(%dma_start3A_1389 : memref<50x64xf32, #tpu.memory_space<vmem>>) target(%dma_start3A_1385 : memref<50x64xf32, #tpu.memory_space<hbm>>) target_semaphore(%arg14 : memref<!tpu.dma_semaphore, #tpu.memory_space<semaphore_mem>>)
      %dma_start3A_1390 = arith.constant 3 : i32
      %dma_start3A_1391 = arith.constant 50 : i32
      %dma_start3A_1392 = arith.constant 0 : i32
      %dma_start3A_1393 = tpu.memref_slice %arg6[%dma_start3A_1390, %dma_start3A_1391, %dma_start3A_1392] : memref<4x400x64xf32, #tpu.memory_space<vmem>> -> memref<1x50x64xf32, #tpu.memory_space<vmem>>
      %dma_start3A_1394 = tpu.memref_squeeze %dma_start3A_1393 : memref<1x50x64xf32, #tpu.memory_space<vmem>> -> memref<50x64xf32, #tpu.memory_space<vmem>>
      %dma_start3A_1395 = arith.constant 0 : i32
      %dma_start3A_1396 = arith.constant 0 : i32
      %dma_start3A_1397 = tpu.memref_slice %arg4[%add3A_1342, %dma_start3A_1395, %dma_start3A_1396] : memref<16384x50x64xf32, #tpu.memory_space<hbm>> -> memref<1x50x64xf32, #tpu.memory_space<hbm>>
      %dma_start3A_1398 = tpu.memref_squeeze %dma_start3A_1397 : memref<1x50x64xf32, #tpu.memory_space<hbm>> -> memref<50x64xf32, #tpu.memory_space<hbm>>
      %dma_start3A_1399 = arith.constant 0 : i32
      %dma_start3A_1400 = arith.constant 0 : i32
      %dma_start3A_1401 = tpu.memref_slice %arg4[%add3A_1342, %dma_start3A_1399, %dma_start3A_1400] : memref<16384x50x64xf32, #tpu.memory_space<hbm>> -> memref<1x50x64xf32, #tpu.memory_space<hbm>>
      %dma_start3A_1402 = tpu.memref_squeeze %dma_start3A_1401 : memref<1x50x64xf32, #tpu.memory_space<hbm>> -> memref<50x64xf32, #tpu.memory_space<hbm>>
      %dma_start3A_1403 = arith.constant 50 : i32
      %dma_start3A_1404 = arith.constant 0 : i32
      %dma_start3A_1405 = tpu.memref_slice %arg6[%dma_start3A_1390, %dma_start3A_1403, %dma_start3A_1404] : memref<4x400x64xf32, #tpu.memory_space<vmem>> -> memref<1x50x64xf32, #tpu.memory_space<vmem>>
      %dma_start3A_1406 = tpu.memref_squeeze %dma_start3A_1405 : memref<1x50x64xf32, #tpu.memory_space<vmem>> -> memref<50x64xf32, #tpu.memory_space<vmem>>
      tpu.enqueue_dma source(%dma_start3A_1406 : memref<50x64xf32, #tpu.memory_space<vmem>>) target(%dma_start3A_1402 : memref<50x64xf32, #tpu.memory_space<hbm>>) target_semaphore(%arg14 : memref<!tpu.dma_semaphore, #tpu.memory_space<semaphore_mem>>)
      %dma_start3A_1407 = arith.constant 3 : i32
      %dma_start3A_1408 = arith.constant 100 : i32
      %dma_start3A_1409 = arith.constant 0 : i32
      %dma_start3A_1410 = tpu.memref_slice %arg6[%dma_start3A_1407, %dma_start3A_1408, %dma_start3A_1409] : memref<4x400x64xf32, #tpu.memory_space<vmem>> -> memref<1x50x64xf32, #tpu.memory_space<vmem>>
      %dma_start3A_1411 = tpu.memref_squeeze %dma_start3A_1410 : memref<1x50x64xf32, #tpu.memory_space<vmem>> -> memref<50x64xf32, #tpu.memory_space<vmem>>
      %dma_start3A_1412 = arith.constant 0 : i32
      %dma_start3A_1413 = arith.constant 0 : i32
      %dma_start3A_1414 = tpu.memref_slice %arg4[%add3A_1347, %dma_start3A_1412, %dma_start3A_1413] : memref<16384x50x64xf32, #tpu.memory_space<hbm>> -> memref<1x50x64xf32, #tpu.memory_space<hbm>>
      %dma_start3A_1415 = tpu.memref_squeeze %dma_start3A_1414 : memref<1x50x64xf32, #tpu.memory_space<hbm>> -> memref<50x64xf32, #tpu.memory_space<hbm>>
      %dma_start3A_1416 = arith.constant 0 : i32
      %dma_start3A_1417 = arith.constant 0 : i32
      %dma_start3A_1418 = tpu.memref_slice %arg4[%add3A_1347, %dma_start3A_1416, %dma_start3A_1417] : memref<16384x50x64xf32, #tpu.memory_space<hbm>> -> memref<1x50x64xf32, #tpu.memory_space<hbm>>
      %dma_start3A_1419 = tpu.memref_squeeze %dma_start3A_1418 : memref<1x50x64xf32, #tpu.memory_space<hbm>> -> memref<50x64xf32, #tpu.memory_space<hbm>>
      %dma_start3A_1420 = arith.constant 100 : i32
      %dma_start3A_1421 = arith.constant 0 : i32
      %dma_start3A_1422 = tpu.memref_slice %arg6[%dma_start3A_1407, %dma_start3A_1420, %dma_start3A_1421] : memref<4x400x64xf32, #tpu.memory_space<vmem>> -> memref<1x50x64xf32, #tpu.memory_space<vmem>>
      %dma_start3A_1423 = tpu.memref_squeeze %dma_start3A_1422 : memref<1x50x64xf32, #tpu.memory_space<vmem>> -> memref<50x64xf32, #tpu.memory_space<vmem>>
      tpu.enqueue_dma source(%dma_start3A_1423 : memref<50x64xf32, #tpu.memory_space<vmem>>) target(%dma_start3A_1419 : memref<50x64xf32, #tpu.memory_space<hbm>>) target_semaphore(%arg14 : memref<!tpu.dma_semaphore, #tpu.memory_space<semaphore_mem>>)
      %dma_start3A_1424 = arith.constant 3 : i32
      %dma_start3A_1425 = arith.constant 150 : i32
      %dma_start3A_1426 = arith.constant 0 : i32
      %dma_start3A_1427 = tpu.memref_slice %arg6[%dma_start3A_1424, %dma_start3A_1425, %dma_start3A_1426] : memref<4x400x64xf32, #tpu.memory_space<vmem>> -> memref<1x50x64xf32, #tpu.memory_space<vmem>>
      %dma_start3A_1428 = tpu.memref_squeeze %dma_start3A_1427 : memref<1x50x64xf32, #tpu.memory_space<vmem>> -> memref<50x64xf32, #tpu.memory_space<vmem>>
      %dma_start3A_1429 = arith.constant 0 : i32
      %dma_start3A_1430 = arith.constant 0 : i32
      %dma_start3A_1431 = tpu.memref_slice %arg4[%add3A_1352, %dma_start3A_1429, %dma_start3A_1430] : memref<16384x50x64xf32, #tpu.memory_space<hbm>> -> memref<1x50x64xf32, #tpu.memory_space<hbm>>
      %dma_start3A_1432 = tpu.memref_squeeze %dma_start3A_1431 : memref<1x50x64xf32, #tpu.memory_space<hbm>> -> memref<50x64xf32, #tpu.memory_space<hbm>>
      %dma_start3A_1433 = arith.constant 0 : i32
      %dma_start3A_1434 = arith.constant 0 : i32
      %dma_start3A_1435 = tpu.memref_slice %arg4[%add3A_1352, %dma_start3A_1433, %dma_start3A_1434] : memref<16384x50x64xf32, #tpu.memory_space<hbm>> -> memref<1x50x64xf32, #tpu.memory_space<hbm>>
      %dma_start3A_1436 = tpu.memref_squeeze %dma_start3A_1435 : memref<1x50x64xf32, #tpu.memory_space<hbm>> -> memref<50x64xf32, #tpu.memory_space<hbm>>
      %dma_start3A_1437 = arith.constant 150 : i32
      %dma_start3A_1438 = arith.constant 0 : i32
      %dma_start3A_1439 = tpu.memref_slice %arg6[%dma_start3A_1424, %dma_start3A_1437, %dma_start3A_1438] : memref<4x400x64xf32, #tpu.memory_space<vmem>> -> memref<1x50x64xf32, #tpu.memory_space<vmem>>
      %dma_start3A_1440 = tpu.memref_squeeze %dma_start3A_1439 : memref<1x50x64xf32, #tpu.memory_space<vmem>> -> memref<50x64xf32, #tpu.memory_space<vmem>>
      tpu.enqueue_dma source(%dma_start3A_1440 : memref<50x64xf32, #tpu.memory_space<vmem>>) target(%dma_start3A_1436 : memref<50x64xf32, #tpu.memory_space<hbm>>) target_semaphore(%arg14 : memref<!tpu.dma_semaphore, #tpu.memory_space<semaphore_mem>>)
      %dma_start3A_1441 = arith.constant 3 : i32
      %dma_start3A_1442 = arith.constant 200 : i32
      %dma_start3A_1443 = arith.constant 0 : i32
      %dma_start3A_1444 = tpu.memref_slice %arg6[%dma_start3A_1441, %dma_start3A_1442, %dma_start3A_1443] : memref<4x400x64xf32, #tpu.memory_space<vmem>> -> memref<1x50x64xf32, #tpu.memory_space<vmem>>
      %dma_start3A_1445 = tpu.memref_squeeze %dma_start3A_1444 : memref<1x50x64xf32, #tpu.memory_space<vmem>> -> memref<50x64xf32, #tpu.memory_space<vmem>>
      %dma_start3A_1446 = arith.constant 0 : i32
      %dma_start3A_1447 = arith.constant 0 : i32
      %dma_start3A_1448 = tpu.memref_slice %arg4[%add3A_1357, %dma_start3A_1446, %dma_start3A_1447] : memref<16384x50x64xf32, #tpu.memory_space<hbm>> -> memref<1x50x64xf32, #tpu.memory_space<hbm>>
      %dma_start3A_1449 = tpu.memref_squeeze %dma_start3A_1448 : memref<1x50x64xf32, #tpu.memory_space<hbm>> -> memref<50x64xf32, #tpu.memory_space<hbm>>
      %dma_start3A_1450 = arith.constant 0 : i32
      %dma_start3A_1451 = arith.constant 0 : i32
      %dma_start3A_1452 = tpu.memref_slice %arg4[%add3A_1357, %dma_start3A_1450, %dma_start3A_1451] : memref<16384x50x64xf32, #tpu.memory_space<hbm>> -> memref<1x50x64xf32, #tpu.memory_space<hbm>>
      %dma_start3A_1453 = tpu.memref_squeeze %dma_start3A_1452 : memref<1x50x64xf32, #tpu.memory_space<hbm>> -> memref<50x64xf32, #tpu.memory_space<hbm>>
      %dma_start3A_1454 = arith.constant 200 : i32
      %dma_start3A_1455 = arith.constant 0 : i32
      %dma_start3A_1456 = tpu.memref_slice %arg6[%dma_start3A_1441, %dma_start3A_1454, %dma_start3A_1455] : memref<4x400x64xf32, #tpu.memory_space<vmem>> -> memref<1x50x64xf32, #tpu.memory_space<vmem>>
      %dma_start3A_1457 = tpu.memref_squeeze %dma_start3A_1456 : memref<1x50x64xf32, #tpu.memory_space<vmem>> -> memref<50x64xf32, #tpu.memory_space<vmem>>
      tpu.enqueue_dma source(%dma_start3A_1457 : memref<50x64xf32, #tpu.memory_space<vmem>>) target(%dma_start3A_1453 : memref<50x64xf32, #tpu.memory_space<hbm>>) target_semaphore(%arg14 : memref<!tpu.dma_semaphore, #tpu.memory_space<semaphore_mem>>)
      %dma_start3A_1458 = arith.constant 3 : i32
      %dma_start3A_1459 = arith.constant 250 : i32
      %dma_start3A_1460 = arith.constant 0 : i32
      %dma_start3A_1461 = tpu.memref_slice %arg6[%dma_start3A_1458, %dma_start3A_1459, %dma_start3A_1460] : memref<4x400x64xf32, #tpu.memory_space<vmem>> -> memref<1x50x64xf32, #tpu.memory_space<vmem>>
      %dma_start3A_1462 = tpu.memref_squeeze %dma_start3A_1461 : memref<1x50x64xf32, #tpu.memory_space<vmem>> -> memref<50x64xf32, #tpu.memory_space<vmem>>
      %dma_start3A_1463 = arith.constant 0 : i32
      %dma_start3A_1464 = arith.constant 0 : i32
      %dma_start3A_1465 = tpu.memref_slice %arg4[%add3A_1362, %dma_start3A_1463, %dma_start3A_1464] : memref<16384x50x64xf32, #tpu.memory_space<hbm>> -> memref<1x50x64xf32, #tpu.memory_space<hbm>>
      %dma_start3A_1466 = tpu.memref_squeeze %dma_start3A_1465 : memref<1x50x64xf32, #tpu.memory_space<hbm>> -> memref<50x64xf32, #tpu.memory_space<hbm>>
      %dma_start3A_1467 = arith.constant 0 : i32
      %dma_start3A_1468 = arith.constant 0 : i32
      %dma_start3A_1469 = tpu.memref_slice %arg4[%add3A_1362, %dma_start3A_1467, %dma_start3A_1468] : memref<16384x50x64xf32, #tpu.memory_space<hbm>> -> memref<1x50x64xf32, #tpu.memory_space<hbm>>
      %dma_start3A_1470 = tpu.memref_squeeze %dma_start3A_1469 : memref<1x50x64xf32, #tpu.memory_space<hbm>> -> memref<50x64xf32, #tpu.memory_space<hbm>>
      %dma_start3A_1471 = arith.constant 250 : i32
      %dma_start3A_1472 = arith.constant 0 : i32
      %dma_start3A_1473 = tpu.memref_slice %arg6[%dma_start3A_1458, %dma_start3A_1471, %dma_start3A_1472] : memref<4x400x64xf32, #tpu.memory_space<vmem>> -> memref<1x50x64xf32, #tpu.memory_space<vmem>>
      %dma_start3A_1474 = tpu.memref_squeeze %dma_start3A_1473 : memref<1x50x64xf32, #tpu.memory_space<vmem>> -> memref<50x64xf32, #tpu.memory_space<vmem>>
      tpu.enqueue_dma source(%dma_start3A_1474 : memref<50x64xf32, #tpu.memory_space<vmem>>) target(%dma_start3A_1470 : memref<50x64xf32, #tpu.memory_space<hbm>>) target_semaphore(%arg14 : memref<!tpu.dma_semaphore, #tpu.memory_space<semaphore_mem>>)
      %dma_start3A_1475 = arith.constant 3 : i32
      %dma_start3A_1476 = arith.constant 300 : i32
      %dma_start3A_1477 = arith.constant 0 : i32
      %dma_start3A_1478 = tpu.memref_slice %arg6[%dma_start3A_1475, %dma_start3A_1476, %dma_start3A_1477] : memref<4x400x64xf32, #tpu.memory_space<vmem>> -> memref<1x50x64xf32, #tpu.memory_space<vmem>>
      %dma_start3A_1479 = tpu.memref_squeeze %dma_start3A_1478 : memref<1x50x64xf32, #tpu.memory_space<vmem>> -> memref<50x64xf32, #tpu.memory_space<vmem>>
      %dma_start3A_1480 = arith.constant 0 : i32
      %dma_start3A_1481 = arith.constant 0 : i32
      %dma_start3A_1482 = tpu.memref_slice %arg4[%add3A_1367, %dma_start3A_1480, %dma_start3A_1481] : memref<16384x50x64xf32, #tpu.memory_space<hbm>> -> memref<1x50x64xf32, #tpu.memory_space<hbm>>
      %dma_start3A_1483 = tpu.memref_squeeze %dma_start3A_1482 : memref<1x50x64xf32, #tpu.memory_space<hbm>> -> memref<50x64xf32, #tpu.memory_space<hbm>>
      %dma_start3A_1484 = arith.constant 0 : i32
      %dma_start3A_1485 = arith.constant 0 : i32
      %dma_start3A_1486 = tpu.memref_slice %arg4[%add3A_1367, %dma_start3A_1484, %dma_start3A_1485] : memref<16384x50x64xf32, #tpu.memory_space<hbm>> -> memref<1x50x64xf32, #tpu.memory_space<hbm>>
      %dma_start3A_1487 = tpu.memref_squeeze %dma_start3A_1486 : memref<1x50x64xf32, #tpu.memory_space<hbm>> -> memref<50x64xf32, #tpu.memory_space<hbm>>
      %dma_start3A_1488 = arith.constant 300 : i32
      %dma_start3A_1489 = arith.constant 0 : i32
      %dma_start3A_1490 = tpu.memref_slice %arg6[%dma_start3A_1475, %dma_start3A_1488, %dma_start3A_1489] : memref<4x400x64xf32, #tpu.memory_space<vmem>> -> memref<1x50x64xf32, #tpu.memory_space<vmem>>
      %dma_start3A_1491 = tpu.memref_squeeze %dma_start3A_1490 : memref<1x50x64xf32, #tpu.memory_space<vmem>> -> memref<50x64xf32, #tpu.memory_space<vmem>>
      tpu.enqueue_dma source(%dma_start3A_1491 : memref<50x64xf32, #tpu.memory_space<vmem>>) target(%dma_start3A_1487 : memref<50x64xf32, #tpu.memory_space<hbm>>) target_semaphore(%arg14 : memref<!tpu.dma_semaphore, #tpu.memory_space<semaphore_mem>>)
      %dma_start3A_1492 = arith.constant 3 : i32
      %dma_start3A_1493 = arith.constant 350 : i32
      %dma_start3A_1494 = arith.constant 0 : i32
      %dma_start3A_1495 = tpu.memref_slice %arg6[%dma_start3A_1492, %dma_start3A_1493, %dma_start3A_1494] : memref<4x400x64xf32, #tpu.memory_space<vmem>> -> memref<1x50x64xf32, #tpu.memory_space<vmem>>
      %dma_start3A_1496 = tpu.memref_squeeze %dma_start3A_1495 : memref<1x50x64xf32, #tpu.memory_space<vmem>> -> memref<50x64xf32, #tpu.memory_space<vmem>>
      %dma_start3A_1497 = arith.constant 0 : i32
      %dma_start3A_1498 = arith.constant 0 : i32
      %dma_start3A_1499 = tpu.memref_slice %arg4[%add3A_1372, %dma_start3A_1497, %dma_start3A_1498] : memref<16384x50x64xf32, #tpu.memory_space<hbm>> -> memref<1x50x64xf32, #tpu.memory_space<hbm>>
      %dma_start3A_1500 = tpu.memref_squeeze %dma_start3A_1499 : memref<1x50x64xf32, #tpu.memory_space<hbm>> -> memref<50x64xf32, #tpu.memory_space<hbm>>
      %dma_start3A_1501 = arith.constant 0 : i32
      %dma_start3A_1502 = arith.constant 0 : i32
      %dma_start3A_1503 = tpu.memref_slice %arg4[%add3A_1372, %dma_start3A_1501, %dma_start3A_1502] : memref<16384x50x64xf32, #tpu.memory_space<hbm>> -> memref<1x50x64xf32, #tpu.memory_space<hbm>>
      %dma_start3A_1504 = tpu.memref_squeeze %dma_start3A_1503 : memref<1x50x64xf32, #tpu.memory_space<hbm>> -> memref<50x64xf32, #tpu.memory_space<hbm>>
      %dma_start3A_1505 = arith.constant 350 : i32
      %dma_start3A_1506 = arith.constant 0 : i32
      %dma_start3A_1507 = tpu.memref_slice %arg6[%dma_start3A_1492, %dma_start3A_1505, %dma_start3A_1506] : memref<4x400x64xf32, #tpu.memory_space<vmem>> -> memref<1x50x64xf32, #tpu.memory_space<vmem>>
      %dma_start3A_1508 = tpu.memref_squeeze %dma_start3A_1507 : memref<1x50x64xf32, #tpu.memory_space<vmem>> -> memref<50x64xf32, #tpu.memory_space<vmem>>
      tpu.enqueue_dma source(%dma_start3A_1508 : memref<50x64xf32, #tpu.memory_space<vmem>>) target(%dma_start3A_1504 : memref<50x64xf32, #tpu.memory_space<hbm>>) target_semaphore(%arg14 : memref<!tpu.dma_semaphore, #tpu.memory_space<semaphore_mem>>)
      %add3A_1509 = arith.constant 4 : i32
      %add3A_1510 = arith.addi %add3A_1321, %add3A_1509 : i32
      %sub3A_1511 = arith.constant 1 : i32
      %sub3A_1512 = arith.subi %add3A_1510, %sub3A_1511 : i32
      %ge3A_1513 = arith.constant 1 : i32
      %ge3A_1514 = arith.cmpi sge, %add3A_1321, %ge3A_1513 : i32
      %lt3A_1515 = arith.constant 64 : i32
      %lt3A_1516 = arith.cmpi slt, %sub3A_1512, %lt3A_1515 : i32
      %and3A_1517 = arith.andi %ge3A_1514, %lt3A_1516 : i1
      %convert_element_type3A_1518 = arith.extui %and3A_1517 : i1 to i32
      %cond3A_1519 = arith.constant 0 : i32
      %cond3A_1520 = arith.cmpi ne, %convert_element_type3A_1518, %cond3A_1519 : i32
      scf.if %cond3A_1520 {
        %sub3A_1521 = arith.constant 1 : i32
        %sub3A_1522 = arith.subi %add3A_1321, %sub3A_1521 : i32
        %mul3A_1523 = arith.constant 8 : i32
        %mul3A_1524 = arith.muli %sub3A_1522, %mul3A_1523 : i32
        %add3A_1525 = arith.addi %mul3A_2, %mul3A_1524 : i32
        %add3A_1526 = arith.constant 0 : i32
        %add3A_1527 = arith.addi %add3A_1525, %add3A_1526 : i32
        %mul3A_1528 = arith.constant 8 : i32
        %mul3A_1529 = arith.muli %sub3A_1522, %mul3A_1528 : i32
        %add3A_1530 = arith.addi %mul3A_2, %mul3A_1529 : i32
        %add3A_1531 = arith.constant 1 : i32
        %add3A_1532 = arith.addi %add3A_1530, %add3A_1531 : i32
        %mul3A_1533 = arith.constant 8 : i32
        %mul3A_1534 = arith.muli %sub3A_1522, %mul3A_1533 : i32
        %add3A_1535 = arith.addi %mul3A_2, %mul3A_1534 : i32
        %add3A_1536 = arith.constant 2 : i32
        %add3A_1537 = arith.addi %add3A_1535, %add3A_1536 : i32
        %mul3A_1538 = arith.constant 8 : i32
        %mul3A_1539 = arith.muli %sub3A_1522, %mul3A_1538 : i32
        %add3A_1540 = arith.addi %mul3A_2, %mul3A_1539 : i32
        %add3A_1541 = arith.constant 3 : i32
        %add3A_1542 = arith.addi %add3A_1540, %add3A_1541 : i32
        %mul3A_1543 = arith.constant 8 : i32
        %mul3A_1544 = arith.muli %sub3A_1522, %mul3A_1543 : i32
        %add3A_1545 = arith.addi %mul3A_2, %mul3A_1544 : i32
        %add3A_1546 = arith.constant 4 : i32
        %add3A_1547 = arith.addi %add3A_1545, %add3A_1546 : i32
        %mul3A_1548 = arith.constant 8 : i32
        %mul3A_1549 = arith.muli %sub3A_1522, %mul3A_1548 : i32
        %add3A_1550 = arith.addi %mul3A_2, %mul3A_1549 : i32
        %add3A_1551 = arith.constant 5 : i32
        %add3A_1552 = arith.addi %add3A_1550, %add3A_1551 : i32
        %mul3A_1553 = arith.constant 8 : i32
        %mul3A_1554 = arith.muli %sub3A_1522, %mul3A_1553 : i32
        %add3A_1555 = arith.addi %mul3A_2, %mul3A_1554 : i32
        %add3A_1556 = arith.constant 6 : i32
        %add3A_1557 = arith.addi %add3A_1555, %add3A_1556 : i32
        %mul3A_1558 = arith.constant 8 : i32
        %mul3A_1559 = arith.muli %sub3A_1522, %mul3A_1558 : i32
        %add3A_1560 = arith.addi %mul3A_2, %mul3A_1559 : i32
        %add3A_1561 = arith.constant 7 : i32
        %add3A_1562 = arith.addi %add3A_1560, %add3A_1561 : i32
        %dma_wait3A_1563 = arith.constant 2 : i32
        %dma_wait3A_1564 = arith.constant 0 : i32
        %dma_wait3A_1565 = arith.constant 0 : i32
        %dma_wait3A_1566 = tpu.memref_slice %arg6[%dma_wait3A_1563, %dma_wait3A_1564, %dma_wait3A_1565] : memref<4x400x64xf32, #tpu.memory_space<vmem>> -> memref<1x50x64xf32, #tpu.memory_space<vmem>>
        %dma_wait3A_1567 = tpu.memref_squeeze %dma_wait3A_1566 : memref<1x50x64xf32, #tpu.memory_space<vmem>> -> memref<50x64xf32, #tpu.memory_space<vmem>>
        %dma_wait3A_1568 = arith.constant 0 : i32
        %dma_wait3A_1569 = arith.constant 0 : i32
        %dma_wait3A_1570 = tpu.memref_slice %arg4[%add3A_1527, %dma_wait3A_1568, %dma_wait3A_1569] : memref<16384x50x64xf32, #tpu.memory_space<hbm>> -> memref<1x50x64xf32, #tpu.memory_space<hbm>>
        %dma_wait3A_1571 = tpu.memref_squeeze %dma_wait3A_1570 : memref<1x50x64xf32, #tpu.memory_space<hbm>> -> memref<50x64xf32, #tpu.memory_space<hbm>>
        %dma_wait3A_1572 = arith.constant 0 : i32
        %dma_wait3A_1573 = arith.constant 0 : i32
        %dma_wait3A_1574 = tpu.memref_slice %arg4[%add3A_1527, %dma_wait3A_1572, %dma_wait3A_1573] : memref<16384x50x64xf32, #tpu.memory_space<hbm>> -> memref<1x50x64xf32, #tpu.memory_space<hbm>>
        %dma_wait3A_1575 = tpu.memref_squeeze %dma_wait3A_1574 : memref<1x50x64xf32, #tpu.memory_space<hbm>> -> memref<50x64xf32, #tpu.memory_space<hbm>>
        %dma_wait3A_1576 = arith.constant 0 : i32
        %dma_wait3A_1577 = arith.constant 0 : i32
        %dma_wait3A_1578 = tpu.memref_slice %arg6[%dma_wait3A_1563, %dma_wait3A_1576, %dma_wait3A_1577] : memref<4x400x64xf32, #tpu.memory_space<vmem>> -> memref<1x50x64xf32, #tpu.memory_space<vmem>>
        %dma_wait3A_1579 = tpu.memref_squeeze %dma_wait3A_1578 : memref<1x50x64xf32, #tpu.memory_space<vmem>> -> memref<50x64xf32, #tpu.memory_space<vmem>>
        tpu.wait_dma2 semaphore(%arg13 : memref<!tpu.dma_semaphore, #tpu.memory_space<semaphore_mem>>) src(%dma_wait3A_1579 : memref<50x64xf32, #tpu.memory_space<vmem>>) dst(%dma_wait3A_1575 : memref<50x64xf32, #tpu.memory_space<hbm>>)
        %dma_wait3A_1580 = arith.constant 2 : i32
        %dma_wait3A_1581 = arith.constant 50 : i32
        %dma_wait3A_1582 = arith.constant 0 : i32
        %dma_wait3A_1583 = tpu.memref_slice %arg6[%dma_wait3A_1580, %dma_wait3A_1581, %dma_wait3A_1582] : memref<4x400x64xf32, #tpu.memory_space<vmem>> -> memref<1x50x64xf32, #tpu.memory_space<vmem>>
        %dma_wait3A_1584 = tpu.memref_squeeze %dma_wait3A_1583 : memref<1x50x64xf32, #tpu.memory_space<vmem>> -> memref<50x64xf32, #tpu.memory_space<vmem>>
        %dma_wait3A_1585 = arith.constant 0 : i32
        %dma_wait3A_1586 = arith.constant 0 : i32
        %dma_wait3A_1587 = tpu.memref_slice %arg4[%add3A_1532, %dma_wait3A_1585, %dma_wait3A_1586] : memref<16384x50x64xf32, #tpu.memory_space<hbm>> -> memref<1x50x64xf32, #tpu.memory_space<hbm>>
        %dma_wait3A_1588 = tpu.memref_squeeze %dma_wait3A_1587 : memref<1x50x64xf32, #tpu.memory_space<hbm>> -> memref<50x64xf32, #tpu.memory_space<hbm>>
        %dma_wait3A_1589 = arith.constant 0 : i32
        %dma_wait3A_1590 = arith.constant 0 : i32
        %dma_wait3A_1591 = tpu.memref_slice %arg4[%add3A_1532, %dma_wait3A_1589, %dma_wait3A_1590] : memref<16384x50x64xf32, #tpu.memory_space<hbm>> -> memref<1x50x64xf32, #tpu.memory_space<hbm>>
        %dma_wait3A_1592 = tpu.memref_squeeze %dma_wait3A_1591 : memref<1x50x64xf32, #tpu.memory_space<hbm>> -> memref<50x64xf32, #tpu.memory_space<hbm>>
        %dma_wait3A_1593 = arith.constant 50 : i32
        %dma_wait3A_1594 = arith.constant 0 : i32
        %dma_wait3A_1595 = tpu.memref_slice %arg6[%dma_wait3A_1580, %dma_wait3A_1593, %dma_wait3A_1594] : memref<4x400x64xf32, #tpu.memory_space<vmem>> -> memref<1x50x64xf32, #tpu.memory_space<vmem>>
        %dma_wait3A_1596 = tpu.memref_squeeze %dma_wait3A_1595 : memref<1x50x64xf32, #tpu.memory_space<vmem>> -> memref<50x64xf32, #tpu.memory_space<vmem>>
        tpu.wait_dma2 semaphore(%arg13 : memref<!tpu.dma_semaphore, #tpu.memory_space<semaphore_mem>>) src(%dma_wait3A_1596 : memref<50x64xf32, #tpu.memory_space<vmem>>) dst(%dma_wait3A_1592 : memref<50x64xf32, #tpu.memory_space<hbm>>)
        %dma_wait3A_1597 = arith.constant 2 : i32
        %dma_wait3A_1598 = arith.constant 100 : i32
        %dma_wait3A_1599 = arith.constant 0 : i32
        %dma_wait3A_1600 = tpu.memref_slice %arg6[%dma_wait3A_1597, %dma_wait3A_1598, %dma_wait3A_1599] : memref<4x400x64xf32, #tpu.memory_space<vmem>> -> memref<1x50x64xf32, #tpu.memory_space<vmem>>
        %dma_wait3A_1601 = tpu.memref_squeeze %dma_wait3A_1600 : memref<1x50x64xf32, #tpu.memory_space<vmem>> -> memref<50x64xf32, #tpu.memory_space<vmem>>
        %dma_wait3A_1602 = arith.constant 0 : i32
        %dma_wait3A_1603 = arith.constant 0 : i32
        %dma_wait3A_1604 = tpu.memref_slice %arg4[%add3A_1537, %dma_wait3A_1602, %dma_wait3A_1603] : memref<16384x50x64xf32, #tpu.memory_space<hbm>> -> memref<1x50x64xf32, #tpu.memory_space<hbm>>
        %dma_wait3A_1605 = tpu.memref_squeeze %dma_wait3A_1604 : memref<1x50x64xf32, #tpu.memory_space<hbm>> -> memref<50x64xf32, #tpu.memory_space<hbm>>
        %dma_wait3A_1606 = arith.constant 0 : i32
        %dma_wait3A_1607 = arith.constant 0 : i32
        %dma_wait3A_1608 = tpu.memref_slice %arg4[%add3A_1537, %dma_wait3A_1606, %dma_wait3A_1607] : memref<16384x50x64xf32, #tpu.memory_space<hbm>> -> memref<1x50x64xf32, #tpu.memory_space<hbm>>
        %dma_wait3A_1609 = tpu.memref_squeeze %dma_wait3A_1608 : memref<1x50x64xf32, #tpu.memory_space<hbm>> -> memref<50x64xf32, #tpu.memory_space<hbm>>
        %dma_wait3A_1610 = arith.constant 100 : i32
        %dma_wait3A_1611 = arith.constant 0 : i32
        %dma_wait3A_1612 = tpu.memref_slice %arg6[%dma_wait3A_1597, %dma_wait3A_1610, %dma_wait3A_1611] : memref<4x400x64xf32, #tpu.memory_space<vmem>> -> memref<1x50x64xf32, #tpu.memory_space<vmem>>
        %dma_wait3A_1613 = tpu.memref_squeeze %dma_wait3A_1612 : memref<1x50x64xf32, #tpu.memory_space<vmem>> -> memref<50x64xf32, #tpu.memory_space<vmem>>
        tpu.wait_dma2 semaphore(%arg13 : memref<!tpu.dma_semaphore, #tpu.memory_space<semaphore_mem>>) src(%dma_wait3A_1613 : memref<50x64xf32, #tpu.memory_space<vmem>>) dst(%dma_wait3A_1609 : memref<50x64xf32, #tpu.memory_space<hbm>>)
        %dma_wait3A_1614 = arith.constant 2 : i32
        %dma_wait3A_1615 = arith.constant 150 : i32
        %dma_wait3A_1616 = arith.constant 0 : i32
        %dma_wait3A_1617 = tpu.memref_slice %arg6[%dma_wait3A_1614, %dma_wait3A_1615, %dma_wait3A_1616] : memref<4x400x64xf32, #tpu.memory_space<vmem>> -> memref<1x50x64xf32, #tpu.memory_space<vmem>>
        %dma_wait3A_1618 = tpu.memref_squeeze %dma_wait3A_1617 : memref<1x50x64xf32, #tpu.memory_space<vmem>> -> memref<50x64xf32, #tpu.memory_space<vmem>>
        %dma_wait3A_1619 = arith.constant 0 : i32
        %dma_wait3A_1620 = arith.constant 0 : i32
        %dma_wait3A_1621 = tpu.memref_slice %arg4[%add3A_1542, %dma_wait3A_1619, %dma_wait3A_1620] : memref<16384x50x64xf32, #tpu.memory_space<hbm>> -> memref<1x50x64xf32, #tpu.memory_space<hbm>>
        %dma_wait3A_1622 = tpu.memref_squeeze %dma_wait3A_1621 : memref<1x50x64xf32, #tpu.memory_space<hbm>> -> memref<50x64xf32, #tpu.memory_space<hbm>>
        %dma_wait3A_1623 = arith.constant 0 : i32
        %dma_wait3A_1624 = arith.constant 0 : i32
        %dma_wait3A_1625 = tpu.memref_slice %arg4[%add3A_1542, %dma_wait3A_1623, %dma_wait3A_1624] : memref<16384x50x64xf32, #tpu.memory_space<hbm>> -> memref<1x50x64xf32, #tpu.memory_space<hbm>>
        %dma_wait3A_1626 = tpu.memref_squeeze %dma_wait3A_1625 : memref<1x50x64xf32, #tpu.memory_space<hbm>> -> memref<50x64xf32, #tpu.memory_space<hbm>>
        %dma_wait3A_1627 = arith.constant 150 : i32
        %dma_wait3A_1628 = arith.constant 0 : i32
        %dma_wait3A_1629 = tpu.memref_slice %arg6[%dma_wait3A_1614, %dma_wait3A_1627, %dma_wait3A_1628] : memref<4x400x64xf32, #tpu.memory_space<vmem>> -> memref<1x50x64xf32, #tpu.memory_space<vmem>>
        %dma_wait3A_1630 = tpu.memref_squeeze %dma_wait3A_1629 : memref<1x50x64xf32, #tpu.memory_space<vmem>> -> memref<50x64xf32, #tpu.memory_space<vmem>>
        tpu.wait_dma2 semaphore(%arg13 : memref<!tpu.dma_semaphore, #tpu.memory_space<semaphore_mem>>) src(%dma_wait3A_1630 : memref<50x64xf32, #tpu.memory_space<vmem>>) dst(%dma_wait3A_1626 : memref<50x64xf32, #tpu.memory_space<hbm>>)
        %dma_wait3A_1631 = arith.constant 2 : i32
        %dma_wait3A_1632 = arith.constant 200 : i32
        %dma_wait3A_1633 = arith.constant 0 : i32
        %dma_wait3A_1634 = tpu.memref_slice %arg6[%dma_wait3A_1631, %dma_wait3A_1632, %dma_wait3A_1633] : memref<4x400x64xf32, #tpu.memory_space<vmem>> -> memref<1x50x64xf32, #tpu.memory_space<vmem>>
        %dma_wait3A_1635 = tpu.memref_squeeze %dma_wait3A_1634 : memref<1x50x64xf32, #tpu.memory_space<vmem>> -> memref<50x64xf32, #tpu.memory_space<vmem>>
        %dma_wait3A_1636 = arith.constant 0 : i32
        %dma_wait3A_1637 = arith.constant 0 : i32
        %dma_wait3A_1638 = tpu.memref_slice %arg4[%add3A_1547, %dma_wait3A_1636, %dma_wait3A_1637] : memref<16384x50x64xf32, #tpu.memory_space<hbm>> -> memref<1x50x64xf32, #tpu.memory_space<hbm>>
        %dma_wait3A_1639 = tpu.memref_squeeze %dma_wait3A_1638 : memref<1x50x64xf32, #tpu.memory_space<hbm>> -> memref<50x64xf32, #tpu.memory_space<hbm>>
        %dma_wait3A_1640 = arith.constant 0 : i32
        %dma_wait3A_1641 = arith.constant 0 : i32
        %dma_wait3A_1642 = tpu.memref_slice %arg4[%add3A_1547, %dma_wait3A_1640, %dma_wait3A_1641] : memref<16384x50x64xf32, #tpu.memory_space<hbm>> -> memref<1x50x64xf32, #tpu.memory_space<hbm>>
        %dma_wait3A_1643 = tpu.memref_squeeze %dma_wait3A_1642 : memref<1x50x64xf32, #tpu.memory_space<hbm>> -> memref<50x64xf32, #tpu.memory_space<hbm>>
        %dma_wait3A_1644 = arith.constant 200 : i32
        %dma_wait3A_1645 = arith.constant 0 : i32
        %dma_wait3A_1646 = tpu.memref_slice %arg6[%dma_wait3A_1631, %dma_wait3A_1644, %dma_wait3A_1645] : memref<4x400x64xf32, #tpu.memory_space<vmem>> -> memref<1x50x64xf32, #tpu.memory_space<vmem>>
        %dma_wait3A_1647 = tpu.memref_squeeze %dma_wait3A_1646 : memref<1x50x64xf32, #tpu.memory_space<vmem>> -> memref<50x64xf32, #tpu.memory_space<vmem>>
        tpu.wait_dma2 semaphore(%arg13 : memref<!tpu.dma_semaphore, #tpu.memory_space<semaphore_mem>>) src(%dma_wait3A_1647 : memref<50x64xf32, #tpu.memory_space<vmem>>) dst(%dma_wait3A_1643 : memref<50x64xf32, #tpu.memory_space<hbm>>)
        %dma_wait3A_1648 = arith.constant 2 : i32
        %dma_wait3A_1649 = arith.constant 250 : i32
        %dma_wait3A_1650 = arith.constant 0 : i32
        %dma_wait3A_1651 = tpu.memref_slice %arg6[%dma_wait3A_1648, %dma_wait3A_1649, %dma_wait3A_1650] : memref<4x400x64xf32, #tpu.memory_space<vmem>> -> memref<1x50x64xf32, #tpu.memory_space<vmem>>
        %dma_wait3A_1652 = tpu.memref_squeeze %dma_wait3A_1651 : memref<1x50x64xf32, #tpu.memory_space<vmem>> -> memref<50x64xf32, #tpu.memory_space<vmem>>
        %dma_wait3A_1653 = arith.constant 0 : i32
        %dma_wait3A_1654 = arith.constant 0 : i32
        %dma_wait3A_1655 = tpu.memref_slice %arg4[%add3A_1552, %dma_wait3A_1653, %dma_wait3A_1654] : memref<16384x50x64xf32, #tpu.memory_space<hbm>> -> memref<1x50x64xf32, #tpu.memory_space<hbm>>
        %dma_wait3A_1656 = tpu.memref_squeeze %dma_wait3A_1655 : memref<1x50x64xf32, #tpu.memory_space<hbm>> -> memref<50x64xf32, #tpu.memory_space<hbm>>
        %dma_wait3A_1657 = arith.constant 0 : i32
        %dma_wait3A_1658 = arith.constant 0 : i32
        %dma_wait3A_1659 = tpu.memref_slice %arg4[%add3A_1552, %dma_wait3A_1657, %dma_wait3A_1658] : memref<16384x50x64xf32, #tpu.memory_space<hbm>> -> memref<1x50x64xf32, #tpu.memory_space<hbm>>
        %dma_wait3A_1660 = tpu.memref_squeeze %dma_wait3A_1659 : memref<1x50x64xf32, #tpu.memory_space<hbm>> -> memref<50x64xf32, #tpu.memory_space<hbm>>
        %dma_wait3A_1661 = arith.constant 250 : i32
        %dma_wait3A_1662 = arith.constant 0 : i32
        %dma_wait3A_1663 = tpu.memref_slice %arg6[%dma_wait3A_1648, %dma_wait3A_1661, %dma_wait3A_1662] : memref<4x400x64xf32, #tpu.memory_space<vmem>> -> memref<1x50x64xf32, #tpu.memory_space<vmem>>
        %dma_wait3A_1664 = tpu.memref_squeeze %dma_wait3A_1663 : memref<1x50x64xf32, #tpu.memory_space<vmem>> -> memref<50x64xf32, #tpu.memory_space<vmem>>
        tpu.wait_dma2 semaphore(%arg13 : memref<!tpu.dma_semaphore, #tpu.memory_space<semaphore_mem>>) src(%dma_wait3A_1664 : memref<50x64xf32, #tpu.memory_space<vmem>>) dst(%dma_wait3A_1660 : memref<50x64xf32, #tpu.memory_space<hbm>>)
        %dma_wait3A_1665 = arith.constant 2 : i32
        %dma_wait3A_1666 = arith.constant 300 : i32
        %dma_wait3A_1667 = arith.constant 0 : i32
        %dma_wait3A_1668 = tpu.memref_slice %arg6[%dma_wait3A_1665, %dma_wait3A_1666, %dma_wait3A_1667] : memref<4x400x64xf32, #tpu.memory_space<vmem>> -> memref<1x50x64xf32, #tpu.memory_space<vmem>>
        %dma_wait3A_1669 = tpu.memref_squeeze %dma_wait3A_1668 : memref<1x50x64xf32, #tpu.memory_space<vmem>> -> memref<50x64xf32, #tpu.memory_space<vmem>>
        %dma_wait3A_1670 = arith.constant 0 : i32
        %dma_wait3A_1671 = arith.constant 0 : i32
        %dma_wait3A_1672 = tpu.memref_slice %arg4[%add3A_1557, %dma_wait3A_1670, %dma_wait3A_1671] : memref<16384x50x64xf32, #tpu.memory_space<hbm>> -> memref<1x50x64xf32, #tpu.memory_space<hbm>>
        %dma_wait3A_1673 = tpu.memref_squeeze %dma_wait3A_1672 : memref<1x50x64xf32, #tpu.memory_space<hbm>> -> memref<50x64xf32, #tpu.memory_space<hbm>>
        %dma_wait3A_1674 = arith.constant 0 : i32
        %dma_wait3A_1675 = arith.constant 0 : i32
        %dma_wait3A_1676 = tpu.memref_slice %arg4[%add3A_1557, %dma_wait3A_1674, %dma_wait3A_1675] : memref<16384x50x64xf32, #tpu.memory_space<hbm>> -> memref<1x50x64xf32, #tpu.memory_space<hbm>>
        %dma_wait3A_1677 = tpu.memref_squeeze %dma_wait3A_1676 : memref<1x50x64xf32, #tpu.memory_space<hbm>> -> memref<50x64xf32, #tpu.memory_space<hbm>>
        %dma_wait3A_1678 = arith.constant 300 : i32
        %dma_wait3A_1679 = arith.constant 0 : i32
        %dma_wait3A_1680 = tpu.memref_slice %arg6[%dma_wait3A_1665, %dma_wait3A_1678, %dma_wait3A_1679] : memref<4x400x64xf32, #tpu.memory_space<vmem>> -> memref<1x50x64xf32, #tpu.memory_space<vmem>>
        %dma_wait3A_1681 = tpu.memref_squeeze %dma_wait3A_1680 : memref<1x50x64xf32, #tpu.memory_space<vmem>> -> memref<50x64xf32, #tpu.memory_space<vmem>>
        tpu.wait_dma2 semaphore(%arg13 : memref<!tpu.dma_semaphore, #tpu.memory_space<semaphore_mem>>) src(%dma_wait3A_1681 : memref<50x64xf32, #tpu.memory_space<vmem>>) dst(%dma_wait3A_1677 : memref<50x64xf32, #tpu.memory_space<hbm>>)
        %dma_wait3A_1682 = arith.constant 2 : i32
        %dma_wait3A_1683 = arith.constant 350 : i32
        %dma_wait3A_1684 = arith.constant 0 : i32
        %dma_wait3A_1685 = tpu.memref_slice %arg6[%dma_wait3A_1682, %dma_wait3A_1683, %dma_wait3A_1684] : memref<4x400x64xf32, #tpu.memory_space<vmem>> -> memref<1x50x64xf32, #tpu.memory_space<vmem>>
        %dma_wait3A_1686 = tpu.memref_squeeze %dma_wait3A_1685 : memref<1x50x64xf32, #tpu.memory_space<vmem>> -> memref<50x64xf32, #tpu.memory_space<vmem>>
        %dma_wait3A_1687 = arith.constant 0 : i32
        %dma_wait3A_1688 = arith.constant 0 : i32
        %dma_wait3A_1689 = tpu.memref_slice %arg4[%add3A_1562, %dma_wait3A_1687, %dma_wait3A_1688] : memref<16384x50x64xf32, #tpu.memory_space<hbm>> -> memref<1x50x64xf32, #tpu.memory_space<hbm>>
        %dma_wait3A_1690 = tpu.memref_squeeze %dma_wait3A_1689 : memref<1x50x64xf32, #tpu.memory_space<hbm>> -> memref<50x64xf32, #tpu.memory_space<hbm>>
        %dma_wait3A_1691 = arith.constant 0 : i32
        %dma_wait3A_1692 = arith.constant 0 : i32
        %dma_wait3A_1693 = tpu.memref_slice %arg4[%add3A_1562, %dma_wait3A_1691, %dma_wait3A_1692] : memref<16384x50x64xf32, #tpu.memory_space<hbm>> -> memref<1x50x64xf32, #tpu.memory_space<hbm>>
        %dma_wait3A_1694 = tpu.memref_squeeze %dma_wait3A_1693 : memref<1x50x64xf32, #tpu.memory_space<hbm>> -> memref<50x64xf32, #tpu.memory_space<hbm>>
        %dma_wait3A_1695 = arith.constant 350 : i32
        %dma_wait3A_1696 = arith.constant 0 : i32
        %dma_wait3A_1697 = tpu.memref_slice %arg6[%dma_wait3A_1682, %dma_wait3A_1695, %dma_wait3A_1696] : memref<4x400x64xf32, #tpu.memory_space<vmem>> -> memref<1x50x64xf32, #tpu.memory_space<vmem>>
        %dma_wait3A_1698 = tpu.memref_squeeze %dma_wait3A_1697 : memref<1x50x64xf32, #tpu.memory_space<vmem>> -> memref<50x64xf32, #tpu.memory_space<vmem>>
        tpu.wait_dma2 semaphore(%arg13 : memref<!tpu.dma_semaphore, #tpu.memory_space<semaphore_mem>>) src(%dma_wait3A_1698 : memref<50x64xf32, #tpu.memory_space<vmem>>) dst(%dma_wait3A_1694 : memref<50x64xf32, #tpu.memory_space<hbm>>)
        %mul3A_1699 = arith.constant 400 : i32
        %mul3A_1700 = arith.muli %sub3A_1512, %mul3A_1699 : i32
        %dma_start3A_1701 = arith.constant 2 : i32
        %dma_start3A_1702 = arith.constant 0 : i32
        %dma_start3A_1703 = arith.constant 0 : i32
        %dma_start3A_1704 = tpu.memref_slice %arg6[%dma_start3A_1701, %dma_start3A_1702, %dma_start3A_1703] : memref<4x400x64xf32, #tpu.memory_space<vmem>> -> memref<1x400x64xf32, #tpu.memory_space<vmem>>
        %dma_start3A_1705 = tpu.memref_squeeze %dma_start3A_1704 : memref<1x400x64xf32, #tpu.memory_space<vmem>> -> memref<400x64xf32, #tpu.memory_space<vmem>>
        %dma_start3A_1706 = tpu.memref_slice %arg5[%mul3A_1700] : memref<25600xi32, #tpu.memory_space<vmem>> -> memref<400xi32, #tpu.memory_space<vmem>>
        %dma_start3A_1707 = arith.constant 0 : i32
        %dma_start3A_1708 = arith.constant 0 : i32
        %dma_start3A_1709 = tpu.memref_slice %arg3[%dma_start3A_1707, %dma_start3A_1708] : memref<1000000x64xf32, #tpu.memory_space<hbm>> -> memref<1000000x64xf32, #tpu.memory_space<hbm>>
        tpu.enqueue_indirect_dma source(%dma_start3A_1709 : memref<1000000x64xf32, #tpu.memory_space<hbm>>) target(%dma_start3A_1705 : memref<400x64xf32, #tpu.memory_space<vmem>>) offsets(%dma_start3A_1706 : memref<400xi32, #tpu.memory_space<vmem>>) semaphore(%arg9 : memref<!tpu.dma_semaphore, #tpu.memory_space<semaphore_mem>>)
      } else {
      }
    }
    %scan3A_48 = arith.constant 16 : i32
    %add3A_49 = arith.constant 480 : i32
    %add3A_50 = arith.addi %mul3A_2, %add3A_49 : i32
    %add3A_51 = arith.constant 0 : i32
    %add3A_52 = arith.addi %add3A_50, %add3A_51 : i32
    %add3A_53 = arith.constant 480 : i32
    %add3A_54 = arith.addi %mul3A_2, %add3A_53 : i32
    %add3A_55 = arith.constant 1 : i32
    %add3A_56 = arith.addi %add3A_54, %add3A_55 : i32
    %add3A_57 = arith.constant 480 : i32
    %add3A_58 = arith.addi %mul3A_2, %add3A_57 : i32
    %add3A_59 = arith.constant 2 : i32
    %add3A_60 = arith.addi %add3A_58, %add3A_59 : i32
    %add3A_61 = arith.constant 480 : i32
    %add3A_62 = arith.addi %mul3A_2, %add3A_61 : i32
    %add3A_63 = arith.constant 3 : i32
    %add3A_64 = arith.addi %add3A_62, %add3A_63 : i32
    %add3A_65 = arith.constant 480 : i32
    %add3A_66 = arith.addi %mul3A_2, %add3A_65 : i32
    %add3A_67 = arith.constant 4 : i32
    %add3A_68 = arith.addi %add3A_66, %add3A_67 : i32
    %add3A_69 = arith.constant 480 : i32
    %add3A_70 = arith.addi %mul3A_2, %add3A_69 : i32
    %add3A_71 = arith.constant 5 : i32
    %add3A_72 = arith.addi %add3A_70, %add3A_71 : i32
    %add3A_73 = arith.constant 480 : i32
    %add3A_74 = arith.addi %mul3A_2, %add3A_73 : i32
    %add3A_75 = arith.constant 6 : i32
    %add3A_76 = arith.addi %add3A_74, %add3A_75 : i32
    %add3A_77 = arith.constant 480 : i32
    %add3A_78 = arith.addi %mul3A_2, %add3A_77 : i32
    %add3A_79 = arith.constant 7 : i32
    %add3A_80 = arith.addi %add3A_78, %add3A_79 : i32
    %dma_wait3A = arith.constant 0 : i32
    %dma_wait3A_81 = arith.constant 0 : i32
    %dma_wait3A_82 = arith.constant 0 : i32
    %dma_wait3A_83 = tpu.memref_slice %arg6[%dma_wait3A, %dma_wait3A_81, %dma_wait3A_82] : memref<4x400x64xf32, #tpu.memory_space<vmem>> -> memref<1x50x64xf32, #tpu.memory_space<vmem>>
    %dma_wait3A_84 = tpu.memref_squeeze %dma_wait3A_83 : memref<1x50x64xf32, #tpu.memory_space<vmem>> -> memref<50x64xf32, #tpu.memory_space<vmem>>
    %dma_wait3A_85 = arith.constant 0 : i32
    %dma_wait3A_86 = arith.constant 0 : i32
    %dma_wait3A_87 = tpu.memref_slice %arg4[%add3A_52, %dma_wait3A_85, %dma_wait3A_86] : memref<16384x50x64xf32, #tpu.memory_space<hbm>> -> memref<1x50x64xf32, #tpu.memory_space<hbm>>
    %dma_wait3A_88 = tpu.memref_squeeze %dma_wait3A_87 : memref<1x50x64xf32, #tpu.memory_space<hbm>> -> memref<50x64xf32, #tpu.memory_space<hbm>>
    %dma_wait3A_89 = arith.constant 0 : i32
    %dma_wait3A_90 = arith.constant 0 : i32
    %dma_wait3A_91 = tpu.memref_slice %arg4[%add3A_52, %dma_wait3A_89, %dma_wait3A_90] : memref<16384x50x64xf32, #tpu.memory_space<hbm>> -> memref<1x50x64xf32, #tpu.memory_space<hbm>>
    %dma_wait3A_92 = tpu.memref_squeeze %dma_wait3A_91 : memref<1x50x64xf32, #tpu.memory_space<hbm>> -> memref<50x64xf32, #tpu.memory_space<hbm>>
    %dma_wait3A_93 = arith.constant 0 : i32
    %dma_wait3A_94 = arith.constant 0 : i32
    %dma_wait3A_95 = tpu.memref_slice %arg6[%dma_wait3A, %dma_wait3A_93, %dma_wait3A_94] : memref<4x400x64xf32, #tpu.memory_space<vmem>> -> memref<1x50x64xf32, #tpu.memory_space<vmem>>
    %dma_wait3A_96 = tpu.memref_squeeze %dma_wait3A_95 : memref<1x50x64xf32, #tpu.memory_space<vmem>> -> memref<50x64xf32, #tpu.memory_space<vmem>>
    tpu.wait_dma2 semaphore(%arg11 : memref<!tpu.dma_semaphore, #tpu.memory_space<semaphore_mem>>) src(%dma_wait3A_96 : memref<50x64xf32, #tpu.memory_space<vmem>>) dst(%dma_wait3A_92 : memref<50x64xf32, #tpu.memory_space<hbm>>)
    %dma_wait3A_97 = arith.constant 0 : i32
    %dma_wait3A_98 = arith.constant 50 : i32
    %dma_wait3A_99 = arith.constant 0 : i32
    %dma_wait3A_100 = tpu.memref_slice %arg6[%dma_wait3A_97, %dma_wait3A_98, %dma_wait3A_99] : memref<4x400x64xf32, #tpu.memory_space<vmem>> -> memref<1x50x64xf32, #tpu.memory_space<vmem>>
    %dma_wait3A_101 = tpu.memref_squeeze %dma_wait3A_100 : memref<1x50x64xf32, #tpu.memory_space<vmem>> -> memref<50x64xf32, #tpu.memory_space<vmem>>
    %dma_wait3A_102 = arith.constant 0 : i32
    %dma_wait3A_103 = arith.constant 0 : i32
    %dma_wait3A_104 = tpu.memref_slice %arg4[%add3A_56, %dma_wait3A_102, %dma_wait3A_103] : memref<16384x50x64xf32, #tpu.memory_space<hbm>> -> memref<1x50x64xf32, #tpu.memory_space<hbm>>
    %dma_wait3A_105 = tpu.memref_squeeze %dma_wait3A_104 : memref<1x50x64xf32, #tpu.memory_space<hbm>> -> memref<50x64xf32, #tpu.memory_space<hbm>>
    %dma_wait3A_106 = arith.constant 0 : i32
    %dma_wait3A_107 = arith.constant 0 : i32
    %dma_wait3A_108 = tpu.memref_slice %arg4[%add3A_56, %dma_wait3A_106, %dma_wait3A_107] : memref<16384x50x64xf32, #tpu.memory_space<hbm>> -> memref<1x50x64xf32, #tpu.memory_space<hbm>>
    %dma_wait3A_109 = tpu.memref_squeeze %dma_wait3A_108 : memref<1x50x64xf32, #tpu.memory_space<hbm>> -> memref<50x64xf32, #tpu.memory_space<hbm>>
    %dma_wait3A_110 = arith.constant 50 : i32
    %dma_wait3A_111 = arith.constant 0 : i32
    %dma_wait3A_112 = tpu.memref_slice %arg6[%dma_wait3A_97, %dma_wait3A_110, %dma_wait3A_111] : memref<4x400x64xf32, #tpu.memory_space<vmem>> -> memref<1x50x64xf32, #tpu.memory_space<vmem>>
    %dma_wait3A_113 = tpu.memref_squeeze %dma_wait3A_112 : memref<1x50x64xf32, #tpu.memory_space<vmem>> -> memref<50x64xf32, #tpu.memory_space<vmem>>
    tpu.wait_dma2 semaphore(%arg11 : memref<!tpu.dma_semaphore, #tpu.memory_space<semaphore_mem>>) src(%dma_wait3A_113 : memref<50x64xf32, #tpu.memory_space<vmem>>) dst(%dma_wait3A_109 : memref<50x64xf32, #tpu.memory_space<hbm>>)
    %dma_wait3A_114 = arith.constant 0 : i32
    %dma_wait3A_115 = arith.constant 100 : i32
    %dma_wait3A_116 = arith.constant 0 : i32
    %dma_wait3A_117 = tpu.memref_slice %arg6[%dma_wait3A_114, %dma_wait3A_115, %dma_wait3A_116] : memref<4x400x64xf32, #tpu.memory_space<vmem>> -> memref<1x50x64xf32, #tpu.memory_space<vmem>>
    %dma_wait3A_118 = tpu.memref_squeeze %dma_wait3A_117 : memref<1x50x64xf32, #tpu.memory_space<vmem>> -> memref<50x64xf32, #tpu.memory_space<vmem>>
    %dma_wait3A_119 = arith.constant 0 : i32
    %dma_wait3A_120 = arith.constant 0 : i32
    %dma_wait3A_121 = tpu.memref_slice %arg4[%add3A_60, %dma_wait3A_119, %dma_wait3A_120] : memref<16384x50x64xf32, #tpu.memory_space<hbm>> -> memref<1x50x64xf32, #tpu.memory_space<hbm>>
    %dma_wait3A_122 = tpu.memref_squeeze %dma_wait3A_121 : memref<1x50x64xf32, #tpu.memory_space<hbm>> -> memref<50x64xf32, #tpu.memory_space<hbm>>
    %dma_wait3A_123 = arith.constant 0 : i32
    %dma_wait3A_124 = arith.constant 0 : i32
    %dma_wait3A_125 = tpu.memref_slice %arg4[%add3A_60, %dma_wait3A_123, %dma_wait3A_124] : memref<16384x50x64xf32, #tpu.memory_space<hbm>> -> memref<1x50x64xf32, #tpu.memory_space<hbm>>
    %dma_wait3A_126 = tpu.memref_squeeze %dma_wait3A_125 : memref<1x50x64xf32, #tpu.memory_space<hbm>> -> memref<50x64xf32, #tpu.memory_space<hbm>>
    %dma_wait3A_127 = arith.constant 100 : i32
    %dma_wait3A_128 = arith.constant 0 : i32
    %dma_wait3A_129 = tpu.memref_slice %arg6[%dma_wait3A_114, %dma_wait3A_127, %dma_wait3A_128] : memref<4x400x64xf32, #tpu.memory_space<vmem>> -> memref<1x50x64xf32, #tpu.memory_space<vmem>>
    %dma_wait3A_130 = tpu.memref_squeeze %dma_wait3A_129 : memref<1x50x64xf32, #tpu.memory_space<vmem>> -> memref<50x64xf32, #tpu.memory_space<vmem>>
    tpu.wait_dma2 semaphore(%arg11 : memref<!tpu.dma_semaphore, #tpu.memory_space<semaphore_mem>>) src(%dma_wait3A_130 : memref<50x64xf32, #tpu.memory_space<vmem>>) dst(%dma_wait3A_126 : memref<50x64xf32, #tpu.memory_space<hbm>>)
    %dma_wait3A_131 = arith.constant 0 : i32
    %dma_wait3A_132 = arith.constant 150 : i32
    %dma_wait3A_133 = arith.constant 0 : i32
    %dma_wait3A_134 = tpu.memref_slice %arg6[%dma_wait3A_131, %dma_wait3A_132, %dma_wait3A_133] : memref<4x400x64xf32, #tpu.memory_space<vmem>> -> memref<1x50x64xf32, #tpu.memory_space<vmem>>
    %dma_wait3A_135 = tpu.memref_squeeze %dma_wait3A_134 : memref<1x50x64xf32, #tpu.memory_space<vmem>> -> memref<50x64xf32, #tpu.memory_space<vmem>>
    %dma_wait3A_136 = arith.constant 0 : i32
    %dma_wait3A_137 = arith.constant 0 : i32
    %dma_wait3A_138 = tpu.memref_slice %arg4[%add3A_64, %dma_wait3A_136, %dma_wait3A_137] : memref<16384x50x64xf32, #tpu.memory_space<hbm>> -> memref<1x50x64xf32, #tpu.memory_space<hbm>>
    %dma_wait3A_139 = tpu.memref_squeeze %dma_wait3A_138 : memref<1x50x64xf32, #tpu.memory_space<hbm>> -> memref<50x64xf32, #tpu.memory_space<hbm>>
    %dma_wait3A_140 = arith.constant 0 : i32
    %dma_wait3A_141 = arith.constant 0 : i32
    %dma_wait3A_142 = tpu.memref_slice %arg4[%add3A_64, %dma_wait3A_140, %dma_wait3A_141] : memref<16384x50x64xf32, #tpu.memory_space<hbm>> -> memref<1x50x64xf32, #tpu.memory_space<hbm>>
    %dma_wait3A_143 = tpu.memref_squeeze %dma_wait3A_142 : memref<1x50x64xf32, #tpu.memory_space<hbm>> -> memref<50x64xf32, #tpu.memory_space<hbm>>
    %dma_wait3A_144 = arith.constant 150 : i32
    %dma_wait3A_145 = arith.constant 0 : i32
    %dma_wait3A_146 = tpu.memref_slice %arg6[%dma_wait3A_131, %dma_wait3A_144, %dma_wait3A_145] : memref<4x400x64xf32, #tpu.memory_space<vmem>> -> memref<1x50x64xf32, #tpu.memory_space<vmem>>
    %dma_wait3A_147 = tpu.memref_squeeze %dma_wait3A_146 : memref<1x50x64xf32, #tpu.memory_space<vmem>> -> memref<50x64xf32, #tpu.memory_space<vmem>>
    tpu.wait_dma2 semaphore(%arg11 : memref<!tpu.dma_semaphore, #tpu.memory_space<semaphore_mem>>) src(%dma_wait3A_147 : memref<50x64xf32, #tpu.memory_space<vmem>>) dst(%dma_wait3A_143 : memref<50x64xf32, #tpu.memory_space<hbm>>)
    %dma_wait3A_148 = arith.constant 0 : i32
    %dma_wait3A_149 = arith.constant 200 : i32
    %dma_wait3A_150 = arith.constant 0 : i32
    %dma_wait3A_151 = tpu.memref_slice %arg6[%dma_wait3A_148, %dma_wait3A_149, %dma_wait3A_150] : memref<4x400x64xf32, #tpu.memory_space<vmem>> -> memref<1x50x64xf32, #tpu.memory_space<vmem>>
    %dma_wait3A_152 = tpu.memref_squeeze %dma_wait3A_151 : memref<1x50x64xf32, #tpu.memory_space<vmem>> -> memref<50x64xf32, #tpu.memory_space<vmem>>
    %dma_wait3A_153 = arith.constant 0 : i32
    %dma_wait3A_154 = arith.constant 0 : i32
    %dma_wait3A_155 = tpu.memref_slice %arg4[%add3A_68, %dma_wait3A_153, %dma_wait3A_154] : memref<16384x50x64xf32, #tpu.memory_space<hbm>> -> memref<1x50x64xf32, #tpu.memory_space<hbm>>
    %dma_wait3A_156 = tpu.memref_squeeze %dma_wait3A_155 : memref<1x50x64xf32, #tpu.memory_space<hbm>> -> memref<50x64xf32, #tpu.memory_space<hbm>>
    %dma_wait3A_157 = arith.constant 0 : i32
    %dma_wait3A_158 = arith.constant 0 : i32
    %dma_wait3A_159 = tpu.memref_slice %arg4[%add3A_68, %dma_wait3A_157, %dma_wait3A_158] : memref<16384x50x64xf32, #tpu.memory_space<hbm>> -> memref<1x50x64xf32, #tpu.memory_space<hbm>>
    %dma_wait3A_160 = tpu.memref_squeeze %dma_wait3A_159 : memref<1x50x64xf32, #tpu.memory_space<hbm>> -> memref<50x64xf32, #tpu.memory_space<hbm>>
    %dma_wait3A_161 = arith.constant 200 : i32
    %dma_wait3A_162 = arith.constant 0 : i32
    %dma_wait3A_163 = tpu.memref_slice %arg6[%dma_wait3A_148, %dma_wait3A_161, %dma_wait3A_162] : memref<4x400x64xf32, #tpu.memory_space<vmem>> -> memref<1x50x64xf32, #tpu.memory_space<vmem>>
    %dma_wait3A_164 = tpu.memref_squeeze %dma_wait3A_163 : memref<1x50x64xf32, #tpu.memory_space<vmem>> -> memref<50x64xf32, #tpu.memory_space<vmem>>
    tpu.wait_dma2 semaphore(%arg11 : memref<!tpu.dma_semaphore, #tpu.memory_space<semaphore_mem>>) src(%dma_wait3A_164 : memref<50x64xf32, #tpu.memory_space<vmem>>) dst(%dma_wait3A_160 : memref<50x64xf32, #tpu.memory_space<hbm>>)
    %dma_wait3A_165 = arith.constant 0 : i32
    %dma_wait3A_166 = arith.constant 250 : i32
    %dma_wait3A_167 = arith.constant 0 : i32
    %dma_wait3A_168 = tpu.memref_slice %arg6[%dma_wait3A_165, %dma_wait3A_166, %dma_wait3A_167] : memref<4x400x64xf32, #tpu.memory_space<vmem>> -> memref<1x50x64xf32, #tpu.memory_space<vmem>>
    %dma_wait3A_169 = tpu.memref_squeeze %dma_wait3A_168 : memref<1x50x64xf32, #tpu.memory_space<vmem>> -> memref<50x64xf32, #tpu.memory_space<vmem>>
    %dma_wait3A_170 = arith.constant 0 : i32
    %dma_wait3A_171 = arith.constant 0 : i32
    %dma_wait3A_172 = tpu.memref_slice %arg4[%add3A_72, %dma_wait3A_170, %dma_wait3A_171] : memref<16384x50x64xf32, #tpu.memory_space<hbm>> -> memref<1x50x64xf32, #tpu.memory_space<hbm>>
    %dma_wait3A_173 = tpu.memref_squeeze %dma_wait3A_172 : memref<1x50x64xf32, #tpu.memory_space<hbm>> -> memref<50x64xf32, #tpu.memory_space<hbm>>
    %dma_wait3A_174 = arith.constant 0 : i32
    %dma_wait3A_175 = arith.constant 0 : i32
    %dma_wait3A_176 = tpu.memref_slice %arg4[%add3A_72, %dma_wait3A_174, %dma_wait3A_175] : memref<16384x50x64xf32, #tpu.memory_space<hbm>> -> memref<1x50x64xf32, #tpu.memory_space<hbm>>
    %dma_wait3A_177 = tpu.memref_squeeze %dma_wait3A_176 : memref<1x50x64xf32, #tpu.memory_space<hbm>> -> memref<50x64xf32, #tpu.memory_space<hbm>>
    %dma_wait3A_178 = arith.constant 250 : i32
    %dma_wait3A_179 = arith.constant 0 : i32
    %dma_wait3A_180 = tpu.memref_slice %arg6[%dma_wait3A_165, %dma_wait3A_178, %dma_wait3A_179] : memref<4x400x64xf32, #tpu.memory_space<vmem>> -> memref<1x50x64xf32, #tpu.memory_space<vmem>>
    %dma_wait3A_181 = tpu.memref_squeeze %dma_wait3A_180 : memref<1x50x64xf32, #tpu.memory_space<vmem>> -> memref<50x64xf32, #tpu.memory_space<vmem>>
    tpu.wait_dma2 semaphore(%arg11 : memref<!tpu.dma_semaphore, #tpu.memory_space<semaphore_mem>>) src(%dma_wait3A_181 : memref<50x64xf32, #tpu.memory_space<vmem>>) dst(%dma_wait3A_177 : memref<50x64xf32, #tpu.memory_space<hbm>>)
    %dma_wait3A_182 = arith.constant 0 : i32
    %dma_wait3A_183 = arith.constant 300 : i32
    %dma_wait3A_184 = arith.constant 0 : i32
    %dma_wait3A_185 = tpu.memref_slice %arg6[%dma_wait3A_182, %dma_wait3A_183, %dma_wait3A_184] : memref<4x400x64xf32, #tpu.memory_space<vmem>> -> memref<1x50x64xf32, #tpu.memory_space<vmem>>
    %dma_wait3A_186 = tpu.memref_squeeze %dma_wait3A_185 : memref<1x50x64xf32, #tpu.memory_space<vmem>> -> memref<50x64xf32, #tpu.memory_space<vmem>>
    %dma_wait3A_187 = arith.constant 0 : i32
    %dma_wait3A_188 = arith.constant 0 : i32
    %dma_wait3A_189 = tpu.memref_slice %arg4[%add3A_76, %dma_wait3A_187, %dma_wait3A_188] : memref<16384x50x64xf32, #tpu.memory_space<hbm>> -> memref<1x50x64xf32, #tpu.memory_space<hbm>>
    %dma_wait3A_190 = tpu.memref_squeeze %dma_wait3A_189 : memref<1x50x64xf32, #tpu.memory_space<hbm>> -> memref<50x64xf32, #tpu.memory_space<hbm>>
    %dma_wait3A_191 = arith.constant 0 : i32
    %dma_wait3A_192 = arith.constant 0 : i32
    %dma_wait3A_193 = tpu.memref_slice %arg4[%add3A_76, %dma_wait3A_191, %dma_wait3A_192] : memref<16384x50x64xf32, #tpu.memory_space<hbm>> -> memref<1x50x64xf32, #tpu.memory_space<hbm>>
    %dma_wait3A_194 = tpu.memref_squeeze %dma_wait3A_193 : memref<1x50x64xf32, #tpu.memory_space<hbm>> -> memref<50x64xf32, #tpu.memory_space<hbm>>
    %dma_wait3A_195 = arith.constant 300 : i32
    %dma_wait3A_196 = arith.constant 0 : i32
    %dma_wait3A_197 = tpu.memref_slice %arg6[%dma_wait3A_182, %dma_wait3A_195, %dma_wait3A_196] : memref<4x400x64xf32, #tpu.memory_space<vmem>> -> memref<1x50x64xf32, #tpu.memory_space<vmem>>
    %dma_wait3A_198 = tpu.memref_squeeze %dma_wait3A_197 : memref<1x50x64xf32, #tpu.memory_space<vmem>> -> memref<50x64xf32, #tpu.memory_space<vmem>>
    tpu.wait_dma2 semaphore(%arg11 : memref<!tpu.dma_semaphore, #tpu.memory_space<semaphore_mem>>) src(%dma_wait3A_198 : memref<50x64xf32, #tpu.memory_space<vmem>>) dst(%dma_wait3A_194 : memref<50x64xf32, #tpu.memory_space<hbm>>)
    %dma_wait3A_199 = arith.constant 0 : i32
    %dma_wait3A_200 = arith.constant 350 : i32
    %dma_wait3A_201 = arith.constant 0 : i32
    %dma_wait3A_202 = tpu.memref_slice %arg6[%dma_wait3A_199, %dma_wait3A_200, %dma_wait3A_201] : memref<4x400x64xf32, #tpu.memory_space<vmem>> -> memref<1x50x64xf32, #tpu.memory_space<vmem>>
    %dma_wait3A_203 = tpu.memref_squeeze %dma_wait3A_202 : memref<1x50x64xf32, #tpu.memory_space<vmem>> -> memref<50x64xf32, #tpu.memory_space<vmem>>
    %dma_wait3A_204 = arith.constant 0 : i32
    %dma_wait3A_205 = arith.constant 0 : i32
    %dma_wait3A_206 = tpu.memref_slice %arg4[%add3A_80, %dma_wait3A_204, %dma_wait3A_205] : memref<16384x50x64xf32, #tpu.memory_space<hbm>> -> memref<1x50x64xf32, #tpu.memory_space<hbm>>
    %dma_wait3A_207 = tpu.memref_squeeze %dma_wait3A_206 : memref<1x50x64xf32, #tpu.memory_space<hbm>> -> memref<50x64xf32, #tpu.memory_space<hbm>>
    %dma_wait3A_208 = arith.constant 0 : i32
    %dma_wait3A_209 = arith.constant 0 : i32
    %dma_wait3A_210 = tpu.memref_slice %arg4[%add3A_80, %dma_wait3A_208, %dma_wait3A_209] : memref<16384x50x64xf32, #tpu.memory_space<hbm>> -> memref<1x50x64xf32, #tpu.memory_space<hbm>>
    %dma_wait3A_211 = tpu.memref_squeeze %dma_wait3A_210 : memref<1x50x64xf32, #tpu.memory_space<hbm>> -> memref<50x64xf32, #tpu.memory_space<hbm>>
    %dma_wait3A_212 = arith.constant 350 : i32
    %dma_wait3A_213 = arith.constant 0 : i32
    %dma_wait3A_214 = tpu.memref_slice %arg6[%dma_wait3A_199, %dma_wait3A_212, %dma_wait3A_213] : memref<4x400x64xf32, #tpu.memory_space<vmem>> -> memref<1x50x64xf32, #tpu.memory_space<vmem>>
    %dma_wait3A_215 = tpu.memref_squeeze %dma_wait3A_214 : memref<1x50x64xf32, #tpu.memory_space<vmem>> -> memref<50x64xf32, #tpu.memory_space<vmem>>
    tpu.wait_dma2 semaphore(%arg11 : memref<!tpu.dma_semaphore, #tpu.memory_space<semaphore_mem>>) src(%dma_wait3A_215 : memref<50x64xf32, #tpu.memory_space<vmem>>) dst(%dma_wait3A_211 : memref<50x64xf32, #tpu.memory_space<hbm>>)
    %add3A_216 = arith.constant 488 : i32
    %add3A_217 = arith.addi %mul3A_2, %add3A_216 : i32
    %add3A_218 = arith.constant 0 : i32
    %add3A_219 = arith.addi %add3A_217, %add3A_218 : i32
    %add3A_220 = arith.constant 488 : i32
    %add3A_221 = arith.addi %mul3A_2, %add3A_220 : i32
    %add3A_222 = arith.constant 1 : i32
    %add3A_223 = arith.addi %add3A_221, %add3A_222 : i32
    %add3A_224 = arith.constant 488 : i32
    %add3A_225 = arith.addi %mul3A_2, %add3A_224 : i32
    %add3A_226 = arith.constant 2 : i32
    %add3A_227 = arith.addi %add3A_225, %add3A_226 : i32
    %add3A_228 = arith.constant 488 : i32
    %add3A_229 = arith.addi %mul3A_2, %add3A_228 : i32
    %add3A_230 = arith.constant 3 : i32
    %add3A_231 = arith.addi %add3A_229, %add3A_230 : i32
    %add3A_232 = arith.constant 488 : i32
    %add3A_233 = arith.addi %mul3A_2, %add3A_232 : i32
    %add3A_234 = arith.constant 4 : i32
    %add3A_235 = arith.addi %add3A_233, %add3A_234 : i32
    %add3A_236 = arith.constant 488 : i32
    %add3A_237 = arith.addi %mul3A_2, %add3A_236 : i32
    %add3A_238 = arith.constant 5 : i32
    %add3A_239 = arith.addi %add3A_237, %add3A_238 : i32
    %add3A_240 = arith.constant 488 : i32
    %add3A_241 = arith.addi %mul3A_2, %add3A_240 : i32
    %add3A_242 = arith.constant 6 : i32
    %add3A_243 = arith.addi %add3A_241, %add3A_242 : i32
    %add3A_244 = arith.constant 488 : i32
    %add3A_245 = arith.addi %mul3A_2, %add3A_244 : i32
    %add3A_246 = arith.constant 7 : i32
    %add3A_247 = arith.addi %add3A_245, %add3A_246 : i32
    %dma_wait3A_248 = arith.constant 1 : i32
    %dma_wait3A_249 = arith.constant 0 : i32
    %dma_wait3A_250 = arith.constant 0 : i32
    %dma_wait3A_251 = tpu.memref_slice %arg6[%dma_wait3A_248, %dma_wait3A_249, %dma_wait3A_250] : memref<4x400x64xf32, #tpu.memory_space<vmem>> -> memref<1x50x64xf32, #tpu.memory_space<vmem>>
    %dma_wait3A_252 = tpu.memref_squeeze %dma_wait3A_251 : memref<1x50x64xf32, #tpu.memory_space<vmem>> -> memref<50x64xf32, #tpu.memory_space<vmem>>
    %dma_wait3A_253 = arith.constant 0 : i32
    %dma_wait3A_254 = arith.constant 0 : i32
    %dma_wait3A_255 = tpu.memref_slice %arg4[%add3A_219, %dma_wait3A_253, %dma_wait3A_254] : memref<16384x50x64xf32, #tpu.memory_space<hbm>> -> memref<1x50x64xf32, #tpu.memory_space<hbm>>
    %dma_wait3A_256 = tpu.memref_squeeze %dma_wait3A_255 : memref<1x50x64xf32, #tpu.memory_space<hbm>> -> memref<50x64xf32, #tpu.memory_space<hbm>>
    %dma_wait3A_257 = arith.constant 0 : i32
    %dma_wait3A_258 = arith.constant 0 : i32
    %dma_wait3A_259 = tpu.memref_slice %arg4[%add3A_219, %dma_wait3A_257, %dma_wait3A_258] : memref<16384x50x64xf32, #tpu.memory_space<hbm>> -> memref<1x50x64xf32, #tpu.memory_space<hbm>>
    %dma_wait3A_260 = tpu.memref_squeeze %dma_wait3A_259 : memref<1x50x64xf32, #tpu.memory_space<hbm>> -> memref<50x64xf32, #tpu.memory_space<hbm>>
    %dma_wait3A_261 = arith.constant 0 : i32
    %dma_wait3A_262 = arith.constant 0 : i32
    %dma_wait3A_263 = tpu.memref_slice %arg6[%dma_wait3A_248, %dma_wait3A_261, %dma_wait3A_262] : memref<4x400x64xf32, #tpu.memory_space<vmem>> -> memref<1x50x64xf32, #tpu.memory_space<vmem>>
    %dma_wait3A_264 = tpu.memref_squeeze %dma_wait3A_263 : memref<1x50x64xf32, #tpu.memory_space<vmem>> -> memref<50x64xf32, #tpu.memory_space<vmem>>
    tpu.wait_dma2 semaphore(%arg12 : memref<!tpu.dma_semaphore, #tpu.memory_space<semaphore_mem>>) src(%dma_wait3A_264 : memref<50x64xf32, #tpu.memory_space<vmem>>) dst(%dma_wait3A_260 : memref<50x64xf32, #tpu.memory_space<hbm>>)
    %dma_wait3A_265 = arith.constant 1 : i32
    %dma_wait3A_266 = arith.constant 50 : i32
    %dma_wait3A_267 = arith.constant 0 : i32
    %dma_wait3A_268 = tpu.memref_slice %arg6[%dma_wait3A_265, %dma_wait3A_266, %dma_wait3A_267] : memref<4x400x64xf32, #tpu.memory_space<vmem>> -> memref<1x50x64xf32, #tpu.memory_space<vmem>>
    %dma_wait3A_269 = tpu.memref_squeeze %dma_wait3A_268 : memref<1x50x64xf32, #tpu.memory_space<vmem>> -> memref<50x64xf32, #tpu.memory_space<vmem>>
    %dma_wait3A_270 = arith.constant 0 : i32
    %dma_wait3A_271 = arith.constant 0 : i32
    %dma_wait3A_272 = tpu.memref_slice %arg4[%add3A_223, %dma_wait3A_270, %dma_wait3A_271] : memref<16384x50x64xf32, #tpu.memory_space<hbm>> -> memref<1x50x64xf32, #tpu.memory_space<hbm>>
    %dma_wait3A_273 = tpu.memref_squeeze %dma_wait3A_272 : memref<1x50x64xf32, #tpu.memory_space<hbm>> -> memref<50x64xf32, #tpu.memory_space<hbm>>
    %dma_wait3A_274 = arith.constant 0 : i32
    %dma_wait3A_275 = arith.constant 0 : i32
    %dma_wait3A_276 = tpu.memref_slice %arg4[%add3A_223, %dma_wait3A_274, %dma_wait3A_275] : memref<16384x50x64xf32, #tpu.memory_space<hbm>> -> memref<1x50x64xf32, #tpu.memory_space<hbm>>
    %dma_wait3A_277 = tpu.memref_squeeze %dma_wait3A_276 : memref<1x50x64xf32, #tpu.memory_space<hbm>> -> memref<50x64xf32, #tpu.memory_space<hbm>>
    %dma_wait3A_278 = arith.constant 50 : i32
    %dma_wait3A_279 = arith.constant 0 : i32
    %dma_wait3A_280 = tpu.memref_slice %arg6[%dma_wait3A_265, %dma_wait3A_278, %dma_wait3A_279] : memref<4x400x64xf32, #tpu.memory_space<vmem>> -> memref<1x50x64xf32, #tpu.memory_space<vmem>>
    %dma_wait3A_281 = tpu.memref_squeeze %dma_wait3A_280 : memref<1x50x64xf32, #tpu.memory_space<vmem>> -> memref<50x64xf32, #tpu.memory_space<vmem>>
    tpu.wait_dma2 semaphore(%arg12 : memref<!tpu.dma_semaphore, #tpu.memory_space<semaphore_mem>>) src(%dma_wait3A_281 : memref<50x64xf32, #tpu.memory_space<vmem>>) dst(%dma_wait3A_277 : memref<50x64xf32, #tpu.memory_space<hbm>>)
    %dma_wait3A_282 = arith.constant 1 : i32
    %dma_wait3A_283 = arith.constant 100 : i32
    %dma_wait3A_284 = arith.constant 0 : i32
    %dma_wait3A_285 = tpu.memref_slice %arg6[%dma_wait3A_282, %dma_wait3A_283, %dma_wait3A_284] : memref<4x400x64xf32, #tpu.memory_space<vmem>> -> memref<1x50x64xf32, #tpu.memory_space<vmem>>
    %dma_wait3A_286 = tpu.memref_squeeze %dma_wait3A_285 : memref<1x50x64xf32, #tpu.memory_space<vmem>> -> memref<50x64xf32, #tpu.memory_space<vmem>>
    %dma_wait3A_287 = arith.constant 0 : i32
    %dma_wait3A_288 = arith.constant 0 : i32
    %dma_wait3A_289 = tpu.memref_slice %arg4[%add3A_227, %dma_wait3A_287, %dma_wait3A_288] : memref<16384x50x64xf32, #tpu.memory_space<hbm>> -> memref<1x50x64xf32, #tpu.memory_space<hbm>>
    %dma_wait3A_290 = tpu.memref_squeeze %dma_wait3A_289 : memref<1x50x64xf32, #tpu.memory_space<hbm>> -> memref<50x64xf32, #tpu.memory_space<hbm>>
    %dma_wait3A_291 = arith.constant 0 : i32
    %dma_wait3A_292 = arith.constant 0 : i32
    %dma_wait3A_293 = tpu.memref_slice %arg4[%add3A_227, %dma_wait3A_291, %dma_wait3A_292] : memref<16384x50x64xf32, #tpu.memory_space<hbm>> -> memref<1x50x64xf32, #tpu.memory_space<hbm>>
    %dma_wait3A_294 = tpu.memref_squeeze %dma_wait3A_293 : memref<1x50x64xf32, #tpu.memory_space<hbm>> -> memref<50x64xf32, #tpu.memory_space<hbm>>
    %dma_wait3A_295 = arith.constant 100 : i32
    %dma_wait3A_296 = arith.constant 0 : i32
    %dma_wait3A_297 = tpu.memref_slice %arg6[%dma_wait3A_282, %dma_wait3A_295, %dma_wait3A_296] : memref<4x400x64xf32, #tpu.memory_space<vmem>> -> memref<1x50x64xf32, #tpu.memory_space<vmem>>
    %dma_wait3A_298 = tpu.memref_squeeze %dma_wait3A_297 : memref<1x50x64xf32, #tpu.memory_space<vmem>> -> memref<50x64xf32, #tpu.memory_space<vmem>>
    tpu.wait_dma2 semaphore(%arg12 : memref<!tpu.dma_semaphore, #tpu.memory_space<semaphore_mem>>) src(%dma_wait3A_298 : memref<50x64xf32, #tpu.memory_space<vmem>>) dst(%dma_wait3A_294 : memref<50x64xf32, #tpu.memory_space<hbm>>)
    %dma_wait3A_299 = arith.constant 1 : i32
    %dma_wait3A_300 = arith.constant 150 : i32
    %dma_wait3A_301 = arith.constant 0 : i32
    %dma_wait3A_302 = tpu.memref_slice %arg6[%dma_wait3A_299, %dma_wait3A_300, %dma_wait3A_301] : memref<4x400x64xf32, #tpu.memory_space<vmem>> -> memref<1x50x64xf32, #tpu.memory_space<vmem>>
    %dma_wait3A_303 = tpu.memref_squeeze %dma_wait3A_302 : memref<1x50x64xf32, #tpu.memory_space<vmem>> -> memref<50x64xf32, #tpu.memory_space<vmem>>
    %dma_wait3A_304 = arith.constant 0 : i32
    %dma_wait3A_305 = arith.constant 0 : i32
    %dma_wait3A_306 = tpu.memref_slice %arg4[%add3A_231, %dma_wait3A_304, %dma_wait3A_305] : memref<16384x50x64xf32, #tpu.memory_space<hbm>> -> memref<1x50x64xf32, #tpu.memory_space<hbm>>
    %dma_wait3A_307 = tpu.memref_squeeze %dma_wait3A_306 : memref<1x50x64xf32, #tpu.memory_space<hbm>> -> memref<50x64xf32, #tpu.memory_space<hbm>>
    %dma_wait3A_308 = arith.constant 0 : i32
    %dma_wait3A_309 = arith.constant 0 : i32
    %dma_wait3A_310 = tpu.memref_slice %arg4[%add3A_231, %dma_wait3A_308, %dma_wait3A_309] : memref<16384x50x64xf32, #tpu.memory_space<hbm>> -> memref<1x50x64xf32, #tpu.memory_space<hbm>>
    %dma_wait3A_311 = tpu.memref_squeeze %dma_wait3A_310 : memref<1x50x64xf32, #tpu.memory_space<hbm>> -> memref<50x64xf32, #tpu.memory_space<hbm>>
    %dma_wait3A_312 = arith.constant 150 : i32
    %dma_wait3A_313 = arith.constant 0 : i32
    %dma_wait3A_314 = tpu.memref_slice %arg6[%dma_wait3A_299, %dma_wait3A_312, %dma_wait3A_313] : memref<4x400x64xf32, #tpu.memory_space<vmem>> -> memref<1x50x64xf32, #tpu.memory_space<vmem>>
    %dma_wait3A_315 = tpu.memref_squeeze %dma_wait3A_314 : memref<1x50x64xf32, #tpu.memory_space<vmem>> -> memref<50x64xf32, #tpu.memory_space<vmem>>
    tpu.wait_dma2 semaphore(%arg12 : memref<!tpu.dma_semaphore, #tpu.memory_space<semaphore_mem>>) src(%dma_wait3A_315 : memref<50x64xf32, #tpu.memory_space<vmem>>) dst(%dma_wait3A_311 : memref<50x64xf32, #tpu.memory_space<hbm>>)
    %dma_wait3A_316 = arith.constant 1 : i32
    %dma_wait3A_317 = arith.constant 200 : i32
    %dma_wait3A_318 = arith.constant 0 : i32
    %dma_wait3A_319 = tpu.memref_slice %arg6[%dma_wait3A_316, %dma_wait3A_317, %dma_wait3A_318] : memref<4x400x64xf32, #tpu.memory_space<vmem>> -> memref<1x50x64xf32, #tpu.memory_space<vmem>>
    %dma_wait3A_320 = tpu.memref_squeeze %dma_wait3A_319 : memref<1x50x64xf32, #tpu.memory_space<vmem>> -> memref<50x64xf32, #tpu.memory_space<vmem>>
    %dma_wait3A_321 = arith.constant 0 : i32
    %dma_wait3A_322 = arith.constant 0 : i32
    %dma_wait3A_323 = tpu.memref_slice %arg4[%add3A_235, %dma_wait3A_321, %dma_wait3A_322] : memref<16384x50x64xf32, #tpu.memory_space<hbm>> -> memref<1x50x64xf32, #tpu.memory_space<hbm>>
    %dma_wait3A_324 = tpu.memref_squeeze %dma_wait3A_323 : memref<1x50x64xf32, #tpu.memory_space<hbm>> -> memref<50x64xf32, #tpu.memory_space<hbm>>
    %dma_wait3A_325 = arith.constant 0 : i32
    %dma_wait3A_326 = arith.constant 0 : i32
    %dma_wait3A_327 = tpu.memref_slice %arg4[%add3A_235, %dma_wait3A_325, %dma_wait3A_326] : memref<16384x50x64xf32, #tpu.memory_space<hbm>> -> memref<1x50x64xf32, #tpu.memory_space<hbm>>
    %dma_wait3A_328 = tpu.memref_squeeze %dma_wait3A_327 : memref<1x50x64xf32, #tpu.memory_space<hbm>> -> memref<50x64xf32, #tpu.memory_space<hbm>>
    %dma_wait3A_329 = arith.constant 200 : i32
    %dma_wait3A_330 = arith.constant 0 : i32
    %dma_wait3A_331 = tpu.memref_slice %arg6[%dma_wait3A_316, %dma_wait3A_329, %dma_wait3A_330] : memref<4x400x64xf32, #tpu.memory_space<vmem>> -> memref<1x50x64xf32, #tpu.memory_space<vmem>>
    %dma_wait3A_332 = tpu.memref_squeeze %dma_wait3A_331 : memref<1x50x64xf32, #tpu.memory_space<vmem>> -> memref<50x64xf32, #tpu.memory_space<vmem>>
    tpu.wait_dma2 semaphore(%arg12 : memref<!tpu.dma_semaphore, #tpu.memory_space<semaphore_mem>>) src(%dma_wait3A_332 : memref<50x64xf32, #tpu.memory_space<vmem>>) dst(%dma_wait3A_328 : memref<50x64xf32, #tpu.memory_space<hbm>>)
    %dma_wait3A_333 = arith.constant 1 : i32
    %dma_wait3A_334 = arith.constant 250 : i32
    %dma_wait3A_335 = arith.constant 0 : i32
    %dma_wait3A_336 = tpu.memref_slice %arg6[%dma_wait3A_333, %dma_wait3A_334, %dma_wait3A_335] : memref<4x400x64xf32, #tpu.memory_space<vmem>> -> memref<1x50x64xf32, #tpu.memory_space<vmem>>
    %dma_wait3A_337 = tpu.memref_squeeze %dma_wait3A_336 : memref<1x50x64xf32, #tpu.memory_space<vmem>> -> memref<50x64xf32, #tpu.memory_space<vmem>>
    %dma_wait3A_338 = arith.constant 0 : i32
    %dma_wait3A_339 = arith.constant 0 : i32
    %dma_wait3A_340 = tpu.memref_slice %arg4[%add3A_239, %dma_wait3A_338, %dma_wait3A_339] : memref<16384x50x64xf32, #tpu.memory_space<hbm>> -> memref<1x50x64xf32, #tpu.memory_space<hbm>>
    %dma_wait3A_341 = tpu.memref_squeeze %dma_wait3A_340 : memref<1x50x64xf32, #tpu.memory_space<hbm>> -> memref<50x64xf32, #tpu.memory_space<hbm>>
    %dma_wait3A_342 = arith.constant 0 : i32
    %dma_wait3A_343 = arith.constant 0 : i32
    %dma_wait3A_344 = tpu.memref_slice %arg4[%add3A_239, %dma_wait3A_342, %dma_wait3A_343] : memref<16384x50x64xf32, #tpu.memory_space<hbm>> -> memref<1x50x64xf32, #tpu.memory_space<hbm>>
    %dma_wait3A_345 = tpu.memref_squeeze %dma_wait3A_344 : memref<1x50x64xf32, #tpu.memory_space<hbm>> -> memref<50x64xf32, #tpu.memory_space<hbm>>
    %dma_wait3A_346 = arith.constant 250 : i32
    %dma_wait3A_347 = arith.constant 0 : i32
    %dma_wait3A_348 = tpu.memref_slice %arg6[%dma_wait3A_333, %dma_wait3A_346, %dma_wait3A_347] : memref<4x400x64xf32, #tpu.memory_space<vmem>> -> memref<1x50x64xf32, #tpu.memory_space<vmem>>
    %dma_wait3A_349 = tpu.memref_squeeze %dma_wait3A_348 : memref<1x50x64xf32, #tpu.memory_space<vmem>> -> memref<50x64xf32, #tpu.memory_space<vmem>>
    tpu.wait_dma2 semaphore(%arg12 : memref<!tpu.dma_semaphore, #tpu.memory_space<semaphore_mem>>) src(%dma_wait3A_349 : memref<50x64xf32, #tpu.memory_space<vmem>>) dst(%dma_wait3A_345 : memref<50x64xf32, #tpu.memory_space<hbm>>)
    %dma_wait3A_350 = arith.constant 1 : i32
    %dma_wait3A_351 = arith.constant 300 : i32
    %dma_wait3A_352 = arith.constant 0 : i32
    %dma_wait3A_353 = tpu.memref_slice %arg6[%dma_wait3A_350, %dma_wait3A_351, %dma_wait3A_352] : memref<4x400x64xf32, #tpu.memory_space<vmem>> -> memref<1x50x64xf32, #tpu.memory_space<vmem>>
    %dma_wait3A_354 = tpu.memref_squeeze %dma_wait3A_353 : memref<1x50x64xf32, #tpu.memory_space<vmem>> -> memref<50x64xf32, #tpu.memory_space<vmem>>
    %dma_wait3A_355 = arith.constant 0 : i32
    %dma_wait3A_356 = arith.constant 0 : i32
    %dma_wait3A_357 = tpu.memref_slice %arg4[%add3A_243, %dma_wait3A_355, %dma_wait3A_356] : memref<16384x50x64xf32, #tpu.memory_space<hbm>> -> memref<1x50x64xf32, #tpu.memory_space<hbm>>
    %dma_wait3A_358 = tpu.memref_squeeze %dma_wait3A_357 : memref<1x50x64xf32, #tpu.memory_space<hbm>> -> memref<50x64xf32, #tpu.memory_space<hbm>>
    %dma_wait3A_359 = arith.constant 0 : i32
    %dma_wait3A_360 = arith.constant 0 : i32
    %dma_wait3A_361 = tpu.memref_slice %arg4[%add3A_243, %dma_wait3A_359, %dma_wait3A_360] : memref<16384x50x64xf32, #tpu.memory_space<hbm>> -> memref<1x50x64xf32, #tpu.memory_space<hbm>>
    %dma_wait3A_362 = tpu.memref_squeeze %dma_wait3A_361 : memref<1x50x64xf32, #tpu.memory_space<hbm>> -> memref<50x64xf32, #tpu.memory_space<hbm>>
    %dma_wait3A_363 = arith.constant 300 : i32
    %dma_wait3A_364 = arith.constant 0 : i32
    %dma_wait3A_365 = tpu.memref_slice %arg6[%dma_wait3A_350, %dma_wait3A_363, %dma_wait3A_364] : memref<4x400x64xf32, #tpu.memory_space<vmem>> -> memref<1x50x64xf32, #tpu.memory_space<vmem>>
    %dma_wait3A_366 = tpu.memref_squeeze %dma_wait3A_365 : memref<1x50x64xf32, #tpu.memory_space<vmem>> -> memref<50x64xf32, #tpu.memory_space<vmem>>
    tpu.wait_dma2 semaphore(%arg12 : memref<!tpu.dma_semaphore, #tpu.memory_space<semaphore_mem>>) src(%dma_wait3A_366 : memref<50x64xf32, #tpu.memory_space<vmem>>) dst(%dma_wait3A_362 : memref<50x64xf32, #tpu.memory_space<hbm>>)
    %dma_wait3A_367 = arith.constant 1 : i32
    %dma_wait3A_368 = arith.constant 350 : i32
    %dma_wait3A_369 = arith.constant 0 : i32
    %dma_wait3A_370 = tpu.memref_slice %arg6[%dma_wait3A_367, %dma_wait3A_368, %dma_wait3A_369] : memref<4x400x64xf32, #tpu.memory_space<vmem>> -> memref<1x50x64xf32, #tpu.memory_space<vmem>>
    %dma_wait3A_371 = tpu.memref_squeeze %dma_wait3A_370 : memref<1x50x64xf32, #tpu.memory_space<vmem>> -> memref<50x64xf32, #tpu.memory_space<vmem>>
    %dma_wait3A_372 = arith.constant 0 : i32
    %dma_wait3A_373 = arith.constant 0 : i32
    %dma_wait3A_374 = tpu.memref_slice %arg4[%add3A_247, %dma_wait3A_372, %dma_wait3A_373] : memref<16384x50x64xf32, #tpu.memory_space<hbm>> -> memref<1x50x64xf32, #tpu.memory_space<hbm>>
    %dma_wait3A_375 = tpu.memref_squeeze %dma_wait3A_374 : memref<1x50x64xf32, #tpu.memory_space<hbm>> -> memref<50x64xf32, #tpu.memory_space<hbm>>
    %dma_wait3A_376 = arith.constant 0 : i32
    %dma_wait3A_377 = arith.constant 0 : i32
    %dma_wait3A_378 = tpu.memref_slice %arg4[%add3A_247, %dma_wait3A_376, %dma_wait3A_377] : memref<16384x50x64xf32, #tpu.memory_space<hbm>> -> memref<1x50x64xf32, #tpu.memory_space<hbm>>
    %dma_wait3A_379 = tpu.memref_squeeze %dma_wait3A_378 : memref<1x50x64xf32, #tpu.memory_space<hbm>> -> memref<50x64xf32, #tpu.memory_space<hbm>>
    %dma_wait3A_380 = arith.constant 350 : i32
    %dma_wait3A_381 = arith.constant 0 : i32
    %dma_wait3A_382 = tpu.memref_slice %arg6[%dma_wait3A_367, %dma_wait3A_380, %dma_wait3A_381] : memref<4x400x64xf32, #tpu.memory_space<vmem>> -> memref<1x50x64xf32, #tpu.memory_space<vmem>>
    %dma_wait3A_383 = tpu.memref_squeeze %dma_wait3A_382 : memref<1x50x64xf32, #tpu.memory_space<vmem>> -> memref<50x64xf32, #tpu.memory_space<vmem>>
    tpu.wait_dma2 semaphore(%arg12 : memref<!tpu.dma_semaphore, #tpu.memory_space<semaphore_mem>>) src(%dma_wait3A_383 : memref<50x64xf32, #tpu.memory_space<vmem>>) dst(%dma_wait3A_379 : memref<50x64xf32, #tpu.memory_space<hbm>>)
    %add3A_384 = arith.constant 496 : i32
    %add3A_385 = arith.addi %mul3A_2, %add3A_384 : i32
    %add3A_386 = arith.constant 0 : i32
    %add3A_387 = arith.addi %add3A_385, %add3A_386 : i32
    %add3A_388 = arith.constant 496 : i32
    %add3A_389 = arith.addi %mul3A_2, %add3A_388 : i32
    %add3A_390 = arith.constant 1 : i32
    %add3A_391 = arith.addi %add3A_389, %add3A_390 : i32
    %add3A_392 = arith.constant 496 : i32
    %add3A_393 = arith.addi %mul3A_2, %add3A_392 : i32
    %add3A_394 = arith.constant 2 : i32
    %add3A_395 = arith.addi %add3A_393, %add3A_394 : i32
    %add3A_396 = arith.constant 496 : i32
    %add3A_397 = arith.addi %mul3A_2, %add3A_396 : i32
    %add3A_398 = arith.constant 3 : i32
    %add3A_399 = arith.addi %add3A_397, %add3A_398 : i32
    %add3A_400 = arith.constant 496 : i32
    %add3A_401 = arith.addi %mul3A_2, %add3A_400 : i32
    %add3A_402 = arith.constant 4 : i32
    %add3A_403 = arith.addi %add3A_401, %add3A_402 : i32
    %add3A_404 = arith.constant 496 : i32
    %add3A_405 = arith.addi %mul3A_2, %add3A_404 : i32
    %add3A_406 = arith.constant 5 : i32
    %add3A_407 = arith.addi %add3A_405, %add3A_406 : i32
    %add3A_408 = arith.constant 496 : i32
    %add3A_409 = arith.addi %mul3A_2, %add3A_408 : i32
    %add3A_410 = arith.constant 6 : i32
    %add3A_411 = arith.addi %add3A_409, %add3A_410 : i32
    %add3A_412 = arith.constant 496 : i32
    %add3A_413 = arith.addi %mul3A_2, %add3A_412 : i32
    %add3A_414 = arith.constant 7 : i32
    %add3A_415 = arith.addi %add3A_413, %add3A_414 : i32
    %dma_wait3A_416 = arith.constant 2 : i32
    %dma_wait3A_417 = arith.constant 0 : i32
    %dma_wait3A_418 = arith.constant 0 : i32
    %dma_wait3A_419 = tpu.memref_slice %arg6[%dma_wait3A_416, %dma_wait3A_417, %dma_wait3A_418] : memref<4x400x64xf32, #tpu.memory_space<vmem>> -> memref<1x50x64xf32, #tpu.memory_space<vmem>>
    %dma_wait3A_420 = tpu.memref_squeeze %dma_wait3A_419 : memref<1x50x64xf32, #tpu.memory_space<vmem>> -> memref<50x64xf32, #tpu.memory_space<vmem>>
    %dma_wait3A_421 = arith.constant 0 : i32
    %dma_wait3A_422 = arith.constant 0 : i32
    %dma_wait3A_423 = tpu.memref_slice %arg4[%add3A_387, %dma_wait3A_421, %dma_wait3A_422] : memref<16384x50x64xf32, #tpu.memory_space<hbm>> -> memref<1x50x64xf32, #tpu.memory_space<hbm>>
    %dma_wait3A_424 = tpu.memref_squeeze %dma_wait3A_423 : memref<1x50x64xf32, #tpu.memory_space<hbm>> -> memref<50x64xf32, #tpu.memory_space<hbm>>
    %dma_wait3A_425 = arith.constant 0 : i32
    %dma_wait3A_426 = arith.constant 0 : i32
    %dma_wait3A_427 = tpu.memref_slice %arg4[%add3A_387, %dma_wait3A_425, %dma_wait3A_426] : memref<16384x50x64xf32, #tpu.memory_space<hbm>> -> memref<1x50x64xf32, #tpu.memory_space<hbm>>
    %dma_wait3A_428 = tpu.memref_squeeze %dma_wait3A_427 : memref<1x50x64xf32, #tpu.memory_space<hbm>> -> memref<50x64xf32, #tpu.memory_space<hbm>>
    %dma_wait3A_429 = arith.constant 0 : i32
    %dma_wait3A_430 = arith.constant 0 : i32
    %dma_wait3A_431 = tpu.memref_slice %arg6[%dma_wait3A_416, %dma_wait3A_429, %dma_wait3A_430] : memref<4x400x64xf32, #tpu.memory_space<vmem>> -> memref<1x50x64xf32, #tpu.memory_space<vmem>>
    %dma_wait3A_432 = tpu.memref_squeeze %dma_wait3A_431 : memref<1x50x64xf32, #tpu.memory_space<vmem>> -> memref<50x64xf32, #tpu.memory_space<vmem>>
    tpu.wait_dma2 semaphore(%arg13 : memref<!tpu.dma_semaphore, #tpu.memory_space<semaphore_mem>>) src(%dma_wait3A_432 : memref<50x64xf32, #tpu.memory_space<vmem>>) dst(%dma_wait3A_428 : memref<50x64xf32, #tpu.memory_space<hbm>>)
    %dma_wait3A_433 = arith.constant 2 : i32
    %dma_wait3A_434 = arith.constant 50 : i32
    %dma_wait3A_435 = arith.constant 0 : i32
    %dma_wait3A_436 = tpu.memref_slice %arg6[%dma_wait3A_433, %dma_wait3A_434, %dma_wait3A_435] : memref<4x400x64xf32, #tpu.memory_space<vmem>> -> memref<1x50x64xf32, #tpu.memory_space<vmem>>
    %dma_wait3A_437 = tpu.memref_squeeze %dma_wait3A_436 : memref<1x50x64xf32, #tpu.memory_space<vmem>> -> memref<50x64xf32, #tpu.memory_space<vmem>>
    %dma_wait3A_438 = arith.constant 0 : i32
    %dma_wait3A_439 = arith.constant 0 : i32
    %dma_wait3A_440 = tpu.memref_slice %arg4[%add3A_391, %dma_wait3A_438, %dma_wait3A_439] : memref<16384x50x64xf32, #tpu.memory_space<hbm>> -> memref<1x50x64xf32, #tpu.memory_space<hbm>>
    %dma_wait3A_441 = tpu.memref_squeeze %dma_wait3A_440 : memref<1x50x64xf32, #tpu.memory_space<hbm>> -> memref<50x64xf32, #tpu.memory_space<hbm>>
    %dma_wait3A_442 = arith.constant 0 : i32
    %dma_wait3A_443 = arith.constant 0 : i32
    %dma_wait3A_444 = tpu.memref_slice %arg4[%add3A_391, %dma_wait3A_442, %dma_wait3A_443] : memref<16384x50x64xf32, #tpu.memory_space<hbm>> -> memref<1x50x64xf32, #tpu.memory_space<hbm>>
    %dma_wait3A_445 = tpu.memref_squeeze %dma_wait3A_444 : memref<1x50x64xf32, #tpu.memory_space<hbm>> -> memref<50x64xf32, #tpu.memory_space<hbm>>
    %dma_wait3A_446 = arith.constant 50 : i32
    %dma_wait3A_447 = arith.constant 0 : i32
    %dma_wait3A_448 = tpu.memref_slice %arg6[%dma_wait3A_433, %dma_wait3A_446, %dma_wait3A_447] : memref<4x400x64xf32, #tpu.memory_space<vmem>> -> memref<1x50x64xf32, #tpu.memory_space<vmem>>
    %dma_wait3A_449 = tpu.memref_squeeze %dma_wait3A_448 : memref<1x50x64xf32, #tpu.memory_space<vmem>> -> memref<50x64xf32, #tpu.memory_space<vmem>>
    tpu.wait_dma2 semaphore(%arg13 : memref<!tpu.dma_semaphore, #tpu.memory_space<semaphore_mem>>) src(%dma_wait3A_449 : memref<50x64xf32, #tpu.memory_space<vmem>>) dst(%dma_wait3A_445 : memref<50x64xf32, #tpu.memory_space<hbm>>)
    %dma_wait3A_450 = arith.constant 2 : i32
    %dma_wait3A_451 = arith.constant 100 : i32
    %dma_wait3A_452 = arith.constant 0 : i32
    %dma_wait3A_453 = tpu.memref_slice %arg6[%dma_wait3A_450, %dma_wait3A_451, %dma_wait3A_452] : memref<4x400x64xf32, #tpu.memory_space<vmem>> -> memref<1x50x64xf32, #tpu.memory_space<vmem>>
    %dma_wait3A_454 = tpu.memref_squeeze %dma_wait3A_453 : memref<1x50x64xf32, #tpu.memory_space<vmem>> -> memref<50x64xf32, #tpu.memory_space<vmem>>
    %dma_wait3A_455 = arith.constant 0 : i32
    %dma_wait3A_456 = arith.constant 0 : i32
    %dma_wait3A_457 = tpu.memref_slice %arg4[%add3A_395, %dma_wait3A_455, %dma_wait3A_456] : memref<16384x50x64xf32, #tpu.memory_space<hbm>> -> memref<1x50x64xf32, #tpu.memory_space<hbm>>
    %dma_wait3A_458 = tpu.memref_squeeze %dma_wait3A_457 : memref<1x50x64xf32, #tpu.memory_space<hbm>> -> memref<50x64xf32, #tpu.memory_space<hbm>>
    %dma_wait3A_459 = arith.constant 0 : i32
    %dma_wait3A_460 = arith.constant 0 : i32
    %dma_wait3A_461 = tpu.memref_slice %arg4[%add3A_395, %dma_wait3A_459, %dma_wait3A_460] : memref<16384x50x64xf32, #tpu.memory_space<hbm>> -> memref<1x50x64xf32, #tpu.memory_space<hbm>>
    %dma_wait3A_462 = tpu.memref_squeeze %dma_wait3A_461 : memref<1x50x64xf32, #tpu.memory_space<hbm>> -> memref<50x64xf32, #tpu.memory_space<hbm>>
    %dma_wait3A_463 = arith.constant 100 : i32
    %dma_wait3A_464 = arith.constant 0 : i32
    %dma_wait3A_465 = tpu.memref_slice %arg6[%dma_wait3A_450, %dma_wait3A_463, %dma_wait3A_464] : memref<4x400x64xf32, #tpu.memory_space<vmem>> -> memref<1x50x64xf32, #tpu.memory_space<vmem>>
    %dma_wait3A_466 = tpu.memref_squeeze %dma_wait3A_465 : memref<1x50x64xf32, #tpu.memory_space<vmem>> -> memref<50x64xf32, #tpu.memory_space<vmem>>
    tpu.wait_dma2 semaphore(%arg13 : memref<!tpu.dma_semaphore, #tpu.memory_space<semaphore_mem>>) src(%dma_wait3A_466 : memref<50x64xf32, #tpu.memory_space<vmem>>) dst(%dma_wait3A_462 : memref<50x64xf32, #tpu.memory_space<hbm>>)
    %dma_wait3A_467 = arith.constant 2 : i32
    %dma_wait3A_468 = arith.constant 150 : i32
    %dma_wait3A_469 = arith.constant 0 : i32
    %dma_wait3A_470 = tpu.memref_slice %arg6[%dma_wait3A_467, %dma_wait3A_468, %dma_wait3A_469] : memref<4x400x64xf32, #tpu.memory_space<vmem>> -> memref<1x50x64xf32, #tpu.memory_space<vmem>>
    %dma_wait3A_471 = tpu.memref_squeeze %dma_wait3A_470 : memref<1x50x64xf32, #tpu.memory_space<vmem>> -> memref<50x64xf32, #tpu.memory_space<vmem>>
    %dma_wait3A_472 = arith.constant 0 : i32
    %dma_wait3A_473 = arith.constant 0 : i32
    %dma_wait3A_474 = tpu.memref_slice %arg4[%add3A_399, %dma_wait3A_472, %dma_wait3A_473] : memref<16384x50x64xf32, #tpu.memory_space<hbm>> -> memref<1x50x64xf32, #tpu.memory_space<hbm>>
    %dma_wait3A_475 = tpu.memref_squeeze %dma_wait3A_474 : memref<1x50x64xf32, #tpu.memory_space<hbm>> -> memref<50x64xf32, #tpu.memory_space<hbm>>
    %dma_wait3A_476 = arith.constant 0 : i32
    %dma_wait3A_477 = arith.constant 0 : i32
    %dma_wait3A_478 = tpu.memref_slice %arg4[%add3A_399, %dma_wait3A_476, %dma_wait3A_477] : memref<16384x50x64xf32, #tpu.memory_space<hbm>> -> memref<1x50x64xf32, #tpu.memory_space<hbm>>
    %dma_wait3A_479 = tpu.memref_squeeze %dma_wait3A_478 : memref<1x50x64xf32, #tpu.memory_space<hbm>> -> memref<50x64xf32, #tpu.memory_space<hbm>>
    %dma_wait3A_480 = arith.constant 150 : i32
    %dma_wait3A_481 = arith.constant 0 : i32
    %dma_wait3A_482 = tpu.memref_slice %arg6[%dma_wait3A_467, %dma_wait3A_480, %dma_wait3A_481] : memref<4x400x64xf32, #tpu.memory_space<vmem>> -> memref<1x50x64xf32, #tpu.memory_space<vmem>>
    %dma_wait3A_483 = tpu.memref_squeeze %dma_wait3A_482 : memref<1x50x64xf32, #tpu.memory_space<vmem>> -> memref<50x64xf32, #tpu.memory_space<vmem>>
    tpu.wait_dma2 semaphore(%arg13 : memref<!tpu.dma_semaphore, #tpu.memory_space<semaphore_mem>>) src(%dma_wait3A_483 : memref<50x64xf32, #tpu.memory_space<vmem>>) dst(%dma_wait3A_479 : memref<50x64xf32, #tpu.memory_space<hbm>>)
    %dma_wait3A_484 = arith.constant 2 : i32
    %dma_wait3A_485 = arith.constant 200 : i32
    %dma_wait3A_486 = arith.constant 0 : i32
    %dma_wait3A_487 = tpu.memref_slice %arg6[%dma_wait3A_484, %dma_wait3A_485, %dma_wait3A_486] : memref<4x400x64xf32, #tpu.memory_space<vmem>> -> memref<1x50x64xf32, #tpu.memory_space<vmem>>
    %dma_wait3A_488 = tpu.memref_squeeze %dma_wait3A_487 : memref<1x50x64xf32, #tpu.memory_space<vmem>> -> memref<50x64xf32, #tpu.memory_space<vmem>>
    %dma_wait3A_489 = arith.constant 0 : i32
    %dma_wait3A_490 = arith.constant 0 : i32
    %dma_wait3A_491 = tpu.memref_slice %arg4[%add3A_403, %dma_wait3A_489, %dma_wait3A_490] : memref<16384x50x64xf32, #tpu.memory_space<hbm>> -> memref<1x50x64xf32, #tpu.memory_space<hbm>>
    %dma_wait3A_492 = tpu.memref_squeeze %dma_wait3A_491 : memref<1x50x64xf32, #tpu.memory_space<hbm>> -> memref<50x64xf32, #tpu.memory_space<hbm>>
    %dma_wait3A_493 = arith.constant 0 : i32
    %dma_wait3A_494 = arith.constant 0 : i32
    %dma_wait3A_495 = tpu.memref_slice %arg4[%add3A_403, %dma_wait3A_493, %dma_wait3A_494] : memref<16384x50x64xf32, #tpu.memory_space<hbm>> -> memref<1x50x64xf32, #tpu.memory_space<hbm>>
    %dma_wait3A_496 = tpu.memref_squeeze %dma_wait3A_495 : memref<1x50x64xf32, #tpu.memory_space<hbm>> -> memref<50x64xf32, #tpu.memory_space<hbm>>
    %dma_wait3A_497 = arith.constant 200 : i32
    %dma_wait3A_498 = arith.constant 0 : i32
    %dma_wait3A_499 = tpu.memref_slice %arg6[%dma_wait3A_484, %dma_wait3A_497, %dma_wait3A_498] : memref<4x400x64xf32, #tpu.memory_space<vmem>> -> memref<1x50x64xf32, #tpu.memory_space<vmem>>
    %dma_wait3A_500 = tpu.memref_squeeze %dma_wait3A_499 : memref<1x50x64xf32, #tpu.memory_space<vmem>> -> memref<50x64xf32, #tpu.memory_space<vmem>>
    tpu.wait_dma2 semaphore(%arg13 : memref<!tpu.dma_semaphore, #tpu.memory_space<semaphore_mem>>) src(%dma_wait3A_500 : memref<50x64xf32, #tpu.memory_space<vmem>>) dst(%dma_wait3A_496 : memref<50x64xf32, #tpu.memory_space<hbm>>)
    %dma_wait3A_501 = arith.constant 2 : i32
    %dma_wait3A_502 = arith.constant 250 : i32
    %dma_wait3A_503 = arith.constant 0 : i32
    %dma_wait3A_504 = tpu.memref_slice %arg6[%dma_wait3A_501, %dma_wait3A_502, %dma_wait3A_503] : memref<4x400x64xf32, #tpu.memory_space<vmem>> -> memref<1x50x64xf32, #tpu.memory_space<vmem>>
    %dma_wait3A_505 = tpu.memref_squeeze %dma_wait3A_504 : memref<1x50x64xf32, #tpu.memory_space<vmem>> -> memref<50x64xf32, #tpu.memory_space<vmem>>
    %dma_wait3A_506 = arith.constant 0 : i32
    %dma_wait3A_507 = arith.constant 0 : i32
    %dma_wait3A_508 = tpu.memref_slice %arg4[%add3A_407, %dma_wait3A_506, %dma_wait3A_507] : memref<16384x50x64xf32, #tpu.memory_space<hbm>> -> memref<1x50x64xf32, #tpu.memory_space<hbm>>
    %dma_wait3A_509 = tpu.memref_squeeze %dma_wait3A_508 : memref<1x50x64xf32, #tpu.memory_space<hbm>> -> memref<50x64xf32, #tpu.memory_space<hbm>>
    %dma_wait3A_510 = arith.constant 0 : i32
    %dma_wait3A_511 = arith.constant 0 : i32
    %dma_wait3A_512 = tpu.memref_slice %arg4[%add3A_407, %dma_wait3A_510, %dma_wait3A_511] : memref<16384x50x64xf32, #tpu.memory_space<hbm>> -> memref<1x50x64xf32, #tpu.memory_space<hbm>>
    %dma_wait3A_513 = tpu.memref_squeeze %dma_wait3A_512 : memref<1x50x64xf32, #tpu.memory_space<hbm>> -> memref<50x64xf32, #tpu.memory_space<hbm>>
    %dma_wait3A_514 = arith.constant 250 : i32
    %dma_wait3A_515 = arith.constant 0 : i32
    %dma_wait3A_516 = tpu.memref_slice %arg6[%dma_wait3A_501, %dma_wait3A_514, %dma_wait3A_515] : memref<4x400x64xf32, #tpu.memory_space<vmem>> -> memref<1x50x64xf32, #tpu.memory_space<vmem>>
    %dma_wait3A_517 = tpu.memref_squeeze %dma_wait3A_516 : memref<1x50x64xf32, #tpu.memory_space<vmem>> -> memref<50x64xf32, #tpu.memory_space<vmem>>
    tpu.wait_dma2 semaphore(%arg13 : memref<!tpu.dma_semaphore, #tpu.memory_space<semaphore_mem>>) src(%dma_wait3A_517 : memref<50x64xf32, #tpu.memory_space<vmem>>) dst(%dma_wait3A_513 : memref<50x64xf32, #tpu.memory_space<hbm>>)
    %dma_wait3A_518 = arith.constant 2 : i32
    %dma_wait3A_519 = arith.constant 300 : i32
    %dma_wait3A_520 = arith.constant 0 : i32
    %dma_wait3A_521 = tpu.memref_slice %arg6[%dma_wait3A_518, %dma_wait3A_519, %dma_wait3A_520] : memref<4x400x64xf32, #tpu.memory_space<vmem>> -> memref<1x50x64xf32, #tpu.memory_space<vmem>>
    %dma_wait3A_522 = tpu.memref_squeeze %dma_wait3A_521 : memref<1x50x64xf32, #tpu.memory_space<vmem>> -> memref<50x64xf32, #tpu.memory_space<vmem>>
    %dma_wait3A_523 = arith.constant 0 : i32
    %dma_wait3A_524 = arith.constant 0 : i32
    %dma_wait3A_525 = tpu.memref_slice %arg4[%add3A_411, %dma_wait3A_523, %dma_wait3A_524] : memref<16384x50x64xf32, #tpu.memory_space<hbm>> -> memref<1x50x64xf32, #tpu.memory_space<hbm>>
    %dma_wait3A_526 = tpu.memref_squeeze %dma_wait3A_525 : memref<1x50x64xf32, #tpu.memory_space<hbm>> -> memref<50x64xf32, #tpu.memory_space<hbm>>
    %dma_wait3A_527 = arith.constant 0 : i32
    %dma_wait3A_528 = arith.constant 0 : i32
    %dma_wait3A_529 = tpu.memref_slice %arg4[%add3A_411, %dma_wait3A_527, %dma_wait3A_528] : memref<16384x50x64xf32, #tpu.memory_space<hbm>> -> memref<1x50x64xf32, #tpu.memory_space<hbm>>
    %dma_wait3A_530 = tpu.memref_squeeze %dma_wait3A_529 : memref<1x50x64xf32, #tpu.memory_space<hbm>> -> memref<50x64xf32, #tpu.memory_space<hbm>>
    %dma_wait3A_531 = arith.constant 300 : i32
    %dma_wait3A_532 = arith.constant 0 : i32
    %dma_wait3A_533 = tpu.memref_slice %arg6[%dma_wait3A_518, %dma_wait3A_531, %dma_wait3A_532] : memref<4x400x64xf32, #tpu.memory_space<vmem>> -> memref<1x50x64xf32, #tpu.memory_space<vmem>>
    %dma_wait3A_534 = tpu.memref_squeeze %dma_wait3A_533 : memref<1x50x64xf32, #tpu.memory_space<vmem>> -> memref<50x64xf32, #tpu.memory_space<vmem>>
    tpu.wait_dma2 semaphore(%arg13 : memref<!tpu.dma_semaphore, #tpu.memory_space<semaphore_mem>>) src(%dma_wait3A_534 : memref<50x64xf32, #tpu.memory_space<vmem>>) dst(%dma_wait3A_530 : memref<50x64xf32, #tpu.memory_space<hbm>>)
    %dma_wait3A_535 = arith.constant 2 : i32
    %dma_wait3A_536 = arith.constant 350 : i32
    %dma_wait3A_537 = arith.constant 0 : i32
    %dma_wait3A_538 = tpu.memref_slice %arg6[%dma_wait3A_535, %dma_wait3A_536, %dma_wait3A_537] : memref<4x400x64xf32, #tpu.memory_space<vmem>> -> memref<1x50x64xf32, #tpu.memory_space<vmem>>
    %dma_wait3A_539 = tpu.memref_squeeze %dma_wait3A_538 : memref<1x50x64xf32, #tpu.memory_space<vmem>> -> memref<50x64xf32, #tpu.memory_space<vmem>>
    %dma_wait3A_540 = arith.constant 0 : i32
    %dma_wait3A_541 = arith.constant 0 : i32
    %dma_wait3A_542 = tpu.memref_slice %arg4[%add3A_415, %dma_wait3A_540, %dma_wait3A_541] : memref<16384x50x64xf32, #tpu.memory_space<hbm>> -> memref<1x50x64xf32, #tpu.memory_space<hbm>>
    %dma_wait3A_543 = tpu.memref_squeeze %dma_wait3A_542 : memref<1x50x64xf32, #tpu.memory_space<hbm>> -> memref<50x64xf32, #tpu.memory_space<hbm>>
    %dma_wait3A_544 = arith.constant 0 : i32
    %dma_wait3A_545 = arith.constant 0 : i32
    %dma_wait3A_546 = tpu.memref_slice %arg4[%add3A_415, %dma_wait3A_544, %dma_wait3A_545] : memref<16384x50x64xf32, #tpu.memory_space<hbm>> -> memref<1x50x64xf32, #tpu.memory_space<hbm>>
    %dma_wait3A_547 = tpu.memref_squeeze %dma_wait3A_546 : memref<1x50x64xf32, #tpu.memory_space<hbm>> -> memref<50x64xf32, #tpu.memory_space<hbm>>
    %dma_wait3A_548 = arith.constant 350 : i32
    %dma_wait3A_549 = arith.constant 0 : i32
    %dma_wait3A_550 = tpu.memref_slice %arg6[%dma_wait3A_535, %dma_wait3A_548, %dma_wait3A_549] : memref<4x400x64xf32, #tpu.memory_space<vmem>> -> memref<1x50x64xf32, #tpu.memory_space<vmem>>
    %dma_wait3A_551 = tpu.memref_squeeze %dma_wait3A_550 : memref<1x50x64xf32, #tpu.memory_space<vmem>> -> memref<50x64xf32, #tpu.memory_space<vmem>>
    tpu.wait_dma2 semaphore(%arg13 : memref<!tpu.dma_semaphore, #tpu.memory_space<semaphore_mem>>) src(%dma_wait3A_551 : memref<50x64xf32, #tpu.memory_space<vmem>>) dst(%dma_wait3A_547 : memref<50x64xf32, #tpu.memory_space<hbm>>)
    %add3A_552 = arith.constant 504 : i32
    %add3A_553 = arith.addi %mul3A_2, %add3A_552 : i32
    %add3A_554 = arith.constant 0 : i32
    %add3A_555 = arith.addi %add3A_553, %add3A_554 : i32
    %add3A_556 = arith.constant 504 : i32
    %add3A_557 = arith.addi %mul3A_2, %add3A_556 : i32
    %add3A_558 = arith.constant 1 : i32
    %add3A_559 = arith.addi %add3A_557, %add3A_558 : i32
    %add3A_560 = arith.constant 504 : i32
    %add3A_561 = arith.addi %mul3A_2, %add3A_560 : i32
    %add3A_562 = arith.constant 2 : i32
    %add3A_563 = arith.addi %add3A_561, %add3A_562 : i32
    %add3A_564 = arith.constant 504 : i32
    %add3A_565 = arith.addi %mul3A_2, %add3A_564 : i32
    %add3A_566 = arith.constant 3 : i32
    %add3A_567 = arith.addi %add3A_565, %add3A_566 : i32
    %add3A_568 = arith.constant 504 : i32
    %add3A_569 = arith.addi %mul3A_2, %add3A_568 : i32
    %add3A_570 = arith.constant 4 : i32
    %add3A_571 = arith.addi %add3A_569, %add3A_570 : i32
    %add3A_572 = arith.constant 504 : i32
    %add3A_573 = arith.addi %mul3A_2, %add3A_572 : i32
    %add3A_574 = arith.constant 5 : i32
    %add3A_575 = arith.addi %add3A_573, %add3A_574 : i32
    %add3A_576 = arith.constant 504 : i32
    %add3A_577 = arith.addi %mul3A_2, %add3A_576 : i32
    %add3A_578 = arith.constant 6 : i32
    %add3A_579 = arith.addi %add3A_577, %add3A_578 : i32
    %add3A_580 = arith.constant 504 : i32
    %add3A_581 = arith.addi %mul3A_2, %add3A_580 : i32
    %add3A_582 = arith.constant 7 : i32
    %add3A_583 = arith.addi %add3A_581, %add3A_582 : i32
    %dma_wait3A_584 = arith.constant 3 : i32
    %dma_wait3A_585 = arith.constant 0 : i32
    %dma_wait3A_586 = arith.constant 0 : i32
    %dma_wait3A_587 = tpu.memref_slice %arg6[%dma_wait3A_584, %dma_wait3A_585, %dma_wait3A_586] : memref<4x400x64xf32, #tpu.memory_space<vmem>> -> memref<1x50x64xf32, #tpu.memory_space<vmem>>
    %dma_wait3A_588 = tpu.memref_squeeze %dma_wait3A_587 : memref<1x50x64xf32, #tpu.memory_space<vmem>> -> memref<50x64xf32, #tpu.memory_space<vmem>>
    %dma_wait3A_589 = arith.constant 0 : i32
    %dma_wait3A_590 = arith.constant 0 : i32
    %dma_wait3A_591 = tpu.memref_slice %arg4[%add3A_555, %dma_wait3A_589, %dma_wait3A_590] : memref<16384x50x64xf32, #tpu.memory_space<hbm>> -> memref<1x50x64xf32, #tpu.memory_space<hbm>>
    %dma_wait3A_592 = tpu.memref_squeeze %dma_wait3A_591 : memref<1x50x64xf32, #tpu.memory_space<hbm>> -> memref<50x64xf32, #tpu.memory_space<hbm>>
    %dma_wait3A_593 = arith.constant 0 : i32
    %dma_wait3A_594 = arith.constant 0 : i32
    %dma_wait3A_595 = tpu.memref_slice %arg4[%add3A_555, %dma_wait3A_593, %dma_wait3A_594] : memref<16384x50x64xf32, #tpu.memory_space<hbm>> -> memref<1x50x64xf32, #tpu.memory_space<hbm>>
    %dma_wait3A_596 = tpu.memref_squeeze %dma_wait3A_595 : memref<1x50x64xf32, #tpu.memory_space<hbm>> -> memref<50x64xf32, #tpu.memory_space<hbm>>
    %dma_wait3A_597 = arith.constant 0 : i32
    %dma_wait3A_598 = arith.constant 0 : i32
    %dma_wait3A_599 = tpu.memref_slice %arg6[%dma_wait3A_584, %dma_wait3A_597, %dma_wait3A_598] : memref<4x400x64xf32, #tpu.memory_space<vmem>> -> memref<1x50x64xf32, #tpu.memory_space<vmem>>
    %dma_wait3A_600 = tpu.memref_squeeze %dma_wait3A_599 : memref<1x50x64xf32, #tpu.memory_space<vmem>> -> memref<50x64xf32, #tpu.memory_space<vmem>>
    tpu.wait_dma2 semaphore(%arg14 : memref<!tpu.dma_semaphore, #tpu.memory_space<semaphore_mem>>) src(%dma_wait3A_600 : memref<50x64xf32, #tpu.memory_space<vmem>>) dst(%dma_wait3A_596 : memref<50x64xf32, #tpu.memory_space<hbm>>)
    %dma_wait3A_601 = arith.constant 3 : i32
    %dma_wait3A_602 = arith.constant 50 : i32
    %dma_wait3A_603 = arith.constant 0 : i32
    %dma_wait3A_604 = tpu.memref_slice %arg6[%dma_wait3A_601, %dma_wait3A_602, %dma_wait3A_603] : memref<4x400x64xf32, #tpu.memory_space<vmem>> -> memref<1x50x64xf32, #tpu.memory_space<vmem>>
    %dma_wait3A_605 = tpu.memref_squeeze %dma_wait3A_604 : memref<1x50x64xf32, #tpu.memory_space<vmem>> -> memref<50x64xf32, #tpu.memory_space<vmem>>
    %dma_wait3A_606 = arith.constant 0 : i32
    %dma_wait3A_607 = arith.constant 0 : i32
    %dma_wait3A_608 = tpu.memref_slice %arg4[%add3A_559, %dma_wait3A_606, %dma_wait3A_607] : memref<16384x50x64xf32, #tpu.memory_space<hbm>> -> memref<1x50x64xf32, #tpu.memory_space<hbm>>
    %dma_wait3A_609 = tpu.memref_squeeze %dma_wait3A_608 : memref<1x50x64xf32, #tpu.memory_space<hbm>> -> memref<50x64xf32, #tpu.memory_space<hbm>>
    %dma_wait3A_610 = arith.constant 0 : i32
    %dma_wait3A_611 = arith.constant 0 : i32
    %dma_wait3A_612 = tpu.memref_slice %arg4[%add3A_559, %dma_wait3A_610, %dma_wait3A_611] : memref<16384x50x64xf32, #tpu.memory_space<hbm>> -> memref<1x50x64xf32, #tpu.memory_space<hbm>>
    %dma_wait3A_613 = tpu.memref_squeeze %dma_wait3A_612 : memref<1x50x64xf32, #tpu.memory_space<hbm>> -> memref<50x64xf32, #tpu.memory_space<hbm>>
    %dma_wait3A_614 = arith.constant 50 : i32
    %dma_wait3A_615 = arith.constant 0 : i32
    %dma_wait3A_616 = tpu.memref_slice %arg6[%dma_wait3A_601, %dma_wait3A_614, %dma_wait3A_615] : memref<4x400x64xf32, #tpu.memory_space<vmem>> -> memref<1x50x64xf32, #tpu.memory_space<vmem>>
    %dma_wait3A_617 = tpu.memref_squeeze %dma_wait3A_616 : memref<1x50x64xf32, #tpu.memory_space<vmem>> -> memref<50x64xf32, #tpu.memory_space<vmem>>
    tpu.wait_dma2 semaphore(%arg14 : memref<!tpu.dma_semaphore, #tpu.memory_space<semaphore_mem>>) src(%dma_wait3A_617 : memref<50x64xf32, #tpu.memory_space<vmem>>) dst(%dma_wait3A_613 : memref<50x64xf32, #tpu.memory_space<hbm>>)
    %dma_wait3A_618 = arith.constant 3 : i32
    %dma_wait3A_619 = arith.constant 100 : i32
    %dma_wait3A_620 = arith.constant 0 : i32
    %dma_wait3A_621 = tpu.memref_slice %arg6[%dma_wait3A_618, %dma_wait3A_619, %dma_wait3A_620] : memref<4x400x64xf32, #tpu.memory_space<vmem>> -> memref<1x50x64xf32, #tpu.memory_space<vmem>>
    %dma_wait3A_622 = tpu.memref_squeeze %dma_wait3A_621 : memref<1x50x64xf32, #tpu.memory_space<vmem>> -> memref<50x64xf32, #tpu.memory_space<vmem>>
    %dma_wait3A_623 = arith.constant 0 : i32
    %dma_wait3A_624 = arith.constant 0 : i32
    %dma_wait3A_625 = tpu.memref_slice %arg4[%add3A_563, %dma_wait3A_623, %dma_wait3A_624] : memref<16384x50x64xf32, #tpu.memory_space<hbm>> -> memref<1x50x64xf32, #tpu.memory_space<hbm>>
    %dma_wait3A_626 = tpu.memref_squeeze %dma_wait3A_625 : memref<1x50x64xf32, #tpu.memory_space<hbm>> -> memref<50x64xf32, #tpu.memory_space<hbm>>
    %dma_wait3A_627 = arith.constant 0 : i32
    %dma_wait3A_628 = arith.constant 0 : i32
    %dma_wait3A_629 = tpu.memref_slice %arg4[%add3A_563, %dma_wait3A_627, %dma_wait3A_628] : memref<16384x50x64xf32, #tpu.memory_space<hbm>> -> memref<1x50x64xf32, #tpu.memory_space<hbm>>
    %dma_wait3A_630 = tpu.memref_squeeze %dma_wait3A_629 : memref<1x50x64xf32, #tpu.memory_space<hbm>> -> memref<50x64xf32, #tpu.memory_space<hbm>>
    %dma_wait3A_631 = arith.constant 100 : i32
    %dma_wait3A_632 = arith.constant 0 : i32
    %dma_wait3A_633 = tpu.memref_slice %arg6[%dma_wait3A_618, %dma_wait3A_631, %dma_wait3A_632] : memref<4x400x64xf32, #tpu.memory_space<vmem>> -> memref<1x50x64xf32, #tpu.memory_space<vmem>>
    %dma_wait3A_634 = tpu.memref_squeeze %dma_wait3A_633 : memref<1x50x64xf32, #tpu.memory_space<vmem>> -> memref<50x64xf32, #tpu.memory_space<vmem>>
    tpu.wait_dma2 semaphore(%arg14 : memref<!tpu.dma_semaphore, #tpu.memory_space<semaphore_mem>>) src(%dma_wait3A_634 : memref<50x64xf32, #tpu.memory_space<vmem>>) dst(%dma_wait3A_630 : memref<50x64xf32, #tpu.memory_space<hbm>>)
    %dma_wait3A_635 = arith.constant 3 : i32
    %dma_wait3A_636 = arith.constant 150 : i32
    %dma_wait3A_637 = arith.constant 0 : i32
    %dma_wait3A_638 = tpu.memref_slice %arg6[%dma_wait3A_635, %dma_wait3A_636, %dma_wait3A_637] : memref<4x400x64xf32, #tpu.memory_space<vmem>> -> memref<1x50x64xf32, #tpu.memory_space<vmem>>
    %dma_wait3A_639 = tpu.memref_squeeze %dma_wait3A_638 : memref<1x50x64xf32, #tpu.memory_space<vmem>> -> memref<50x64xf32, #tpu.memory_space<vmem>>
    %dma_wait3A_640 = arith.constant 0 : i32
    %dma_wait3A_641 = arith.constant 0 : i32
    %dma_wait3A_642 = tpu.memref_slice %arg4[%add3A_567, %dma_wait3A_640, %dma_wait3A_641] : memref<16384x50x64xf32, #tpu.memory_space<hbm>> -> memref<1x50x64xf32, #tpu.memory_space<hbm>>
    %dma_wait3A_643 = tpu.memref_squeeze %dma_wait3A_642 : memref<1x50x64xf32, #tpu.memory_space<hbm>> -> memref<50x64xf32, #tpu.memory_space<hbm>>
    %dma_wait3A_644 = arith.constant 0 : i32
    %dma_wait3A_645 = arith.constant 0 : i32
    %dma_wait3A_646 = tpu.memref_slice %arg4[%add3A_567, %dma_wait3A_644, %dma_wait3A_645] : memref<16384x50x64xf32, #tpu.memory_space<hbm>> -> memref<1x50x64xf32, #tpu.memory_space<hbm>>
    %dma_wait3A_647 = tpu.memref_squeeze %dma_wait3A_646 : memref<1x50x64xf32, #tpu.memory_space<hbm>> -> memref<50x64xf32, #tpu.memory_space<hbm>>
    %dma_wait3A_648 = arith.constant 150 : i32
    %dma_wait3A_649 = arith.constant 0 : i32
    %dma_wait3A_650 = tpu.memref_slice %arg6[%dma_wait3A_635, %dma_wait3A_648, %dma_wait3A_649] : memref<4x400x64xf32, #tpu.memory_space<vmem>> -> memref<1x50x64xf32, #tpu.memory_space<vmem>>
    %dma_wait3A_651 = tpu.memref_squeeze %dma_wait3A_650 : memref<1x50x64xf32, #tpu.memory_space<vmem>> -> memref<50x64xf32, #tpu.memory_space<vmem>>
    tpu.wait_dma2 semaphore(%arg14 : memref<!tpu.dma_semaphore, #tpu.memory_space<semaphore_mem>>) src(%dma_wait3A_651 : memref<50x64xf32, #tpu.memory_space<vmem>>) dst(%dma_wait3A_647 : memref<50x64xf32, #tpu.memory_space<hbm>>)
    %dma_wait3A_652 = arith.constant 3 : i32
    %dma_wait3A_653 = arith.constant 200 : i32
    %dma_wait3A_654 = arith.constant 0 : i32
    %dma_wait3A_655 = tpu.memref_slice %arg6[%dma_wait3A_652, %dma_wait3A_653, %dma_wait3A_654] : memref<4x400x64xf32, #tpu.memory_space<vmem>> -> memref<1x50x64xf32, #tpu.memory_space<vmem>>
    %dma_wait3A_656 = tpu.memref_squeeze %dma_wait3A_655 : memref<1x50x64xf32, #tpu.memory_space<vmem>> -> memref<50x64xf32, #tpu.memory_space<vmem>>
    %dma_wait3A_657 = arith.constant 0 : i32
    %dma_wait3A_658 = arith.constant 0 : i32
    %dma_wait3A_659 = tpu.memref_slice %arg4[%add3A_571, %dma_wait3A_657, %dma_wait3A_658] : memref<16384x50x64xf32, #tpu.memory_space<hbm>> -> memref<1x50x64xf32, #tpu.memory_space<hbm>>
    %dma_wait3A_660 = tpu.memref_squeeze %dma_wait3A_659 : memref<1x50x64xf32, #tpu.memory_space<hbm>> -> memref<50x64xf32, #tpu.memory_space<hbm>>
    %dma_wait3A_661 = arith.constant 0 : i32
    %dma_wait3A_662 = arith.constant 0 : i32
    %dma_wait3A_663 = tpu.memref_slice %arg4[%add3A_571, %dma_wait3A_661, %dma_wait3A_662] : memref<16384x50x64xf32, #tpu.memory_space<hbm>> -> memref<1x50x64xf32, #tpu.memory_space<hbm>>
    %dma_wait3A_664 = tpu.memref_squeeze %dma_wait3A_663 : memref<1x50x64xf32, #tpu.memory_space<hbm>> -> memref<50x64xf32, #tpu.memory_space<hbm>>
    %dma_wait3A_665 = arith.constant 200 : i32
    %dma_wait3A_666 = arith.constant 0 : i32
    %dma_wait3A_667 = tpu.memref_slice %arg6[%dma_wait3A_652, %dma_wait3A_665, %dma_wait3A_666] : memref<4x400x64xf32, #tpu.memory_space<vmem>> -> memref<1x50x64xf32, #tpu.memory_space<vmem>>
    %dma_wait3A_668 = tpu.memref_squeeze %dma_wait3A_667 : memref<1x50x64xf32, #tpu.memory_space<vmem>> -> memref<50x64xf32, #tpu.memory_space<vmem>>
    tpu.wait_dma2 semaphore(%arg14 : memref<!tpu.dma_semaphore, #tpu.memory_space<semaphore_mem>>) src(%dma_wait3A_668 : memref<50x64xf32, #tpu.memory_space<vmem>>) dst(%dma_wait3A_664 : memref<50x64xf32, #tpu.memory_space<hbm>>)
    %dma_wait3A_669 = arith.constant 3 : i32
    %dma_wait3A_670 = arith.constant 250 : i32
    %dma_wait3A_671 = arith.constant 0 : i32
    %dma_wait3A_672 = tpu.memref_slice %arg6[%dma_wait3A_669, %dma_wait3A_670, %dma_wait3A_671] : memref<4x400x64xf32, #tpu.memory_space<vmem>> -> memref<1x50x64xf32, #tpu.memory_space<vmem>>
    %dma_wait3A_673 = tpu.memref_squeeze %dma_wait3A_672 : memref<1x50x64xf32, #tpu.memory_space<vmem>> -> memref<50x64xf32, #tpu.memory_space<vmem>>
    %dma_wait3A_674 = arith.constant 0 : i32
    %dma_wait3A_675 = arith.constant 0 : i32
    %dma_wait3A_676 = tpu.memref_slice %arg4[%add3A_575, %dma_wait3A_674, %dma_wait3A_675] : memref<16384x50x64xf32, #tpu.memory_space<hbm>> -> memref<1x50x64xf32, #tpu.memory_space<hbm>>
    %dma_wait3A_677 = tpu.memref_squeeze %dma_wait3A_676 : memref<1x50x64xf32, #tpu.memory_space<hbm>> -> memref<50x64xf32, #tpu.memory_space<hbm>>
    %dma_wait3A_678 = arith.constant 0 : i32
    %dma_wait3A_679 = arith.constant 0 : i32
    %dma_wait3A_680 = tpu.memref_slice %arg4[%add3A_575, %dma_wait3A_678, %dma_wait3A_679] : memref<16384x50x64xf32, #tpu.memory_space<hbm>> -> memref<1x50x64xf32, #tpu.memory_space<hbm>>
    %dma_wait3A_681 = tpu.memref_squeeze %dma_wait3A_680 : memref<1x50x64xf32, #tpu.memory_space<hbm>> -> memref<50x64xf32, #tpu.memory_space<hbm>>
    %dma_wait3A_682 = arith.constant 250 : i32
    %dma_wait3A_683 = arith.constant 0 : i32
    %dma_wait3A_684 = tpu.memref_slice %arg6[%dma_wait3A_669, %dma_wait3A_682, %dma_wait3A_683] : memref<4x400x64xf32, #tpu.memory_space<vmem>> -> memref<1x50x64xf32, #tpu.memory_space<vmem>>
    %dma_wait3A_685 = tpu.memref_squeeze %dma_wait3A_684 : memref<1x50x64xf32, #tpu.memory_space<vmem>> -> memref<50x64xf32, #tpu.memory_space<vmem>>
    tpu.wait_dma2 semaphore(%arg14 : memref<!tpu.dma_semaphore, #tpu.memory_space<semaphore_mem>>) src(%dma_wait3A_685 : memref<50x64xf32, #tpu.memory_space<vmem>>) dst(%dma_wait3A_681 : memref<50x64xf32, #tpu.memory_space<hbm>>)
    %dma_wait3A_686 = arith.constant 3 : i32
    %dma_wait3A_687 = arith.constant 300 : i32
    %dma_wait3A_688 = arith.constant 0 : i32
    %dma_wait3A_689 = tpu.memref_slice %arg6[%dma_wait3A_686, %dma_wait3A_687, %dma_wait3A_688] : memref<4x400x64xf32, #tpu.memory_space<vmem>> -> memref<1x50x64xf32, #tpu.memory_space<vmem>>
    %dma_wait3A_690 = tpu.memref_squeeze %dma_wait3A_689 : memref<1x50x64xf32, #tpu.memory_space<vmem>> -> memref<50x64xf32, #tpu.memory_space<vmem>>
    %dma_wait3A_691 = arith.constant 0 : i32
    %dma_wait3A_692 = arith.constant 0 : i32
    %dma_wait3A_693 = tpu.memref_slice %arg4[%add3A_579, %dma_wait3A_691, %dma_wait3A_692] : memref<16384x50x64xf32, #tpu.memory_space<hbm>> -> memref<1x50x64xf32, #tpu.memory_space<hbm>>
    %dma_wait3A_694 = tpu.memref_squeeze %dma_wait3A_693 : memref<1x50x64xf32, #tpu.memory_space<hbm>> -> memref<50x64xf32, #tpu.memory_space<hbm>>
    %dma_wait3A_695 = arith.constant 0 : i32
    %dma_wait3A_696 = arith.constant 0 : i32
    %dma_wait3A_697 = tpu.memref_slice %arg4[%add3A_579, %dma_wait3A_695, %dma_wait3A_696] : memref<16384x50x64xf32, #tpu.memory_space<hbm>> -> memref<1x50x64xf32, #tpu.memory_space<hbm>>
    %dma_wait3A_698 = tpu.memref_squeeze %dma_wait3A_697 : memref<1x50x64xf32, #tpu.memory_space<hbm>> -> memref<50x64xf32, #tpu.memory_space<hbm>>
    %dma_wait3A_699 = arith.constant 300 : i32
    %dma_wait3A_700 = arith.constant 0 : i32
    %dma_wait3A_701 = tpu.memref_slice %arg6[%dma_wait3A_686, %dma_wait3A_699, %dma_wait3A_700] : memref<4x400x64xf32, #tpu.memory_space<vmem>> -> memref<1x50x64xf32, #tpu.memory_space<vmem>>
    %dma_wait3A_702 = tpu.memref_squeeze %dma_wait3A_701 : memref<1x50x64xf32, #tpu.memory_space<vmem>> -> memref<50x64xf32, #tpu.memory_space<vmem>>
    tpu.wait_dma2 semaphore(%arg14 : memref<!tpu.dma_semaphore, #tpu.memory_space<semaphore_mem>>) src(%dma_wait3A_702 : memref<50x64xf32, #tpu.memory_space<vmem>>) dst(%dma_wait3A_698 : memref<50x64xf32, #tpu.memory_space<hbm>>)
    %dma_wait3A_703 = arith.constant 3 : i32
    %dma_wait3A_704 = arith.constant 350 : i32
    %dma_wait3A_705 = arith.constant 0 : i32
    %dma_wait3A_706 = tpu.memref_slice %arg6[%dma_wait3A_703, %dma_wait3A_704, %dma_wait3A_705] : memref<4x400x64xf32, #tpu.memory_space<vmem>> -> memref<1x50x64xf32, #tpu.memory_space<vmem>>
    %dma_wait3A_707 = tpu.memref_squeeze %dma_wait3A_706 : memref<1x50x64xf32, #tpu.memory_space<vmem>> -> memref<50x64xf32, #tpu.memory_space<vmem>>
    %dma_wait3A_708 = arith.constant 0 : i32
    %dma_wait3A_709 = arith.constant 0 : i32
    %dma_wait3A_710 = tpu.memref_slice %arg4[%add3A_583, %dma_wait3A_708, %dma_wait3A_709] : memref<16384x50x64xf32, #tpu.memory_space<hbm>> -> memref<1x50x64xf32, #tpu.memory_space<hbm>>
    %dma_wait3A_711 = tpu.memref_squeeze %dma_wait3A_710 : memref<1x50x64xf32, #tpu.memory_space<hbm>> -> memref<50x64xf32, #tpu.memory_space<hbm>>
    %dma_wait3A_712 = arith.constant 0 : i32
    %dma_wait3A_713 = arith.constant 0 : i32
    %dma_wait3A_714 = tpu.memref_slice %arg4[%add3A_583, %dma_wait3A_712, %dma_wait3A_713] : memref<16384x50x64xf32, #tpu.memory_space<hbm>> -> memref<1x50x64xf32, #tpu.memory_space<hbm>>
    %dma_wait3A_715 = tpu.memref_squeeze %dma_wait3A_714 : memref<1x50x64xf32, #tpu.memory_space<hbm>> -> memref<50x64xf32, #tpu.memory_space<hbm>>
    %dma_wait3A_716 = arith.constant 350 : i32
    %dma_wait3A_717 = arith.constant 0 : i32
    %dma_wait3A_718 = tpu.memref_slice %arg6[%dma_wait3A_703, %dma_wait3A_716, %dma_wait3A_717] : memref<4x400x64xf32, #tpu.memory_space<vmem>> -> memref<1x50x64xf32, #tpu.memory_space<vmem>>
    %dma_wait3A_719 = tpu.memref_squeeze %dma_wait3A_718 : memref<1x50x64xf32, #tpu.memory_space<vmem>> -> memref<50x64xf32, #tpu.memory_space<vmem>>
    tpu.wait_dma2 semaphore(%arg14 : memref<!tpu.dma_semaphore, #tpu.memory_space<semaphore_mem>>) src(%dma_wait3A_719 : memref<50x64xf32, #tpu.memory_space<vmem>>) dst(%dma_wait3A_715 : memref<50x64xf32, #tpu.memory_space<hbm>>)
    return
  }
}

</mosaic_0001>

<sc_bundles>
// kernel: kernel.3.cloned.1.call-start
scs
__scs_entry_jumppad:
0x0: {  	(pc) =	sbr.rel $0x88, $3  }
0x1: {  	(tag) =	ssettag $0x0;
	lr =	simm.s32 $0x1  }
0x2: {  	[smem:$0x3F9F] =	sst lr;
	_ =	strace $0xD0000000  }
0x3: {  	_ = 	snop  }
0x4: {  	_ = 	snop  }
0x5: {  	_ = 	snop  }
0x6: {  	_ = 	snop  }
0x7: {  	_ = 	snop  }
__scs_overlays_trampoline_lowered:
0x8: {  	[smem:$0x3FAE] =	sst s0  }
0x9: {  	[smem:$0x3FAF] =	sst s1  }
0xa: {  	[smem:$0x3FB0] =	sst s2  }
0xb: {  	[smem:$0x3FB1] =	sst s3  }
0xc: {  	[smem:$0x3FB2] =	sst s4  }
0xd: {  	[smem:$0x3FB3] =	sst s5  }
0xe: {  	[smem:$0x3FB4] =	sst s6  }
0xf: {  	[smem:$0x3FB5] =	sst s7  }
0x10: {  	[smem:$0x3FB6] =	sst s8  }
0x11: {  	[smem:$0x3FB7] =	sst s9;
	s0 =	simm.s32 @!p0 $0x0  }
0x12: {  	s1 =	sld [smem:$0x3F9D];
	s0 =	simm.s32 @p0 $0x1  }
0x13: {  	[smem:$0x3FB8] =	sst s0;
	s0 =	simm.s32 @!p1 $0x0  }
0x14: {  	s2 =	sld [smem:$0x3F9C];
	s0 =	simm.s32 @p1 $0x1  }
0x15: {  	[smem:$0x3FB9] =	sst s0;
	s0 =	simm.s32 @!p2 $0x0  }
0x16: {  	s3 =	sld [smem:$0x3FDB];
	s0 =	simm.s32 @p2 $0x1  }
0x17: {  	s4 =	simm.s32 $0x1BF5;
	[smem:$0x3FBB] =	sst s0  }
0x18: {  	s0 =	sld [smem:$0x3F9E];
	_ =	swait.ge [sflag:s4], $0x0  }
0x19: {  	s7 =	sld [smem:$0x3F9F]  }
0x1a: {  	s8 =	sadd.s32 $0xFFFFE003, lr  }
0x1b: {  	s9 =	sadd.s32 $0xFFFFFEF7, lr;
	s5 =	simm.s32 $0xFFFFFFFF;
	p2 =	slt.u32 s8, $0xFFFFF086  }
0x1c: {  	p1 =	slt.u32 s9, $0xF7A;
	s5 =	simm.s32 @!p2 $0x0  }
0x1d: {  	s5 =	simm.s32 @p1 $0x1;
	p0 =	seq.s32 s7, s2  }
0x1e: {  	s7 =	smul.u32 @!p0 $0xF7A, s2;
	p2 =	seq.s32 @!p0 s5, $0x0  }
0x1f: {  	s9 =	smul.u32 $0xF7A, s1;
	s8 =	simm.s32 @!p0 $0x1BF5;
	p2 =	por !p2, p0  }
0x20: {  	[sflag:s8] =	ssyncset.s32 @!p0 $0xFFFFF086;
	s6 =	sadd.s32 @!p0 s3, s7;
	s7 =	simm.s32 @!p0 $0x108  }
0x21: {  	s3 =	sadd.s32 s3, s9;
	s6 =	sadd.s32 @!p0 $0x88, s6;
	s7 =	simm.s32 @p2 $0x1082  }
0x22: {  	[simem:s7], [sflag:s8] =	dma.local @!p0 [hbm:s6], $0xF7A  }
0x23: {  	s9 =	sor.u32 $0xD0000000, s2;
	s6 =	simm.s32 $0x108;
	_ =	swait.ge @!p0 [sflag:s8], $0x0  }
0x24: {  	s3 =	sadd.s32 $0x88, s3;
	s6 =	simm.s32 @!p1 $0x1082;
	[sflag:s4] =	ssyncset.s32 $0xFFFFF086  }
0x25: {  	[simem:s6], [sflag:s4] =	dma.local [hbm:s3], $0xF7A  }
0x26: {  	[smem:$0x3F9F] =	sst s1;
	(tag) =	ssettag s2;
	_ =	strace s9  }
0x27: {  	s1 =	sld [smem:$0x3FAF]  }
0x28: {  	s2 =	sld [smem:$0x3FB0]  }
0x29: {  	s4 =	sld [smem:$0x3FB2]  }
0x2a: {  	p0 =	seq.s32 s5, $0x0;
	s5 =	sld [smem:$0x3FB3]  }
0x2b: {  	s6 =	sld [smem:$0x3FB4]  }
0x2c: {  	s7 =	sld [smem:$0x3FB5]  }
0x2d: {  	s3 =	simm.s32 $0x108;
	s8 =	sld [smem:$0x3FB6]  }
0x2e: {  	s3 =	simm.s32 @!p0 $0x1082;
	s9 =	sld [smem:$0x3FB7]  }
0x2f: {  	lr =	sadd.s32 s0, s3;
	s0 =	sld [smem:$0x3FAE]  }
0x30: {  	s3 =	sld [smem:$0x3FB1]  }
0x31: {  	[smem:$0x3FBA] =	sst s10  }
0x32: {  	s10 =	sld [smem:$0x3FB8];
	_ =	sdelay $0x3  }
0x33: {  	p0 =	seq.s32 s10, $0x1;
	s10 =	sld [smem:$0x3FBA];
	_ =	sdelay $0x3  }
0x34: {  	[smem:$0x3FBA] =	sst s10  }
0x35: {  	s10 =	sld [smem:$0x3FB9];
	_ =	sdelay $0x3  }
0x36: {  	p1 =	seq.s32 s10, $0x1;
	s10 =	sld [smem:$0x3FBA];
	_ =	sdelay $0x3  }
0x37: {  	[smem:$0x3FBA] =	sst s10  }
0x38: {  	s10 =	sld [smem:$0x3FBB]  }
0x39: {  	_ = 	snop;
	(pc) =	sbr.ind lr, $3  }
0x3a: {  	_ = 	snop  }
0x3b: {  	_ = 	snop  }
0x3c: {  	p2 =	seq.s32 s10, $0x1;
	s10 =	sld [smem:$0x3FBA]  }
0x3d: {  	_ =	shalt  }
0x3e: {  	_ =	shalt  }
0x3f: {  	_ =	shalt  }
0x40: {  	_ =	shalt  }
0x41: {  	_ =	shalt  }
0x42: {  	_ =	shalt  }
0x43: {  	_ =	shalt  }
0x44: {  	_ =	shalt  }
0x45: {  	_ =	shalt  }
0x46: {  	_ =	shalt  }
0x47: {  	_ =	shalt  }
0x48: {  	_ =	shalt  }
0x49: {  	_ =	shalt  }
0x4a: {  	_ =	shalt  }
0x4b: {  	_ =	shalt  }
0x4c: {  	_ =	shalt  }
0x4d: {  	_ =	shalt  }
0x4e: {  	_ =	shalt  }
0x4f: {  	_ =	shalt  }
0x50: {  	_ =	shalt  }
0x51: {  	_ =	shalt  }
0x52: {  	_ =	shalt  }
0x53: {  	_ =	shalt  }
0x54: {  	_ =	shalt  }
0x55: {  	_ =	shalt  }
0x56: {  	_ =	shalt  }
0x57: {  	_ =	shalt  }
0x58: {  	_ =	shalt  }
0x59: {  	_ =	shalt  }
0x5a: {  	_ =	shalt  }
0x5b: {  	_ =	shalt  }
0x5c: {  	_ =	shalt  }
0x5d: {  	_ =	shalt  }
0x5e: {  	_ =	shalt  }
0x5f: {  	_ =	shalt  }
0x60: {  	_ =	shalt  }
0x61: {  	_ =	shalt  }
0x62: {  	_ =	shalt  }
0x63: {  	_ =	shalt  }
0x64: {  	_ =	shalt  }
0x65: {  	_ =	shalt  }
0x66: {  	_ =	shalt  }
0x67: {  	_ =	shalt  }
0x68: {  	_ =	shalt  }
0x69: {  	_ =	shalt  }
0x6a: {  	_ =	shalt  }
0x6b: {  	_ =	shalt  }
0x6c: {  	_ =	shalt  }
0x6d: {  	_ =	shalt  }
0x6e: {  	_ =	shalt  }
0x6f: {  	_ =	shalt  }
0x70: {  	_ =	shalt  }
0x71: {  	_ =	shalt  }
0x72: {  	_ =	shalt  }
0x73: {  	_ =	shalt  }
0x74: {  	_ =	shalt  }
0x75: {  	_ =	shalt  }
0x76: {  	_ =	shalt  }
0x77: {  	_ =	shalt  }
0x78: {  	_ =	shalt  }
0x79: {  	_ =	shalt  }
0x7a: {  	_ =	shalt  }
0x7b: {  	_ =	shalt  }
0x7c: {  	_ =	shalt  }
0x7d: {  	_ =	shalt  }
0x7e: {  	_ =	shalt  }
0x7f: {  	_ =	shalt  }
0x80: {  	_ =	shalt  }
0x81: {  	_ =	shalt  }
0x82: {  	_ =	shalt  }
0x83: {  	_ =	shalt  }
0x84: {  	_ =	shalt  }
0x85: {  	_ =	shalt  }
0x86: {  	_ =	shalt  }
0x87: {  	_ =	shalt  }
.Lfunc_end0:
.L_simem_size_0:
called_computation.1_lowered:
.L_overlay_start_0:
0x88: {  	s2 =	sld [smem:$0x3FD9]  }
0x89: {  	s3 =	sld [smem:$0x3FFE];
	_ =	sdelay $0x1  }
0x8a: {  	s1 =	srdreg.scid  }
0x8b: {  	s0 =	sand.u32 $0x1, s1  }
0x8c: {  	s17 =	sshll.u32 s0, $0xA;
	s2 =	sadd.s32 s3, s2  }
0x8d: {  	s2 =	sadd.s32 s2, s17  }
0x8e: {  	[smem:$0x3FC6] =	sst s2  }
0x8f: {  	_ = 	snop  }
0x90: {  	s2 =	sld [smem:$0x3FD0];
	(tm) =	ssettm $0x1  }
0x91: {  	s18 =	sld [smem:$0x3FFB];
	_ =	sdelay $0x3  }
0x92: {  	_ =	strace s18  }
0x93: {  	s3 =	sld [smem:$0x3FFC];
	_ =	sdelay $0x3  }
0x94: {  	_ =	strace s3  }
0x95: {  	s3 =	sld [smem:$0x3FFD];
	_ =	sdelay $0x3  }
0x96: {  	_ =	strace s3  }
0x97: {  	_ =	strace $0x8FFFFFFF  }
0x98: {  	s19 =	sld [smem:$0x3FDB];
	_ =	sdelay $0x1  }
0x99: {  	s4 =	simm.s32 $_scs_section_size  }
0x9a: {  	s5 =	simm.s32 $_size__tile_overlayer_lowered;
	s6 =	simm.s32 $_tile_overlayer_lowered  }
0x9b: {  	s22 =	simm.s32 $0x1BFF;
	s21 =	sshll.u32 s6, $0x1;
	s3 =	sadd.s32 s4, s19  }
0x9c: {  	s7 =	simm.s32 $0x0;
	s20 =	sshll.u32 s5, $0x1;
	s5 =	sadd.s32 s21, s3  }
0x9d: {  	[timem:s7], [sflag:s22] =	dma.local [hbm:s5], s20  }
0x9e: {  	_ =	swait.ge [sflag:s22], s20  }
0x9f: {  	s4 =	ssub.s32 $0x0, s20;
	[sflag:s22] =	ssyncset.done $0x0  }
0xa0: {  	[sflag:s22] =	ssyncadd.s32 s4;
	_ =	sdelay $0x1  }
0xa1: {  	s23 =	simm.s32 $0x1B8B  }
0xa2: {  	_ =	swait.ge [sflag:s23], $0x1  }
0xa3: {  	[sflag:s23] =	ssyncset.done $0x0  }
0xa4: {  	s25 =	simm.s32 $0x1B8E;
	s24 =	sld [smem:$0x3FFE];
	[sflag:s23] =	ssyncadd.s32 $0xFFFFFFFF  }
0xa5: {  	s26 =	simm.s32 $execute0_lowered;
	[smem:$0x3FD2] =	sst s25  }
0xa6: {  	s5 =	sshll.u32 s26, $0x1;
	_ =	strace $0x80000046;
	[dreg:$0x1] =	wrdreg $0xFFFFFFFF  }
0xa7: {  	s28 =	simm.s32 $_size_execute0_lowered;
	s3 =	sadd.s32 s3, s5;
	[dreg:$0x0] =	wrdreg $0x0  }
0xa8: {  	s5 =	sshll.u32 s28, $0x1;
	[dreg:$0x2] =	wrdreg s3  }
0xa9: {  	[dreg:$0x3] =	wrdreg s5  }
0xaa: {  	[dreg:$0x4] =	wrdreg $0xC0  }
0xab: {  	_ =	task [dreg:s7], $0x5FFFF  }
0xac: {  	[dreg:$0x1] =	wrdreg $0xFFFFFFFF  }
0xad: {  	[dreg:$0x0] =	wrdreg $0x60  }
0xae: {  	[dreg:$0x2] =	wrdreg s24  }
0xaf: {  	[dreg:$0x3] =	wrdreg s2  }
0xb0: {  	[dreg:$0x4] =	wrdreg $0x9  }
0xb1: {  	_ =	task.clear_ibuf [dreg:s7], $0x5FFFF;
	_ =	strace $0x90000046  }
0xb2: {  	s29 =	simm.s32 $0x9;
	_ =	strace $0x80000048  }
0xb3: {  	_ =	swait.ge [sflag:s29], $0x1  }
0xb4: {  	[sflag:s29] =	ssyncadd.s32 $0xFFFFFFFF  }
0xb5: {  	_ =	strace $0x90000048  }
0xb6: {  	_ =	sfence  }
0xb7: {  	s30 =	sld [smem:$0x0];
	_ =	sdelay $0x2  }
0xb8: {  	s31 =	sshll.u32 s1, $0xD;
	s1 =	sshrl.u32 s1, $0x2  }
0xb9: {  	s3 =	sand.u32 $0x4000, s31;
	s1 =	sadd.s32 s1, s30  }
0xba: {  	s0 =	sor.u32 s3, s0;
	s1 =	sshll.u32 s1, $0x11  }
0xbb: {  	s0 =	sor.u32 s1, s0  }
0xbc: {  	s0 =	sadd.s32 $0x8F2B, s0  }
0xbd: {  	[sflag:s0] =	ssyncadd.remote.s32 $0x1  }
0xbe: {  	_ =	sfence.sel $0xFFFF  }
0xbf: {  	[dreg:$0x0] =	wrdreg $0xFFFFFFFF;
	(pc) =	sbr.abs _section_cstart, $3  }
0xc0: {  	[dreg:$0x1] =	wrdreg $0xFFFFFFFF  }
0xc1: {  	_ =	task.clear_ibuf [dreg:s7], $0x2FFFF;
	_ =	strace $0x9FFFFFFF  }
0xc2: {  	(tm) =	ssettm $0x7FFFFFFF  }
0xc3: {  	_ =	shalt  }
tec
execute0_lowered:
.L_overlay_start_1:
0x0: {  	(tag) =	ssettag $0x1  }
0x1: {  	s9 =	stileid.u32  }
0x2: {  	s0 =	srdreg.scid;
	s1 =	simm.s32 $0x0;
	s2 =	smul.u32 $0x320000, s9  }
0x3: {  	s5 =	sand.u32 $0x1, s0;
	s0 =	rddreg [dreg:$0x1];
	s21 =	smul.u32 $0x64000, s9  }
0x4: {  	s4 =	sshll.u32 s9, $0x1;
	[smem:$0x7FF] =	sst s1;
	s3 =	smul.u32 $0x190000, s5  }
0x5: {  	s6 =	sor.u32 s5, s4;
	s12 =	ssub.s32 $0x2, s5;
	s5 =	smul.u32 $0x32000, s5  }
0x6: {  	s7 =	sshrl.u32 s12, $0x1;
	s4 =	sadd.s32 s3, s2;
	s2 =	smul.u32 $0xC80, s6  }
0x7: {  	s3 =	ssub.s32 s12, s7;
	s13 =	sadd.s32 $0x11F80, s4;
	s8 =	sadd.s32 $0x11300, s4  }
0x8: {  	s15 =	sadd.s32 $0x10680, s4;
	s16 =	sor.u32 $0xFA00, s4;
	s17 =	sor.u32 $0xED80, s4  }
0x9: {  	s20 =	sor.u32 $0xE100, s4;
	s22 =	sor.u32 $0xD480, s4;
	s24 =	sor.u32 $0xBB80, s4  }
0xa: {  	s25 =	sor.u32 $0xAF00, s4;
	s26 =	sor.u32 $0xA280, s4;
	s11 =	sor.u32 $0x9600, s4  }
0xb: {  	s12 =	sor.u32 $0x8980, s4;
	s6 =	sshrl.u32 s13, $0x3;
	s14 =	sshrl.u32 s8, $0x3  }
0xc: {  	s7 =	sshrl.u32 s16, $0x3;
	s19 =	sshrl.u32 s17, $0x3;
	s23 =	sshrl.u32 s22, $0x3  }
0xd: {  	s8 =	sshrl.u32 s25, $0x3;
	s9 =	sshrl.u32 s26, $0x3;
	s17 =	sor.u32 $0x7080, s4  }
0xe: {  	s22 =	sor.u32 $0x3E80, s4;
	s6 =	sadd.s32 s6, s0;
	s18 =	sadd.s32 s7, s0  }
0xf: {  	s7 =	sadd.s32 s21, s0;
	s10 =	sadd.s32 s9, s0;
	[dreg:$0x3] =	wrdreg s6  }
0x10: {  	s6 =	sadd.s32 s14, s0;
	[dreg:$0x6] =	wrdreg s18;
	s5 =	sadd.s32 s5, s7  }
0x11: {  	[dreg:$0xd] =	wrdreg s10;
	s14 =	sor.u32 $0x7D00, s4;
	s18 =	sor.u32 $0x5780, s4  }
0x12: {  	s7 =	sadd.s32 $0x18380, s4;
	[dreg:$0x4] =	wrdreg s6;
	s6 =	sshrl.u32 s15, $0x3  }
0x13: {  	[dreg:$0xa] =	wrdreg s5;
	s5 =	sshrl.u32 s24, $0x3;
	s15 =	sshrl.u32 s12, $0x3  }
0x14: {  	s16 =	sshrl.u32 s14, $0x3;
	s24 =	sor.u32 $0x2580, s4;
	s9 =	sshrl.u32 s7, $0x3  }
0x15: {  	s12 =	sadd.s32 $0x15E00, s4;
	s6 =	sadd.s32 s6, s0;
	s5 =	sadd.s32 s5, s0  }
0x16: {  	s14 =	sadd.s32 s15, s0;
	s15 =	sadd.s32 s16, s0;
	[dreg:$0x5] =	wrdreg s6  }
0x17: {  	s26 =	sshrl.u32 s24, $0x3;
	s6 =	sadd.s32 s19, s0;
	[dreg:$0xb] =	wrdreg s5  }
0x18: {  	s5 =	sadd.s32 s8, s0;
	s19 =	sor.u32 $0x4B00, s4;
	[dreg:$0x7] =	wrdreg s6  }
0x19: {  	s8 =	sadd.s32 $0x17700, s4;
	s6 =	sshrl.u32 s20, $0x3;
	[dreg:$0xc] =	wrdreg s5  }
0x1a: {  	s5 =	sshrl.u32 s11, $0x3;
	s20 =	sshrl.u32 s18, $0x3;
	s21 =	sshrl.u32 s19, $0x3  }
0x1b: {  	s10 =	sshrl.u32 s8, $0x3;
	s11 =	sadd.s32 $0x16A80, s4;
	s6 =	sadd.s32 s6, s0  }
0x1c: {  	s13 =	sadd.s32 s5, s0;
	s5 =	sshrl.u32 s17, $0x3;
	s17 =	sadd.s32 s20, s0  }
0x1d: {  	s18 =	sadd.s32 s21, s0;
	s24 =	sadd.s32 s10, s0;
	s10 =	rddreg [dreg:$0x0]  }
0x1e: {  	s21 =	sadd.s32 s26, s0;
	s26 =	sadd.s32 $0x15180, s4;
	[dreg:$0x8] =	wrdreg s6  }
0x1f: {  	s6 =	sadd.s32 s23, s0;
	s16 =	sadd.s32 s5, s0;
	s5 =	sshrl.u32 s22, $0x3  }
0x20: {  	s23 =	sor.u32 $0x3200, s4;
	s8 =	sshrl.u32 s26, $0x3;
	s29 =	sadd.s32 $0xF42E00, s10  }
0x21: {  	[dreg:$0x9] =	wrdreg s6;
	s19 =	sadd.s32 s5, s0;
	s25 =	sshrl.u32 s23, $0x3  }
0x22: {  	s6 =	sor.u32 $0x1900, s4;
	s23 =	sadd.s32 s9, s0;
	s28 =	sadd.s32 s8, s0  }
0x23: {  	s9 =	sadd.s32 $0x14500, s4;
	s4 =	sadd.s32 $0x13880, s4;
	s20 =	sadd.s32 s25, s0  }
0x24: {  	s5 =	sshrl.u32 s6, $0x3;
	s6 =	sshrl.u32 s12, $0x3;
	s4 =	sshrl.u32 s4, $0x3  }
0x25: {  	_ =	strace $0x80000047;
	s12 =	smax.u32 s3, $0x1;
	s3 =	simm.s32 $0x2  }
0x26: {  	s22 =	sadd.s32 s5, s0;
	s5 =	sshrl.u32 s11, $0x3;
	s26 =	sadd.s32 s6, s0  }
.Ltmp0:
0x27: {  	s31 =	sadd.s32 s4, s0;
	s11 =	sadd.s32 s2, s10;
	(pc) =	sbr.rel .LBB2_1-.Ltmp0, $4  }
0x28: {  	[dreg:$0xf] =	wrdreg s12;
	s2 =	simm.s32 $0x1;
	s4 =	simm.s32 $0x3  }
0x29: {  	s6 =	simm.s32 $0x7;
	s25 =	sadd.s32 s5, s0;
	s5 =	sshrl.u32 s9, $0x3  }
0x2a: {  	s9 =	simm.s32 $0x0;
	s30 =	sadd.s32 s5, s0;
	s0 =	sadd.s32 $0xA00, s11  }
0x2b: {  	s5 =	simm.s32 $0x4;
	[dreg:$0xe] =	wrdreg s0;
	s0 =	simm.s32 $0x12C00  }
.LBB2_4:
0x2c: {  	s7 =	simm.s32 $0x5  }
0x2d: {  	_ =	swait.ge [sflag:s7], $0xC80  }
0x2e: {  	[sflag:s7] =	ssyncset.done $0x0  }
0x2f: {  	[sflag:s7] =	ssyncadd.s32 $0xFFFFF380  }
0x30: {  	_ =	swait.ge [sflag:s7], $0xC80  }
0x31: {  	[sflag:s7] =	ssyncset.done $0x0  }
0x32: {  	[sflag:s7] =	ssyncadd.s32 $0xFFFFF380  }
0x33: {  	_ =	swait.ge [sflag:s7], $0xC80  }
0x34: {  	[sflag:s7] =	ssyncset.done $0x0  }
0x35: {  	[sflag:s7] =	ssyncadd.s32 $0xFFFFF380  }
0x36: {  	_ =	swait.ge [sflag:s7], $0xC80  }
0x37: {  	[sflag:s7] =	ssyncset.done $0x0  }
0x38: {  	[sflag:s7] =	ssyncadd.s32 $0xFFFFF380  }
0x39: {  	_ =	swait.ge [sflag:s7], $0xC80  }
0x3a: {  	[sflag:s7] =	ssyncset.done $0x0  }
0x3b: {  	[sflag:s7] =	ssyncadd.s32 $0xFFFFF380  }
0x3c: {  	_ =	swait.ge [sflag:s7], $0xC80  }
0x3d: {  	[sflag:s7] =	ssyncset.done $0x0  }
0x3e: {  	[sflag:s7] =	ssyncadd.s32 $0xFFFFF380  }
0x3f: {  	_ =	swait.ge [sflag:s7], $0xC80  }
0x40: {  	[sflag:s7] =	ssyncset.done $0x0  }
0x41: {  	[sflag:s7] =	ssyncadd.s32 $0xFFFFF380  }
0x42: {  	_ =	swait.ge [sflag:s7], $0xC80  }
0x43: {  	[sflag:s7] =	ssyncset.done $0x0  }
0x44: {  	s11 =	simm.s32 $0x6;
	[sflag:s7] =	ssyncadd.s32 $0xFFFFF380  }
0x45: {  	_ =	swait.ge [sflag:s11], $0xC80  }
0x46: {  	[sflag:s11] =	ssyncset.done $0x0  }
0x47: {  	[sflag:s11] =	ssyncadd.s32 $0xFFFFF380  }
0x48: {  	_ =	swait.ge [sflag:s11], $0xC80  }
0x49: {  	[sflag:s11] =	ssyncset.done $0x0  }
0x4a: {  	[sflag:s11] =	ssyncadd.s32 $0xFFFFF380  }
0x4b: {  	_ =	swait.ge [sflag:s11], $0xC80  }
0x4c: {  	[sflag:s11] =	ssyncset.done $0x0  }
0x4d: {  	[sflag:s11] =	ssyncadd.s32 $0xFFFFF380  }
0x4e: {  	_ =	swait.ge [sflag:s11], $0xC80  }
0x4f: {  	[sflag:s11] =	ssyncset.done $0x0  }
0x50: {  	[sflag:s11] =	ssyncadd.s32 $0xFFFFF380  }
0x51: {  	_ =	swait.ge [sflag:s11], $0xC80  }
0x52: {  	[sflag:s11] =	ssyncset.done $0x0  }
0x53: {  	[sflag:s11] =	ssyncadd.s32 $0xFFFFF380  }
0x54: {  	_ =	swait.ge [sflag:s11], $0xC80  }
0x55: {  	[sflag:s11] =	ssyncset.done $0x0  }
0x56: {  	[sflag:s11] =	ssyncadd.s32 $0xFFFFF380  }
0x57: {  	_ =	swait.ge [sflag:s11], $0xC80  }
0x58: {  	[sflag:s11] =	ssyncset.done $0x0  }
0x59: {  	[sflag:s11] =	ssyncadd.s32 $0xFFFFF380  }
0x5a: {  	_ =	swait.ge [sflag:s11], $0xC80  }
0x5b: {  	[sflag:s11] =	ssyncset.done $0x0  }
0x5c: {  	[sflag:s11] =	ssyncadd.s32 $0xFFFFF380  }
0x5d: {  	_ =	swait.ge [sflag:s6], $0xC80  }
0x5e: {  	[sflag:s6] =	ssyncset.done $0x0  }
0x5f: {  	[sflag:s6] =	ssyncadd.s32 $0xFFFFF380  }
0x60: {  	_ =	swait.ge [sflag:s6], $0xC80  }
0x61: {  	[sflag:s6] =	ssyncset.done $0x0  }
0x62: {  	[sflag:s6] =	ssyncadd.s32 $0xFFFFF380  }
0x63: {  	_ =	swait.ge [sflag:s6], $0xC80  }
0x64: {  	[sflag:s6] =	ssyncset.done $0x0  }
0x65: {  	[sflag:s6] =	ssyncadd.s32 $0xFFFFF380  }
0x66: {  	_ =	swait.ge [sflag:s6], $0xC80  }
0x67: {  	[sflag:s6] =	ssyncset.done $0x0  }
0x68: {  	[sflag:s6] =	ssyncadd.s32 $0xFFFFF380  }
0x69: {  	_ =	swait.ge [sflag:s6], $0xC80  }
0x6a: {  	[sflag:s6] =	ssyncset.done $0x0  }
0x6b: {  	[sflag:s6] =	ssyncadd.s32 $0xFFFFF380  }
0x6c: {  	_ =	swait.ge [sflag:s6], $0xC80  }
0x6d: {  	[sflag:s6] =	ssyncset.done $0x0  }
0x6e: {  	[sflag:s6] =	ssyncadd.s32 $0xFFFFF380  }
0x6f: {  	_ =	swait.ge [sflag:s6], $0xC80  }
0x70: {  	[sflag:s6] =	ssyncset.done $0x0  }
0x71: {  	[sflag:s6] =	ssyncadd.s32 $0xFFFFF380  }
0x72: {  	_ =	swait.ge [sflag:s6], $0xC80  }
0x73: {  	[sflag:s6] =	ssyncset.done $0x0  }
0x74: {  	s8 =	simm.s32 $0x8;
	[sflag:s6] =	ssyncadd.s32 $0xFFFFF380  }
0x75: {  	_ =	swait.ge [sflag:s8], $0xC80  }
0x76: {  	[sflag:s8] =	ssyncset.done $0x0  }
0x77: {  	[sflag:s8] =	ssyncadd.s32 $0xFFFFF380  }
0x78: {  	_ =	swait.ge [sflag:s8], $0xC80  }
0x79: {  	[sflag:s8] =	ssyncset.done $0x0  }
0x7a: {  	[sflag:s8] =	ssyncadd.s32 $0xFFFFF380  }
0x7b: {  	_ =	swait.ge [sflag:s8], $0xC80  }
0x7c: {  	[sflag:s8] =	ssyncset.done $0x0  }
0x7d: {  	[sflag:s8] =	ssyncadd.s32 $0xFFFFF380  }
0x7e: {  	_ =	swait.ge [sflag:s8], $0xC80  }
0x7f: {  	[sflag:s8] =	ssyncset.done $0x0  }
0x80: {  	[sflag:s8] =	ssyncadd.s32 $0xFFFFF380  }
0x81: {  	_ =	swait.ge [sflag:s8], $0xC80  }
0x82: {  	[sflag:s8] =	ssyncset.done $0x0  }
0x83: {  	[sflag:s8] =	ssyncadd.s32 $0xFFFFF380  }
0x84: {  	_ =	swait.ge [sflag:s8], $0xC80  }
0x85: {  	[sflag:s8] =	ssyncset.done $0x0  }
0x86: {  	[sflag:s8] =	ssyncadd.s32 $0xFFFFF380  }
0x87: {  	_ =	swait.ge [sflag:s8], $0xC80  }
0x88: {  	[sflag:s8] =	ssyncset.done $0x0  }
0x89: {  	[sflag:s8] =	ssyncadd.s32 $0xFFFFF380  }
0x8a: {  	_ =	swait.ge [sflag:s8], $0xC80  }
0x8b: {  	s9 =	rddreg [dreg:$0x10]  }
0x8c: {  	s12 =	rddreg [dreg:$0xf];
	s9 =	sadd.s32 $0x1, s9  }
0x8d: {  	p0 =	sne.s32 s9, s12  }
.Ltmp1:
0x8e: {  	_ = 	snop;
	(pc) =	sbr.rel @!p0 .LBB2_5-.Ltmp1, $3  }
0x8f: {  	_ =	sdelay $0x1  }
0x90: {  	[sflag:s8] =	ssyncset.done $0x0  }
0x91: {  	[sflag:s8] =	ssyncadd.s32 $0xFFFFF380  }
.LBB2_1:
0x92: {  	[dreg:$0x10] =	wrdreg s9  }
0x93: {  	s7 =	rddreg [dreg:$0xe];
	s8 =	simm.s32 $0x9  }
0x94: {  	[tilespmem:s1], [sflag:$0x9] =	stream.linear.gather [hbm4b:s7+s1], $0x6400, $0x38;
	[tilespmem:$0x1F400] =	vst v63  }
0x95: {  	_ =	swait.ge [sflag:s8], $0x6400  }
0x96: {  	[sflag:s8] =	ssyncset.done $0x0  }
0x97: {  	s7 =	simm.s32 $0x190;
	[sflag:s8] =	ssyncadd.s32 $0xFFFF9C00;
	s8 =	simm.s32 $0x6400  }
0x98: {  	[tilespmem:s8], [sflag:$0x1] =	stream.indirect.gather [hbm4b:s29+s7], $0x40, s1, s7, $0xb8;
	[tilespmem:$0x1F400] =	vst v63  }
0x99: {  	s9 =	simm.s32 $0xC800  }
0x9a: {  	[tilespmem:s9], [sflag:$0x2] =	stream.indirect.gather [hbm4b:s29+s7], $0x40, s7, s7, $0xb8;
	[tilespmem:$0x1F400] =	vst v63  }
0x9b: {  	s10 =	simm.s32 $0x320  }
0x9c: {  	[tilespmem:s0], [sflag:$0x3] =	stream.indirect.gather [hbm4b:s29+s7], $0x40, s10, s7, $0xb8;
	[tilespmem:$0x1F400] =	vst v63  }
0x9d: {  	s11 =	simm.s32 $0x4B0;
	s12 =	simm.s32 $0x19000  }
0x9e: {  	[tilespmem:s12], [sflag:$0x4] =	stream.indirect.gather [hbm4b:s29+s7], $0x40, s11, s7, $0xb8;
	[tilespmem:$0x1F400] =	vst v63  }
0x9f: {  	s8 =	simm.s32 $0x0;
	s7 =	simm.s32 $0x960  }
.LBB2_2:
0xa0: {  	_ =	swait.ge [sflag:s2], $0x6400  }
0xa1: {  	[sflag:s2] =	ssyncset.done $0x0;
	s9 =	rddreg [dreg:$0xa]  }
0xa2: {  	s10 =	simm.s32 $0x6400;
	[sflag:s2] =	ssyncadd.s32 $0xFFFF9C00;
	s9 =	sadd.s32 s8, s9  }
0xa3: {  	[hbm4b:s9+s1] =	stream.linear.scatter [tilespmem:s10], [sflag:$0x5], $0xC80, $0x38;
	[tilespmem:$0x1F400] =	vst v63  }
0xa4: {  	s11 =	simm.s32 $0x7080;
	s12 =	sadd.s32 $0x190, s9  }
0xa5: {  	[hbm4b:s12+s1] =	stream.linear.scatter [tilespmem:s11], [sflag:$0x5], $0xC80, $0x38;
	[tilespmem:$0x1F400] =	vst v63  }
0xa6: {  	s11 =	sadd.s32 s8, s22;
	s12 =	simm.s32 $0x7D00  }
0xa7: {  	[hbm4b:s11+s1] =	stream.linear.scatter [tilespmem:s12], [sflag:$0x5], $0xC80, $0x38;
	[tilespmem:$0x1F400] =	vst v63  }
0xa8: {  	s11 =	sadd.s32 s8, s21;
	s12 =	simm.s32 $0x8980  }
0xa9: {  	[hbm4b:s11+s1] =	stream.linear.scatter [tilespmem:s12], [sflag:$0x5], $0xC80, $0x38;
	[tilespmem:$0x1F400] =	vst v63  }
0xaa: {  	s11 =	sadd.s32 s8, s20;
	s12 =	simm.s32 $0x9600  }
0xab: {  	[hbm4b:s11+s1] =	stream.linear.scatter [tilespmem:s12], [sflag:$0x5], $0xC80, $0x38;
	[tilespmem:$0x1F400] =	vst v63  }
0xac: {  	s11 =	sadd.s32 s8, s19;
	s12 =	simm.s32 $0xA280  }
0xad: {  	[hbm4b:s11+s1] =	stream.linear.scatter [tilespmem:s12], [sflag:$0x5], $0xC80, $0x38;
	[tilespmem:$0x1F400] =	vst v63  }
0xae: {  	p0 =	seq.s32 s8, $0x0;
	s11 =	sadd.s32 s8, s18;
	s12 =	simm.s32 $0xAF00  }
0xaf: {  	[hbm4b:s11+s1] =	stream.linear.scatter [tilespmem:s12], [sflag:$0x5], $0xC80, $0x38;
	[tilespmem:$0x1F400] =	vst v63  }
0xb0: {  	s10 =	simm.s32 @!p0 $0x8;
	s11 =	sadd.s32 s8, s17;
	s12 =	simm.s32 $0xBB80  }
0xb1: {  	[hbm4b:s11+s1] =	stream.linear.scatter [tilespmem:s12], [sflag:$0x5], $0xC80, $0x38;
	[tilespmem:$0x1F400] =	vst v63  }
0xb2: {  	_ =	swait.ge @!p0 [sflag:s10], $0xC80  }
0xb3: {  	[sflag:s10] =	ssyncset.done @!p0 $0x0  }
0xb4: {  	[sflag:s10] =	ssyncadd.s32 @!p0 $0xFFFFF380  }
0xb5: {  	_ =	swait.ge @!p0 [sflag:s10], $0xC80  }
0xb6: {  	[sflag:s10] =	ssyncset.done @!p0 $0x0  }
0xb7: {  	[sflag:s10] =	ssyncadd.s32 @!p0 $0xFFFFF380  }
0xb8: {  	_ =	swait.ge @!p0 [sflag:s10], $0xC80  }
0xb9: {  	[sflag:s10] =	ssyncset.done @!p0 $0x0  }
0xba: {  	[sflag:s10] =	ssyncadd.s32 @!p0 $0xFFFFF380  }
0xbb: {  	_ =	swait.ge @!p0 [sflag:s10], $0xC80  }
0xbc: {  	[sflag:s10] =	ssyncset.done @!p0 $0x0  }
0xbd: {  	[sflag:s10] =	ssyncadd.s32 @!p0 $0xFFFFF380  }
0xbe: {  	_ =	swait.ge @!p0 [sflag:s10], $0xC80  }
0xbf: {  	[sflag:s10] =	ssyncset.done @!p0 $0x0  }
0xc0: {  	[sflag:s10] =	ssyncadd.s32 @!p0 $0xFFFFF380  }
0xc1: {  	_ =	swait.ge @!p0 [sflag:s10], $0xC80  }
0xc2: {  	[sflag:s10] =	ssyncset.done @!p0 $0x0  }
0xc3: {  	[sflag:s10] =	ssyncadd.s32 @!p0 $0xFFFFF380  }
0xc4: {  	_ =	swait.ge @!p0 [sflag:s10], $0xC80  }
0xc5: {  	[sflag:s10] =	ssyncset.done @!p0 $0x0  }
0xc6: {  	[sflag:s10] =	ssyncadd.s32 @!p0 $0xFFFFF380  }
0xc7: {  	_ =	swait.ge @!p0 [sflag:s10], $0xC80  }
0xc8: {  	s11 =	simm.s32 @!p0 $0x190;
	[sflag:s10] =	ssyncset.done @!p0 $0x0  }
0xc9: {  	s12 =	simm.s32 @!p0 $0x19000;
	[sflag:s10] =	ssyncadd.s32 @!p0 $0xFFFFF380;
	s10 =	sadd.s32 @!p0 $0xFFFFFB50, s7  }
0xca: {  	[tilespmem:s12], [sflag:$0x4] =	stream.indirect.gather @!p0 [hbm4b:s29+s11], $0x40, s10, s11, $0xb8;
	[tilespmem:$0x1F400] =	vst v63  }
0xcb: {  	_ =	swait.ge [sflag:s3], $0x6400  }
0xcc: {  	[sflag:s3] =	ssyncset.done $0x0  }
0xcd: {  	s11 =	sadd.s32 $0xC80, s9;
	s12 =	simm.s32 $0xC800;
	[sflag:s3] =	ssyncadd.s32 $0xFFFF9C00  }
0xce: {  	[hbm4b:s11+s1] =	stream.linear.scatter [tilespmem:s12], [sflag:$0x6], $0xC80, $0x38;
	[tilespmem:$0x1F400] =	vst v63  }
0xcf: {  	s11 =	sadd.s32 s8, s16;
	s12 =	simm.s32 $0xD480  }
0xd0: {  	[hbm4b:s11+s1] =	stream.linear.scatter [tilespmem:s12], [sflag:$0x6], $0xC80, $0x38;
	[tilespmem:$0x1F400] =	vst v63  }
0xd1: {  	s11 =	sadd.s32 s8, s15;
	s12 =	simm.s32 $0xE100  }
0xd2: {  	[hbm4b:s11+s1] =	stream.linear.scatter [tilespmem:s12], [sflag:$0x6], $0xC80, $0x38;
	[tilespmem:$0x1F400] =	vst v63  }
0xd3: {  	s11 =	sadd.s32 s8, s14;
	s12 =	simm.s32 $0xED80  }
0xd4: {  	[hbm4b:s11+s1] =	stream.linear.scatter [tilespmem:s12], [sflag:$0x6], $0xC80, $0x38;
	[tilespmem:$0x1F400] =	vst v63  }
0xd5: {  	s11 =	sadd.s32 s8, s13;
	s12 =	simm.s32 $0xFA00  }
0xd6: {  	[hbm4b:s11+s1] =	stream.linear.scatter [tilespmem:s12], [sflag:$0x6], $0xC80, $0x38;
	[tilespmem:$0x1F400] =	vst v63  }
0xd7: {  	s11 =	rddreg [dreg:$0xd]  }
0xd8: {  	s12 =	simm.s32 $0x10680;
	s10 =	sadd.s32 s8, s11;
	s11 =	rddreg [dreg:$0xc]  }
0xd9: {  	[hbm4b:s10+s1] =	stream.linear.scatter [tilespmem:s12], [sflag:$0x6], $0xC80, $0x38;
	[tilespmem:$0x1F400] =	vst v63  }
0xda: {  	s10 =	sadd.s32 s8, s11;
	s12 =	simm.s32 $0x11300;
	s11 =	rddreg [dreg:$0xb]  }
0xdb: {  	[hbm4b:s10+s1] =	stream.linear.scatter [tilespmem:s12], [sflag:$0x6], $0xC80, $0x38;
	[tilespmem:$0x1F400] =	vst v63  }
0xdc: {  	p0 =	seq.s32 s8, $0x2EE00;
	s10 =	sadd.s32 s8, s11;
	s12 =	simm.s32 $0x11F80  }
0xdd: {  	[hbm4b:s10+s1] =	stream.linear.scatter [tilespmem:s12], [sflag:$0x6], $0xC80, $0x38;
	[tilespmem:$0x1F400] =	vst v63  }
0xde: {  	s10 =	simm.s32 @!p0 $0x5  }
0xdf: {  	_ =	swait.ge @!p0 [sflag:s10], $0xC80  }
0xe0: {  	[sflag:s10] =	ssyncset.done @!p0 $0x0  }
0xe1: {  	[sflag:s10] =	ssyncadd.s32 @!p0 $0xFFFFF380  }
0xe2: {  	_ =	swait.ge @!p0 [sflag:s10], $0xC80  }
0xe3: {  	[sflag:s10] =	ssyncset.done @!p0 $0x0  }
0xe4: {  	[sflag:s10] =	ssyncadd.s32 @!p0 $0xFFFFF380  }
0xe5: {  	_ =	swait.ge @!p0 [sflag:s10], $0xC80  }
0xe6: {  	[sflag:s10] =	ssyncset.done @!p0 $0x0  }
0xe7: {  	[sflag:s10] =	ssyncadd.s32 @!p0 $0xFFFFF380  }
0xe8: {  	_ =	swait.ge @!p0 [sflag:s10], $0xC80  }
0xe9: {  	[sflag:s10] =	ssyncset.done @!p0 $0x0  }
0xea: {  	[sflag:s10] =	ssyncadd.s32 @!p0 $0xFFFFF380  }
0xeb: {  	_ =	swait.ge @!p0 [sflag:s10], $0xC80  }
0xec: {  	[sflag:s10] =	ssyncset.done @!p0 $0x0  }
0xed: {  	[sflag:s10] =	ssyncadd.s32 @!p0 $0xFFFFF380  }
0xee: {  	_ =	swait.ge @!p0 [sflag:s10], $0xC80  }
0xef: {  	[sflag:s10] =	ssyncset.done @!p0 $0x0  }
0xf0: {  	[sflag:s10] =	ssyncadd.s32 @!p0 $0xFFFFF380  }
0xf1: {  	_ =	swait.ge @!p0 [sflag:s10], $0xC80  }
0xf2: {  	[sflag:s10] =	ssyncset.done @!p0 $0x0  }
0xf3: {  	[sflag:s10] =	ssyncadd.s32 @!p0 $0xFFFFF380  }
0xf4: {  	_ =	swait.ge @!p0 [sflag:s10], $0xC80  }
0xf5: {  	s11 =	simm.s32 @!p0 $0x190;
	[sflag:s10] =	ssyncset.done @!p0 $0x0  }
0xf6: {  	s12 =	simm.s32 @!p0 $0x6400;
	[sflag:s10] =	ssyncadd.s32 @!p0 $0xFFFFF380;
	s10 =	sadd.s32 @!p0 $0xFFFFFCE0, s7  }
0xf7: {  	[tilespmem:s12], [sflag:$0x1] =	stream.indirect.gather @!p0 [hbm4b:s29+s11], $0x40, s10, s11, $0xb8;
	[tilespmem:$0x1F400] =	vst v63  }
0xf8: {  	_ =	swait.ge [sflag:s4], $0x6400  }
0xf9: {  	[sflag:s4] =	ssyncset.done $0x0  }
0xfa: {  	s12 =	sadd.s32 $0x1900, s9;
	[sflag:s4] =	ssyncadd.s32 $0xFFFF9C00  }
0xfb: {  	[hbm4b:s12+s1] =	stream.linear.scatter [tilespmem:s0], [sflag:$0x7], $0xC80, $0x38;
	[tilespmem:$0x1F400] =	vst v63  }
0xfc: {  	s12 =	rddreg [dreg:$0x9]  }
0xfd: {  	s10 =	sadd.s32 s8, s12;
	s12 =	simm.s32 $0x13880  }
0xfe: {  	[hbm4b:s10+s1] =	stream.linear.scatter [tilespmem:s12], [sflag:$0x7], $0xC80, $0x38;
	[tilespmem:$0x1F400] =	vst v63  }
0xff: {  	s12 =	rddreg [dreg:$0x8]  }
0x100: {  	s10 =	sadd.s32 s8, s12;
	s12 =	simm.s32 $0x14500  }
0x101: {  	[hbm4b:s10+s1] =	stream.linear.scatter [tilespmem:s12], [sflag:$0x7], $0xC80, $0x38;
	[tilespmem:$0x1F400] =	vst v63  }
0x102: {  	s12 =	rddreg [dreg:$0x7]  }
0x103: {  	s10 =	sadd.s32 s8, s12;
	s12 =	simm.s32 $0x15180  }
0x104: {  	[hbm4b:s10+s1] =	stream.linear.scatter [tilespmem:s12], [sflag:$0x7], $0xC80, $0x38;
	[tilespmem:$0x1F400] =	vst v63  }
0x105: {  	s12 =	rddreg [dreg:$0x6]  }
0x106: {  	s10 =	sadd.s32 s8, s12;
	s12 =	simm.s32 $0x15E00  }
0x107: {  	[hbm4b:s10+s1] =	stream.linear.scatter [tilespmem:s12], [sflag:$0x7], $0xC80, $0x38;
	[tilespmem:$0x1F400] =	vst v63  }
0x108: {  	s12 =	rddreg [dreg:$0x5]  }
0x109: {  	s10 =	sadd.s32 s8, s12;
	s12 =	simm.s32 $0x16A80  }
0x10a: {  	[hbm4b:s10+s1] =	stream.linear.scatter [tilespmem:s12], [sflag:$0x7], $0xC80, $0x38;
	[tilespmem:$0x1F400] =	vst v63  }
0x10b: {  	s12 =	rddreg [dreg:$0x4]  }
0x10c: {  	s10 =	sadd.s32 s8, s12;
	s12 =	simm.s32 $0x17700  }
0x10d: {  	[hbm4b:s10+s1] =	stream.linear.scatter [tilespmem:s12], [sflag:$0x7], $0xC80, $0x38;
	[tilespmem:$0x1F400] =	vst v63  }
0x10e: {  	s12 =	rddreg [dreg:$0x3]  }
0x10f: {  	s10 =	sadd.s32 s8, s12;
	s12 =	simm.s32 $0x18380  }
0x110: {  	[hbm4b:s10+s1] =	stream.linear.scatter [tilespmem:s12], [sflag:$0x7], $0xC80, $0x38;
	[tilespmem:$0x1F400] =	vst v63  }
0x111: {  	s10 =	simm.s32 @!p0 $0x6  }
0x112: {  	_ =	swait.ge @!p0 [sflag:s10], $0xC80  }
0x113: {  	[sflag:s10] =	ssyncset.done @!p0 $0x0  }
0x114: {  	[sflag:s10] =	ssyncadd.s32 @!p0 $0xFFFFF380  }
0x115: {  	_ =	swait.ge @!p0 [sflag:s10], $0xC80  }
0x116: {  	[sflag:s10] =	ssyncset.done @!p0 $0x0  }
0x117: {  	[sflag:s10] =	ssyncadd.s32 @!p0 $0xFFFFF380  }
0x118: {  	_ =	swait.ge @!p0 [sflag:s10], $0xC80  }
0x119: {  	[sflag:s10] =	ssyncset.done @!p0 $0x0  }
0x11a: {  	[sflag:s10] =	ssyncadd.s32 @!p0 $0xFFFFF380  }
0x11b: {  	_ =	swait.ge @!p0 [sflag:s10], $0xC80  }
0x11c: {  	[sflag:s10] =	ssyncset.done @!p0 $0x0  }
0x11d: {  	[sflag:s10] =	ssyncadd.s32 @!p0 $0xFFFFF380  }
0x11e: {  	_ =	swait.ge @!p0 [sflag:s10], $0xC80  }
0x11f: {  	[sflag:s10] =	ssyncset.done @!p0 $0x0  }
0x120: {  	[sflag:s10] =	ssyncadd.s32 @!p0 $0xFFFFF380  }
0x121: {  	_ =	swait.ge @!p0 [sflag:s10], $0xC80  }
0x122: {  	[sflag:s10] =	ssyncset.done @!p0 $0x0  }
0x123: {  	[sflag:s10] =	ssyncadd.s32 @!p0 $0xFFFFF380  }
0x124: {  	_ =	swait.ge @!p0 [sflag:s10], $0xC80  }
0x125: {  	[sflag:s10] =	ssyncset.done @!p0 $0x0  }
0x126: {  	[sflag:s10] =	ssyncadd.s32 @!p0 $0xFFFFF380  }
0x127: {  	_ =	swait.ge @!p0 [sflag:s10], $0xC80  }
0x128: {  	[sflag:s10] =	ssyncset.done @!p0 $0x0  }
0x129: {  	s12 =	simm.s32 @!p0 $0xC800;
	[sflag:s10] =	ssyncadd.s32 @!p0 $0xFFFFF380;
	s10 =	sadd.s32 @!p0 $0xFFFFFE70, s7  }
0x12a: {  	[tilespmem:s12], [sflag:$0x2] =	stream.indirect.gather @!p0 [hbm4b:s29+s11], $0x40, s10, s11, $0xb8;
	[tilespmem:$0x1F400] =	vst v63  }
0x12b: {  	_ =	swait.ge [sflag:s5], $0x6400  }
0x12c: {  	[sflag:s5] =	ssyncset.done $0x0  }
0x12d: {  	s9 =	sadd.s32 $0x2580, s9;
	s12 =	simm.s32 $0x19000;
	[sflag:s5] =	ssyncadd.s32 $0xFFFF9C00  }
0x12e: {  	[hbm4b:s9+s1] =	stream.linear.scatter [tilespmem:s12], [sflag:$0x8], $0xC80, $0x38;
	[tilespmem:$0x1F400] =	vst v63  }
0x12f: {  	s11 =	sadd.s32 s8, s31;
	s12 =	simm.s32 $0x19C80  }
0x130: {  	[hbm4b:s11+s1] =	stream.linear.scatter [tilespmem:s12], [sflag:$0x8], $0xC80, $0x38;
	[tilespmem:$0x1F400] =	vst v63  }
0x131: {  	s11 =	sadd.s32 s8, s30;
	s12 =	simm.s32 $0x1A900  }
0x132: {  	[hbm4b:s11+s1] =	stream.linear.scatter [tilespmem:s12], [sflag:$0x8], $0xC80, $0x38;
	[tilespmem:$0x1F400] =	vst v63  }
0x133: {  	s11 =	sadd.s32 s8, s28;
	s12 =	simm.s32 $0x1B580  }
0x134: {  	[hbm4b:s11+s1] =	stream.linear.scatter [tilespmem:s12], [sflag:$0x8], $0xC80, $0x38;
	[tilespmem:$0x1F400] =	vst v63  }
0x135: {  	s11 =	sadd.s32 s8, s26;
	s12 =	simm.s32 $0x1C200  }
0x136: {  	[hbm4b:s11+s1] =	stream.linear.scatter [tilespmem:s12], [sflag:$0x8], $0xC80, $0x38;
	[tilespmem:$0x1F400] =	vst v63  }
0x137: {  	s11 =	sadd.s32 s8, s25;
	s12 =	simm.s32 $0x1CE80  }
0x138: {  	[hbm4b:s11+s1] =	stream.linear.scatter [tilespmem:s12], [sflag:$0x8], $0xC80, $0x38;
	[tilespmem:$0x1F400] =	vst v63  }
.Ltmp2:
0x139: {  	_ = 	snop;
	(pc) =	sbr.rel @p0 .LBB2_4-.Ltmp2, $4  }
0x13a: {  	s11 =	sadd.s32 s8, s24;
	s12 =	simm.s32 $0x1DB00  }
0x13b: {  	[hbm4b:s11+s1] =	stream.linear.scatter [tilespmem:s12], [sflag:$0x8], $0xC80, $0x38;
	[tilespmem:$0x1F400] =	vst v63  }
0x13c: {  	s11 =	sadd.s32 s8, s23;
	s12 =	simm.s32 $0x1E780  }
0x13d: {  	[hbm4b:s11+s1] =	stream.linear.scatter [tilespmem:s12], [sflag:$0x8], $0xC80, $0x38;
	[tilespmem:$0x1F400] =	vst v63  }
0x13e: {  	_ =	swait.ge [sflag:s6], $0xC80  }
0x13f: {  	[sflag:s6] =	ssyncset.done $0x0  }
0x140: {  	[sflag:s6] =	ssyncadd.s32 $0xFFFFF380  }
0x141: {  	_ =	swait.ge [sflag:s6], $0xC80  }
0x142: {  	[sflag:s6] =	ssyncset.done $0x0  }
0x143: {  	[sflag:s6] =	ssyncadd.s32 $0xFFFFF380  }
0x144: {  	_ =	swait.ge [sflag:s6], $0xC80  }
0x145: {  	[sflag:s6] =	ssyncset.done $0x0  }
0x146: {  	[sflag:s6] =	ssyncadd.s32 $0xFFFFF380  }
0x147: {  	_ =	swait.ge [sflag:s6], $0xC80  }
0x148: {  	[sflag:s6] =	ssyncset.done $0x0  }
0x149: {  	[sflag:s6] =	ssyncadd.s32 $0xFFFFF380  }
0x14a: {  	_ =	swait.ge [sflag:s6], $0xC80  }
0x14b: {  	[sflag:s6] =	ssyncset.done $0x0  }
0x14c: {  	[sflag:s6] =	ssyncadd.s32 $0xFFFFF380  }
0x14d: {  	_ =	swait.ge [sflag:s6], $0xC80  }
0x14e: {  	[sflag:s6] =	ssyncset.done $0x0  }
0x14f: {  	[sflag:s6] =	ssyncadd.s32 $0xFFFFF380  }
0x150: {  	_ =	swait.ge [sflag:s6], $0xC80  }
0x151: {  	[sflag:s6] =	ssyncset.done $0x0  }
0x152: {  	[sflag:s6] =	ssyncadd.s32 $0xFFFFF380  }
.Ltmp3:
0x153: {  	_ =	swait.ge [sflag:s6], $0xC80;
	(pc) =	sbr.rel .LBB2_2-.Ltmp3, $4  }
0x154: {  	[sflag:s6] =	ssyncset.done $0x0  }
0x155: {  	s9 =	simm.s32 $0x190;
	[sflag:s6] =	ssyncadd.s32 $0xFFFFF380  }
0x156: {  	[tilespmem:s0], [sflag:$0x3] =	stream.indirect.gather [hbm4b:s29+s9], $0x40, s7, s9, $0xb8;
	[tilespmem:$0x1F400] =	vst v63  }
0x157: {  	s8 =	sadd.s32 $0x3200, s8;
	s7 =	sadd.s32 $0x640, s7  }
.LBB2_5:
0x158: {  	_ =	sfence.sel $0x180000  }
0x159: {  	[bflag:$0x0] =	sbarrier.arrive $0xFFFF  }
0x15a: {  	_ =	strace $0x90000047  }
0x15b: {  	s0 =	stileid.u32;
	[bflag:$0x2] =	sbarrier.arrive $0xFFFF  }
0x15c: {  	p0 =	sne.s32 s0, $0x0;
	s0 =	rddreg [dreg:$0x2]  }
0x15d: {  	s0 =	sadd.s32 @!p0 $0x100000, s0  }
0x15e: {  	[sflag:s0] =	ssyncadd.tile.s32 @!p0 $0x1;
	_ =	shalt  }
.Lfunc_end2:
_tile_overlayer_lowered:
.L_overlay_start_2:
0x15f: {  	(tag) =	ssettag $0x2  }
0x160: {  	s0 =	rddreg [dreg:$0x0];
	s2 =	stileid.u32  }
0x161: {  	s1 =	rddreg [dreg:$0x1];
	p0 =	sne.s32 s2, $0x0  }
0x162: {  	s3 =	rddreg [dreg:$0x2];
	[bflag:$0x3] =	sbarrier.arrive $0xFFFF;
	s2 =	simm.s32 @!p0 $0x1C09  }
0x163: {  	[timem:s3], [sflag:s2] =	dma.local @!p0 [hbm:s0], s1  }
0x164: {  	s0 =	simm.s32 @!p0 $0x9  }
0x165: {  	_ =	swait.ge @!p0 [sflag:s0], s1  }
0x166: {  	s1 =	ssub.s32 @!p0 $0x0, s1;
	[sflag:s0] =	ssyncset.done @!p0 $0x0  }
0x167: {  	[sflag:s0] =	ssyncadd.s32 @!p0 s1  }
0x168: {  	[bflag:$0x3] =	sbarrier.arrive $0xFFFF  }
0x169: {  	_ =	shalt  }

// kernel: sparse-core-data-format-call.cloned.1.call-start
scs
called_computation_lowered:
.L_overlay_start_0:
0x0: {  	s2 =	sld [smem:$0x3FD9]  }
0x1: {  	s3 =	sld [smem:$0x3FFE];
	_ =	sdelay $0x1  }
0x2: {  	s1 =	srdreg.scid  }
0x3: {  	s0 =	sand.u32 $0x1, s1  }
0x4: {  	s18 =	sshll.u32 s0, $0xA;
	s2 =	sadd.s32 s3, s2  }
0x5: {  	s2 =	sadd.s32 s2, s18  }
0x6: {  	[smem:$0x3FC6] =	sst s2  }
0x7: {  	_ = 	snop  }
0x8: {  	s2 =	sld [smem:$0x3FD0];
	(tm) =	ssettm $0x1  }
0x9: {  	s19 =	sld [smem:$0x3FFB];
	_ =	sdelay $0x3  }
0xa: {  	_ =	strace s19  }
0xb: {  	s3 =	sld [smem:$0x3FFC];
	_ =	sdelay $0x3  }
0xc: {  	_ =	strace s3  }
0xd: {  	s3 =	sld [smem:$0x3FFD];
	_ =	sdelay $0x3  }
0xe: {  	_ =	strace s3  }
0xf: {  	_ =	strace $0x8FFFFFFF  }
0x10: {  	s20 =	sld [smem:$0x3FDB];
	_ =	sdelay $0x1  }
0x11: {  	s4 =	simm.s32 $_scs_section_size  }
0x12: {  	s5 =	simm.s32 $_size__tile_overlayer_lowered;
	s6 =	simm.s32 $_tile_overlayer_lowered  }
0x13: {  	s23 =	simm.s32 $0x1BFF;
	s22 =	sshll.u32 s6, $0x1;
	s3 =	sadd.s32 s4, s20  }
0x14: {  	s7 =	simm.s32 $0x0;
	s21 =	sshll.u32 s5, $0x1;
	s5 =	sadd.s32 s22, s3  }
0x15: {  	[timem:s7], [sflag:s23] =	dma.local [hbm:s5], s21  }
0x16: {  	_ =	swait.ge [sflag:s23], s21  }
0x17: {  	s4 =	ssub.s32 $0x0, s21;
	[sflag:s23] =	ssyncset.done $0x0  }
0x18: {  	[sflag:s23] =	ssyncadd.s32 s4;
	_ =	sdelay $0x1  }
0x19: {  	s24 =	simm.s32 $0x1B8B  }
0x1a: {  	_ =	swait.ge [sflag:s24], $0x1  }
0x1b: {  	[sflag:s24] =	ssyncset.done $0x0  }
0x1c: {  	s26 =	simm.s32 $0x1B8E;
	s25 =	sld [smem:$0x3FFE];
	[sflag:s24] =	ssyncadd.s32 $0xFFFFFFFF  }
0x1d: {  	s27 =	simm.s32 $execute0_lowered;
	[smem:$0x3FD2] =	sst s26  }
0x1e: {  	s5 =	sshll.u32 s27, $0x1;
	_ =	strace $0x80000049;
	[dreg:$0x1] =	wrdreg $0xFFFFFFFF  }
0x1f: {  	s28 =	simm.s32 $_size_execute0_lowered;
	s3 =	sadd.s32 s3, s5;
	[dreg:$0x0] =	wrdreg $0x0  }
0x20: {  	s5 =	sshll.u32 s28, $0x1;
	[dreg:$0x2] =	wrdreg s3  }
0x21: {  	[dreg:$0x3] =	wrdreg s5  }
0x22: {  	[dreg:$0x4] =	wrdreg $0xC0  }
0x23: {  	_ =	task [dreg:s7], $0x5FFFF  }
0x24: {  	[dreg:$0x1] =	wrdreg $0xFFFFFFFF  }
0x25: {  	[dreg:$0x0] =	wrdreg $0x60  }
0x26: {  	[dreg:$0x2] =	wrdreg s25  }
0x27: {  	[dreg:$0x3] =	wrdreg s2  }
0x28: {  	[dreg:$0x4] =	wrdreg $0x9  }
0x29: {  	_ =	task.clear_ibuf [dreg:s7], $0x5FFFF;
	_ =	strace $0x90000049  }
0x2a: {  	s29 =	simm.s32 $0x9;
	_ =	strace $0x8000004B  }
0x2b: {  	_ =	swait.ge [sflag:s29], $0x1  }
0x2c: {  	[sflag:s29] =	ssyncadd.s32 $0xFFFFFFFF  }
0x2d: {  	_ =	strace $0x9000004B  }
0x2e: {  	_ =	sfence  }
0x2f: {  	s30 =	sld [smem:$0x0];
	_ =	sdelay $0x2  }
0x30: {  	s31 =	sshll.u32 s1, $0xD;
	s1 =	sshrl.u32 s1, $0x2  }
0x31: {  	s3 =	sand.u32 $0x4000, s31;
	s1 =	sadd.s32 s1, s30  }
0x32: {  	s0 =	sor.u32 s3, s0;
	s1 =	sshll.u32 s1, $0x11  }
0x33: {  	s0 =	sor.u32 s1, s0  }
0x34: {  	s0 =	sadd.s32 $0x8F2B, s0  }
0x35: {  	[sflag:s0] =	ssyncadd.remote.s32 $0x1  }
0x36: {  	_ =	sfence.sel $0xFFFF  }
0x37: {  	[dreg:$0x0] =	wrdreg $0xFFFFFFFF;
	(pc) =	sbr.abs _section_cstart, $3  }
0x38: {  	[dreg:$0x1] =	wrdreg $0xFFFFFFFF  }
0x39: {  	_ =	task.clear_ibuf [dreg:s7], $0x2FFFF;
	_ =	strace $0x9FFFFFFF  }
0x3a: {  	(tm) =	ssettm $0x7FFFFFFF  }
0x3b: {  	_ =	shalt  }
tec
execute0_lowered:
.L_overlay_start_1:
0x0: {  	(tag) =	ssettag $0x1  }
0x1: {  	s0 =	srdreg.scid  }
0x2: {  	s1 =	sshll.u32 s0, $0x4  }
0x3: {  	s0 =	stileid.u32;
	s1 =	sand.u32 $0x10, s1  }
0x4: {  	s1 =	sor.u32 s0, s1  }
0x5: {  	s6 =	rddreg [dreg:$0x0];
	s4 =	simm.s32 $0x1;
	s2 =	sshll.u32 s1, $0x7  }
0x6: {  	s7 =	simm.s32 $0x2;
	s12 =	simm.s32 $0x0;
	s1 =	ssub.s32 $0x4000, s2  }
0x7: {  	s8 =	simm.s32 $0x20000;
	s13 =	simm.s32 $0x0;
	s3 =	sand.u32 $0xF80, s1  }
0x8: {  	s9 =	simm.s32 $0x0;
	s5 =	sshrl.u32 s1, $0xC;
	p0 =	sne.s32 s3, $0x0  }
.Ltmp0:
0x9: {  	s1 =	rddreg [dreg:$0x2];
	s4 =	simm.s32 @!p0 $0x0;
	(pc) =	sbr.rel .LBB1_1-.Ltmp0, $4  }
0xa: {  	s11 =	simm.s32 $0x0;
	s3 =	rddreg [dreg:$0x1];
	s5 =	sadd.s32 s4, s5  }
0xb: {  	_ =	strace $0x8000004A;
	s4 =	simm.s32 $0x1;
	s5 =	smul.u32 $0x32, s5  }
0xc: {  	s6 =	sadd.s32 $0xA00, s6;
	s10 =	smov.u32 s2;
	[sflag:s4] =	ssyncpa.u1 $0x0  }
0xd: {  	p0 =	por $0x0, $0x0;
	[sflag:s7] =	ssyncpa.u1 $0x0;
	s7 =	sor.u32 $0x1, s5  }
.LBB1_4:
0xe: {  	s16 =	sshll.u32 s13, $0x3;
	s17 =	sand.u32 $0x78, s13  }
0xf: {  	s30 =	sand.u32 $0x1F800, s13;
	s12 =	sshll.u32 s12, $0x11;
	s16 =	sand.u32 $0x3C00, s16  }
0x10: {  	[tilespmem:s15+$0x810 ss:$0x81] =	vst.msk $0xffff, v2;
	s31 =	sand.u32 $0x7, s13;
	s16 =	sor.u32 s17, s16;
	s17 =	sadd.s32 s3, s30  }
0x11: {  	[tilespmem:s15+$0x1020 ss:$0x81] =	vst.msk $0xffff, v0;
	s13 =	sshll.u32 s31, $0x12;
	s12 =	sadd.s32 s12, s17;
	s16 =	sshrl.u32 s16, $0x3  }
0x12: {  	[tilespmem:s15+$0x0 ss:$0x81] =	vst.msk $0xffff, v1;
	s13 =	sor.u32 $0x400, s13;
	s12 =	sadd.s32 s16, s12  }
0x13: {  	[hbm4b:s12+s13] =	stream.strided.scatter [tilespmem:s14], [sflag:$0x2], $0x2000, s8, s13, $0x20;
	[tilespmem:$0x8080] =	vst v63  }
.LBB1_5:
0x14: {  	s14 =	sadd.s32 $0x1, s9  }
0x15: {  	s12 =	sadd.s32 $0x1000, s10;
	s16 =	smov.u32 s10;
	p2 =	sgt.s32 s14, $0x31  }
0x16: {  	s16 =	smov.u32 @p2 s12  }
0x17: {  	s14 =	simm.s32 @p2 $0x0;
	p2 =	sgt.s32 s16, $0x3FFF  }
0x18: {  	s16 =	smov.u32 @p2 s2;
	p2 =	sne.s32 s11, s7  }
.Ltmp1:
0x19: {  	p1 =	slt.u32 s11, $0x2;
	(pc) =	sbr.rel @!p2 .LBB1_6-.Ltmp1, $4  }
0x1a: {  	s15 =	simm.s32 @!p1 $0x2  }
0x1b: {  	s13 =	smov.u32 s10;
	p0 =	por !p0, !p0;
	_ =	swait.ge @!p1 [sflag:s15], $0x2000  }
0x1c: {  	s12 =	smov.u32 s9;
	[sflag:s15] =	ssyncset.done @!p1 $0x0;
	s9 =	smov.u32 s14  }
0x1d: {  	s11 =	sadd.s32 $0x1, s11;
	[sflag:s15] =	ssyncadd.s32 @!p1 $0xFFFFE000;
	s10 =	smov.u32 s16  }
.LBB1_1:
0x1e: {  	p1 =	sge.u32 s11, s5  }
0x1f: {  	s14 =	sand.u32 @!p1 $0x1FFFFFF, s9  }
0x20: {  	s15 =	smulhi.u32 @!p1 $0x4924925, s14;
	_ =	sdelay $0x1  }
0x21: {  	s15 =	smul.u32 @!p1 $0x38, s15  }
0x22: {  	s16 =	sxor.u32 @!p1 $0xFFFFFFFF, s11;
	s17 =	smul.u32 @!p1 $0x380, s10  }
0x23: {  	s31 =	sadd.s32 $0xFFFFFFFF, s11;
	s16 =	sshll.u32 @!p1 s16, $0xD;
	s14 =	ssub.s32 @!p1 s14, s15  }
0x24: {  	s15 =	sand.u32 @!p1 $0x2000, s16;
	s16 =	sadd.s32 @!p1 s6, s17;
	s14 =	sshll.u32 @!p1 s14, $0x4  }
0x25: {  	s17 =	simm.s32 @!p1 $0x1C00;
	s14 =	sadd.s32 @!p1 s14, s16;
	s16 =	simm.s32 @!p1 $0x40  }
0x26: {  	[tilespmem:s15], [sflag:$0x1] =	stream.strided.gather @!p1 [hbm4b:s14+s16], $0x2000, s17, s16, $0x38;
	[tilespmem:$0x8080] =	vst v63  }
0x27: {  	p1 =	sge.u32 s31, s5  }
.Ltmp2:
0x28: {  	_ = 	snop;
	(pc) =	sbr.rel @p1 .LBB1_5-.Ltmp2, $1  }
0x29: {  	_ =	sdelay $0x3  }
0x2a: {  	s14 =	simm.s32 $0x1  }
0x2b: {  	_ =	swait.ge [sflag:s4], $0x2000;
	s14 =	simm.s32 @!p0 $0x0  }
0x2c: {  	[sflag:s4] =	ssyncset.done $0x0;
	s15 =	sshll.u32 s14, $0xD  }
0x2d: {  	[sflag:s4] =	ssyncadd.s32 $0xFFFFE000;
	s18 =	sor.u32 $0x20, s15  }
0x2e: {  	s14 =	smul.u32 $0x8100, s14;
	v3 =	vld [tilespmem:s18+$0x10]  }
0x2f: {  	s30 =	sand.u32 $0x1, s11;
	v2 =	vld [tilespmem:s18+$0xFFFFFFF0]  }
0x30: {  	s15 =	smul.u32 $0x8100, s30;
	s14 =	sshrl.u32 s14, $0x2;
	v0 =	vld [tilespmem:s18+$0x0]  }
0x31: {  	v1 =	vld [tilespmem:s18+$0xFFFFFFE0];
	s16 =	sor.u32 $0x4000, s14  }
0x32: {  	s31 =	sshrl.u32 s15, $0x2;
	s15 =	sadd.s32 $0x0, s16  }
0x33: {  	s17 =	simm.s32 $0x4;
	s18 =	sadd.s32 $0x40, s18;
	s14 =	sor.u32 $0x4000, s31;
	[tilespmem:s15+$0x1830 ss:$0x81] =	vst.msk $0xffff, v3  }
.LBB1_3:
0x34: {  	v3 =	vld [tilespmem:s18+$0x10];
	p1 =	sne.s32 s17, $0x1FC;
	[tilespmem:s15+$0x810 ss:$0x81] =	vst.msk $0xffff, v2;
	s19 =	smov.u32 s17;
	s17 =	sadd.s32 $0x4, s17  }
.Ltmp3:
0x35: {  	v2 =	vld [tilespmem:s18+$0xFFFFFFF0];
	[tilespmem:s15+$0x1020 ss:$0x81] =	vst.msk $0xffff, v0;
	(pc) =	sbr.rel @p1 .LBB1_3-.Ltmp3, $4  }
0x36: {  	v0 =	vld [tilespmem:s18+$0x0];
	[tilespmem:s15+$0x0 ss:$0x81] =	vst.msk $0xffff, v1  }
0x37: {  	s15 =	sshra.s32 s19, $0x2;
	v1 =	vld [tilespmem:s18+$0xFFFFFFE0]  }
0x38: {  	s15 =	sadd.s32 s15, s16  }
0x39: {  	s18 =	sadd.s32 $0x40, s18;
	[tilespmem:s15+$0x1830 ss:$0x81] =	vst.msk $0xffff, v3  }
.Ltmp4:
0x3a: {  	_ = 	snop;
	(pc) =	sbr.rel .LBB1_4-.Ltmp4, $1  }
0x3b: {  	_ =	sdelay $0x3  }
.LBB1_6:
0x3c: {  	_ =	sfence.sel $0x180000  }
0x3d: {  	s2 =	simm.s32 $0x1;
	[bflag:$0x0] =	sbarrier.arrive $0xFFFF  }
0x3e: {  	s31 =	simm.s32 $0x2;
	[sflag:s2] =	ssyncpa.u1 $0x1  }
0x3f: {  	[sflag:s31] =	ssyncpa.u1 $0x1  }
0x40: {  	p0 =	sne.s32 s0, $0x0;
	_ =	strace $0x9000004A  }
0x41: {  	s0 =	sadd.s32 @!p0 $0x100000, s1;
	[bflag:$0x2] =	sbarrier.arrive $0xFFFF  }
0x42: {  	[sflag:s0] =	ssyncadd.tile.s32 @!p0 $0x1;
	_ =	shalt  }
.Lfunc_end1:
_tile_overlayer_lowered:
.L_overlay_start_2:
0x43: {  	(tag) =	ssettag $0x2  }
0x44: {  	s0 =	rddreg [dreg:$0x0];
	s2 =	stileid.u32  }
0x45: {  	s1 =	rddreg [dreg:$0x1];
	p0 =	sne.s32 s2, $0x0  }
0x46: {  	s3 =	rddreg [dreg:$0x2];
	[bflag:$0x3] =	sbarrier.arrive $0xFFFF;
	s2 =	simm.s32 @!p0 $0x1C01  }
0x47: {  	[timem:s3], [sflag:s2] =	dma.local @!p0 [hbm:s0], s1  }
0x48: {  	s0 =	simm.s32 @!p0 $0x1  }
0x49: {  	_ =	swait.ge @!p0 [sflag:s0], s1  }
0x4a: {  	s1 =	ssub.s32 @!p0 $0x0, s1;
	[sflag:s0] =	ssyncset.done @!p0 $0x0  }
0x4b: {  	[sflag:s0] =	ssyncadd.s32 @!p0 s1  }
0x4c: {  	[bflag:$0x3] =	sbarrier.arrive $0xFFFF  }
0x4d: {  	_ =	shalt  }

</sc_bundles>
